<compile_context>
chip_gen: v7x
topology: tpu7x:2x2x1
jax: 0.10.2.dev20260603
libtpu: 0.0.44.dev20260713+nightly
codegen_flags: <defaults>
</compile_context>

<pallas_src>
import functools

import jax
import jax.numpy as jnp
from jax import lax
from jax.experimental import pallas as pl
from jax.experimental.pallas import tpu as pltpu
from jax.experimental.pallas import tpu_sc as plsc

N = 10000
NPAD = 10112
E = 320000
K = 128
NCHUNKP = 2560
EPAD = NCHUNKP * K - E
NCW = NCHUNKP // 32
NSUB = 16
TILE_ROWS = NPAD // NSUB
NROWSTEP = TILE_ROWS // K
TAIL_ROWS = TILE_ROWS - NROWSTEP * K
BM = 1264


def _staged_copy(src_ref, dst_ref, bounce, base):
    def step(j, carry):
        off = pl.multiple_of(base + j * K, 8)
        pltpu.sync_copy(src_ref.at[pl.ds(off, K)], bounce)
        pltpu.sync_copy(bounce, dst_ref.at[pl.ds(off, K)])
        return carry
    lax.fori_loop(0, NROWSTEP, step, 0)
    toff = pl.multiple_of(base + NROWSTEP * K, 8)
    pltpu.sync_copy(src_ref.at[pl.ds(toff, TAIL_ROWS)],
                    bounce.at[pl.ds(0, TAIL_ROWS)])
    pltpu.sync_copy(bounce.at[pl.ds(0, TAIL_ROWS)],
                    dst_ref.at[pl.ds(toff, TAIL_ROWS)])



def _sc_cnt_body(dst_e, zerosw, onesw, cnt0, cnt1, didx, onesv, cntb,
                 ssems, cntacc):
    c = lax.axis_index("c")
    s = lax.axis_index("s")
    wid = s * 2 + c
    base = s * TILE_ROWS
    start = wid * NCW

    pltpu.sync_copy(onesw, onesv)
    _staged_copy(zerosw, cntacc, cntb, base)
    plsc.subcore_barrier()

    def step(j, carry):
        pn = j % 2

        @pl.when(j >= 2)
        def _drain():
            pltpu.make_async_copy(onesw, onesv, ssems.at[pn]).wait()

        @pl.when(j <= NCW - 1)
        def _fire():
            off = pl.multiple_of((start + j) * K, K)
            pltpu.sync_copy(dst_e.at[pl.ds(off, K)], didx.at[pn])
            pltpu.async_copy(onesv, cntacc.at[didx.at[pn]], ssems.at[pn],
                             add=True)

        return carry

    lax.fori_loop(0, NCW + 2, step, 0)
    plsc.subcore_barrier()

    @pl.when(c == 0)
    def _wb0():
        _staged_copy(cntacc, cnt0, cntb, base)

    @pl.when(c == 1)
    def _wb1():
        _staged_copy(cntacc, cnt1, cntb, base)


def _sc_adj_body(z, src_e, dst_e, out0, out1, sidx, didx, gbuf, rows,
                 gsems, ssems, acc):
    c = lax.axis_index("c")
    s = lax.axis_index("s")
    wid = s * 2 + c
    base = s * TILE_ROWS
    start = wid * NCW

    _staged_copy(z, acc, rows, base)
    plsc.subcore_barrier()

    def step(j, carry):
        pn = j % 2
        pc = (j + 1) % 2

        @pl.when(j >= 2)
        def _drain_scatter():
            pltpu.make_async_copy(z.at[pl.ds(0, K)], gbuf.at[pn],
                                  ssems.at[pn]).wait()

        @pl.when(j <= NCW - 1)
        def _fire_gather():
            off = pl.multiple_of((start + j) * K, K)
            pltpu.sync_copy(src_e.at[pl.ds(off, K)], sidx.at[pn])
            pltpu.sync_copy(dst_e.at[pl.ds(off, K)], didx.at[pn])
            pltpu.async_copy(z.at[sidx.at[pn]], gbuf.at[pn], gsems.at[pn])

        @pl.when(j >= 1)
        def _fire_scatter():
            pltpu.make_async_copy(z.at[pl.ds(0, K)], gbuf.at[pc],
                                  gsems.at[pc]).wait()
            pltpu.async_copy(gbuf.at[pc], acc.at[didx.at[pc]],
                             ssems.at[pc], add=True)

        return carry

    lax.fori_loop(0, NCW + 1, step, 0)
    pltpu.make_async_copy(z.at[pl.ds(0, K)], gbuf.at[0], ssems.at[1]).wait()
    plsc.subcore_barrier()

    @pl.when(c == 0)
    def _wb0():
        _staged_copy(acc, out0, rows, base)

    @pl.when(c == 1)
    def _wb1():
        _staged_copy(acc, out1, rows, base)


def _sc_mesh():
    return plsc.VectorSubcoreMesh(
        core_axis_name="c", subcore_axis_name="s", num_cores=2, num_subcores=16
    )


@functools.lru_cache(maxsize=None)
def _make_sc_cnt():
    return pl.kernel(
        _sc_cnt_body,
        out_type=[jax.ShapeDtypeStruct((NPAD, 128), jnp.float32)] * 2,
        mesh=_sc_mesh(),
        scratch_types=[
            pltpu.VMEM((2, K), jnp.int32),
            pltpu.VMEM((K, 128), jnp.float32),
            pltpu.VMEM((K, 128), jnp.float32),
            pltpu.SemaphoreType.DMA((2,)),
            pltpu.VMEM_SHARED((NPAD, 128), jnp.float32),
        ],
    )


@functools.lru_cache(maxsize=None)
def _make_sc_adj():
    return pl.kernel(
        _sc_adj_body,
        out_type=[jax.ShapeDtypeStruct((NPAD, 128), jnp.float32)] * 2,
        mesh=_sc_mesh(),
        scratch_types=[
            pltpu.VMEM((2, K), jnp.int32),
            pltpu.VMEM((2, K), jnp.int32),
            pltpu.VMEM((2, K, 128), jnp.float32),
            pltpu.VMEM((K, 128), jnp.float32),
            pltpu.SemaphoreType.DMA((2,)),
            pltpu.SemaphoreType.DMA((2,)),
            pltpu.VMEM_SHARED((NPAD, 128), jnp.float32),
        ],
    )



def _lin_body(x_ref, w_ref, b_ref, o_ref):
    o_ref[...] = (
        jnp.dot(x_ref[...], w_ref[...], preferred_element_type=jnp.float32)
        + b_ref[...]
    )


def _tc_linear(x, W, b, bm=BM):
    m, d = x.shape
    h = W.shape[1]
    return pl.pallas_call(
        _lin_body,
        grid=(m // bm,),
        in_specs=[
            pl.BlockSpec((bm, d), lambda i: (i, 0)),
            pl.BlockSpec((d, h), lambda i: (0, 0)),
            pl.BlockSpec((1, h), lambda i: (0, 0)),
        ],
        out_specs=pl.BlockSpec((bm, h), lambda i: (i, 0)),
        out_shape=jax.ShapeDtypeStruct((m, h), jnp.float32),
    )(x, W, b.reshape(1, -1))


def _merge_rows(p0_ref, p1_ref, z_ref, c0_ref, c1_ref):
    u = jnp.maximum(p0_ref[...] + p1_ref[...] - z_ref[...], 0.0)
    inv = 1.0 / (1.0 + c0_ref[...][:, 0:1] + c1_ref[...][:, 0:1])
    return u * inv


def _mid_body(p0_ref, p1_ref, z_ref, c0_ref, c1_ref, w_ref, b_ref, o_ref):
    hrows = _merge_rows(p0_ref, p1_ref, z_ref, c0_ref, c1_ref)
    o_ref[...] = (
        jnp.dot(hrows, w_ref[...], preferred_element_type=jnp.float32)
        + b_ref[...]
    )


def _out_body(p0_ref, p1_ref, z_ref, c0_ref, c1_ref, w_ref, b_ref, o_ref):
    hrows = _merge_rows(p0_ref, p1_ref, z_ref, c0_ref, c1_ref)
    t = (
        jnp.dot(hrows, w_ref[...], preferred_element_type=jnp.float32)
        + b_ref[...]
    )
    mx = jnp.max(t, axis=1, keepdims=True)
    lse = jnp.log(jnp.sum(jnp.exp(t - mx), axis=1, keepdims=True)) + mx
    o_ref[...] = t - lse


def _tc_merge_mm(body, p0, p1, z, c0, c1, W, b, bm=BM):
    m, d = z.shape
    h = W.shape[1]
    return pl.pallas_call(
        body,
        grid=(m // bm,),
        in_specs=[
            pl.BlockSpec((bm, d), lambda i: (i, 0)),
            pl.BlockSpec((bm, d), lambda i: (i, 0)),
            pl.BlockSpec((bm, d), lambda i: (i, 0)),
            pl.BlockSpec((bm, d), lambda i: (i, 0)),
            pl.BlockSpec((bm, d), lambda i: (i, 0)),
            pl.BlockSpec((d, h), lambda i: (0, 0)),
            pl.BlockSpec((1, h), lambda i: (0, 0)),
        ],
        out_specs=pl.BlockSpec((bm, h), lambda i: (i, 0)),
        out_shape=jax.ShapeDtypeStruct((m, h), jnp.float32),
    )(p0, p1, z, c0, c1, W, b.reshape(1, -1))



def kernel(x, edge_index, W1, b1, W2, b2, W3, b3):
    sc_cnt = _make_sc_cnt()
    sc_adj = _make_sc_adj()

    fake = jnp.arange(EPAD, dtype=jnp.int32)
    dst_p = jnp.concatenate([edge_index[0], N + fake % (NPAD - N)])
    src_p = jnp.concatenate([edge_index[1], fake % N])

    zerosw = jnp.zeros((NPAD, 128), jnp.float32)
    onesw = jnp.ones((K, 128), jnp.float32)

    xp = jnp.pad(x, ((0, NPAD - N), (0, 0)))
    c0, c1 = sc_cnt(dst_p, zerosw, onesw)
    z1 = _tc_linear(xp, W1, b1)
    p0, p1 = sc_adj(z1, src_p, dst_p)
    z2 = _tc_merge_mm(_mid_body, p0, p1, z1, c0, c1, W2, b2)
    q0, q1 = sc_adj(z2, src_p, dst_p)
    return _tc_merge_mm(_out_body, q0, q1, z2, c0, c1, W3, b3)[:N]

# --- scband reference (transcript-rebuilt; emitter-appended) ---
"""Pipeline reference for scband-gcn-63797444215169 (READ-ONLY COPY).

The authoritative reference and input builder live on the scoring server;
editing this copy changes nothing except your own understanding.
"""

import jax, jax.numpy as jnp
import numpy as np

N = 10000
E = 320000
D_IN = 128
H = 128
C = 40


def setup_inputs(seed: int = 0) -> dict:
    key = jax.random.key(seed)
    ks = jax.random.split(key, 9)
    x = jax.random.normal(ks[0], (N, D_IN), dtype=jnp.float32)
    edge_index = jax.random.randint(ks[1], (2, E), 0, N, dtype=jnp.int32)
    W1 = jax.random.normal(ks[2], (D_IN, H), dtype=jnp.float32) * 0.05
    b1 = jnp.zeros((H,), dtype=jnp.float32)
    W2 = jax.random.normal(ks[3], (H, H), dtype=jnp.float32) * 0.05
    b2 = jnp.zeros((H,), dtype=jnp.float32)
    W3 = jax.random.normal(ks[4], (H, C), dtype=jnp.float32) * 0.05
    b3 = jnp.zeros((C,), dtype=jnp.float32)
    return {"x": x, "edge_index": edge_index, "W1": W1, "b1": b1, "W2": W2, "b2": b2, "W3": W3, "b3": b3}


def _norm_adj_matmul(edge_index, h):
    # A = D^{-1} (W + I) with unit edge weights (row-normalized adjacency with self-loops)
    dst = edge_index[0]
    src = edge_index[1]
    msgs = jnp.take(h, src, axis=0)
    agg = jax.ops.segment_sum(msgs, dst, num_segments=N)
    deg = jax.ops.segment_sum(jnp.ones((edge_index.shape[1],), h.dtype), dst, num_segments=N) + 1.0
    return (agg + h) / deg[:, None]


def reference(x, edge_index, W1, b1, W2, b2, W3, b3):
    h = jax.nn.relu(_norm_adj_matmul(edge_index, x @ W1 + b1))
    h = jax.nn.relu(_norm_adj_matmul(edge_index, h @ W2 + b2))
    out = jax.nn.log_softmax(h @ W3 + b3, axis=1)
    return out

if __name__ == "__main__":
    import jax
    _d = setup_inputs()
    print(jax.jit(kernel)(*tuple(_d.values())))

</pallas_src>

<mosaic_0001>
#map = affine_map<(d0, d1) -> (0, 0)>
#map1 = affine_map<(d0, d1) -> (0)>
module attributes {stable_mosaic.version = 14 : i64} {
  func.func @_sc_adj_body(%arg0: i32, %arg1: i32, %arg2: memref<10112x128xf32, #tpu.memory_space<hbm>>, %arg3: memref<327680xi32, #tpu.memory_space<hbm>>, %arg4: memref<327680xi32, #tpu.memory_space<hbm>>, %arg5: memref<10112x128xf32, #tpu.memory_space<hbm>>, %arg6: memref<10112x128xf32, #tpu.memory_space<hbm>>, %arg7: memref<2x128xi32, #tpu.memory_space<vmem>>, %arg8: memref<2x128xi32, #tpu.memory_space<vmem>>, %arg9: memref<2x128x128xf32, #tpu.memory_space<vmem>>, %arg10: memref<128x128xf32, #tpu.memory_space<vmem>>, %arg11: memref<2x!tpu.dma_semaphore, #tpu.memory_space<semaphore_mem>>, %arg12: memref<2x!tpu.dma_semaphore, #tpu.memory_space<semaphore_mem>>, %arg13: memref<10112x128xf32, #tpu.memory_space<vmem_shared>>) attributes {dimension_semantics = [#tpu.dimension_semantics<core_parallel>, #tpu.dimension_semantics<subcore_parallel>], iteration_bounds = array<i64: 2, 16>, scalar_prefetch = 0 : i64, scratch_operands = 7 : i64, tpu.core_type = #tpu.core_type<sc_vector_subcore>, window_params = [{transform_indices = #map}, {transform_indices = #map1}, {transform_indices = #map1}, {transform_indices = #map}, {transform_indices = #map}]} {
    %mul3A = arith.constant 2 : i32
    %mul3A_0 = arith.muli %arg1, %mul3A : i32
    %add3A = arith.addi %mul3A_0, %arg0 : i32
    %mul3A_1 = arith.constant 632 : i32
    %mul3A_2 = arith.muli %arg1, %mul3A_1 : i32
    %mul3A_3 = arith.constant 80 : i32
    %mul3A_4 = arith.muli %add3A, %mul3A_3 : i32
    %scan3A = arith.constant 0 : i32
    %scan3A_5 = arith.constant 0 : i32
    %scan3A_6 = arith.constant 4 : i32
    %scan3A_7 = arith.addi %scan3A_5, %scan3A_6 : i32
    %scan3A_8 = arith.constant 1 : i32
    scf.for %scan3A_43 = %scan3A_5 to %scan3A_7 step %scan3A_8  : i32 {
      %mul3A_44 = arith.constant 128 : i32
      %mul3A_45 = arith.muli %scan3A_43, %mul3A_44 : i32
      %add3A_46 = arith.addi %mul3A_2, %mul3A_45 : i32
      %multiple_of3A_47 = tpu.assume_multiple %add3A_46, 8 : i32
      "tpu.region"() ({
        %run_scoped3A = tpu.sem_alloc : memref<!tpu.dma_semaphore, #tpu.memory_space<semaphore_mem>>
        %dma_start3A = arith.constant 0 : i32
        %dma_start3A_48 = tpu.memref_slice %arg2[%multiple_of3A_47, %dma_start3A] : memref<10112x128xf32, #tpu.memory_space<hbm>> -> memref<128x128xf32, #tpu.memory_space<hbm>>
        %dma_start3A_49 = arith.constant 0 : i32
        %dma_start3A_50 = tpu.memref_slice %arg2[%multiple_of3A_47, %dma_start3A_49] : memref<10112x128xf32, #tpu.memory_space<hbm>> -> memref<128x128xf32, #tpu.memory_space<hbm>>
        tpu.enqueue_dma source(%dma_start3A_50 : memref<128x128xf32, #tpu.memory_space<hbm>>) target(%arg10 : memref<128x128xf32, #tpu.memory_space<vmem>>) target_semaphore(%run_scoped3A : memref<!tpu.dma_semaphore, #tpu.memory_space<semaphore_mem>>)
        %dma_wait3A_51 = arith.constant 0 : i32
        %dma_wait3A_52 = tpu.memref_slice %arg2[%multiple_of3A_47, %dma_wait3A_51] : memref<10112x128xf32, #tpu.memory_space<hbm>> -> memref<128x128xf32, #tpu.memory_space<hbm>>
        %dma_wait3A_53 = arith.constant 0 : i32
        %dma_wait3A_54 = tpu.memref_slice %arg2[%multiple_of3A_47, %dma_wait3A_53] : memref<10112x128xf32, #tpu.memory_space<hbm>> -> memref<128x128xf32, #tpu.memory_space<hbm>>
        tpu.wait_dma2 semaphore(%run_scoped3A : memref<!tpu.dma_semaphore, #tpu.memory_space<semaphore_mem>>) src(%dma_wait3A_54 : memref<128x128xf32, #tpu.memory_space<hbm>>) dst(%arg10 : memref<128x128xf32, #tpu.memory_space<vmem>>)
        tpu.yield
      }) : () -> ()
      "tpu.region"() ({
        %run_scoped3A = tpu.sem_alloc : memref<!tpu.dma_semaphore, #tpu.memory_space<semaphore_mem>>
        %dma_start3A = arith.constant 0 : i32
        %dma_start3A_48 = tpu.memref_slice %arg13[%multiple_of3A_47, %dma_start3A] : memref<10112x128xf32, #tpu.memory_space<vmem_shared>> -> memref<128x128xf32, #tpu.memory_space<vmem_shared>>
        %dma_start3A_49 = arith.constant 0 : i32
        %dma_start3A_50 = tpu.memref_slice %arg13[%multiple_of3A_47, %dma_start3A_49] : memref<10112x128xf32, #tpu.memory_space<vmem_shared>> -> memref<128x128xf32, #tpu.memory_space<vmem_shared>>
        tpu.enqueue_dma source(%arg10 : memref<128x128xf32, #tpu.memory_space<vmem>>) target(%dma_start3A_50 : memref<128x128xf32, #tpu.memory_space<vmem_shared>>) target_semaphore(%run_scoped3A : memref<!tpu.dma_semaphore, #tpu.memory_space<semaphore_mem>>)
        %dma_wait3A_51 = arith.constant 0 : i32
        %dma_wait3A_52 = tpu.memref_slice %arg13[%multiple_of3A_47, %dma_wait3A_51] : memref<10112x128xf32, #tpu.memory_space<vmem_shared>> -> memref<128x128xf32, #tpu.memory_space<vmem_shared>>
        %dma_wait3A_53 = arith.constant 0 : i32
        %dma_wait3A_54 = tpu.memref_slice %arg13[%multiple_of3A_47, %dma_wait3A_53] : memref<10112x128xf32, #tpu.memory_space<vmem_shared>> -> memref<128x128xf32, #tpu.memory_space<vmem_shared>>
        tpu.wait_dma2 semaphore(%run_scoped3A : memref<!tpu.dma_semaphore, #tpu.memory_space<semaphore_mem>>) src(%arg10 : memref<128x128xf32, #tpu.memory_space<vmem>>) dst(%dma_wait3A_54 : memref<128x128xf32, #tpu.memory_space<vmem_shared>>)
        tpu.yield
      }) : () -> ()
    }
    %scan3A_9 = arith.constant 4 : i32
    %add3A_10 = arith.constant 512 : i32
    %add3A_11 = arith.addi %mul3A_2, %add3A_10 : i32
    %multiple_of3A = tpu.assume_multiple %add3A_11, 8 : i32
    "tpu.region"() ({
      %run_scoped3A = tpu.sem_alloc : memref<!tpu.dma_semaphore, #tpu.memory_space<semaphore_mem>>
      %dma_start3A = arith.constant 0 : i32
      %dma_start3A_43 = arith.constant 0 : i32
      %dma_start3A_44 = tpu.memref_slice %arg10[%dma_start3A, %dma_start3A_43] : memref<128x128xf32, #tpu.memory_space<vmem>> -> memref<120x128xf32, #tpu.memory_space<vmem>>
      %dma_start3A_45 = arith.constant 0 : i32
      %dma_start3A_46 = tpu.memref_slice %arg2[%multiple_of3A, %dma_start3A_45] : memref<10112x128xf32, #tpu.memory_space<hbm>> -> memref<120x128xf32, #tpu.memory_space<hbm>>
      %dma_start3A_47 = arith.constant 0 : i32
      %dma_start3A_48 = arith.constant 0 : i32
      %dma_start3A_49 = tpu.memref_slice %arg10[%dma_start3A_47, %dma_start3A_48] : memref<128x128xf32, #tpu.memory_space<vmem>> -> memref<120x128xf32, #tpu.memory_space<vmem>>
      %dma_start3A_50 = arith.constant 0 : i32
      %dma_start3A_51 = tpu.memref_slice %arg2[%multiple_of3A, %dma_start3A_50] : memref<10112x128xf32, #tpu.memory_space<hbm>> -> memref<120x128xf32, #tpu.memory_space<hbm>>
      tpu.enqueue_dma source(%dma_start3A_51 : memref<120x128xf32, #tpu.memory_space<hbm>>) target(%dma_start3A_49 : memref<120x128xf32, #tpu.memory_space<vmem>>) target_semaphore(%run_scoped3A : memref<!tpu.dma_semaphore, #tpu.memory_space<semaphore_mem>>)
      %dma_wait3A_52 = arith.constant 0 : i32
      %dma_wait3A_53 = arith.constant 0 : i32
      %dma_wait3A_54 = tpu.memref_slice %arg10[%dma_wait3A_52, %dma_wait3A_53] : memref<128x128xf32, #tpu.memory_space<vmem>> -> memref<120x128xf32, #tpu.memory_space<vmem>>
      %dma_wait3A_55 = arith.constant 0 : i32
      %dma_wait3A_56 = tpu.memref_slice %arg2[%multiple_of3A, %dma_wait3A_55] : memref<10112x128xf32, #tpu.memory_space<hbm>> -> memref<120x128xf32, #tpu.memory_space<hbm>>
      %dma_wait3A_57 = arith.constant 0 : i32
      %dma_wait3A_58 = arith.constant 0 : i32
      %dma_wait3A_59 = tpu.memref_slice %arg10[%dma_wait3A_57, %dma_wait3A_58] : memref<128x128xf32, #tpu.memory_space<vmem>> -> memref<120x128xf32, #tpu.memory_space<vmem>>
      %dma_wait3A_60 = arith.constant 0 : i32
      %dma_wait3A_61 = tpu.memref_slice %arg2[%multiple_of3A, %dma_wait3A_60] : memref<10112x128xf32, #tpu.memory_space<hbm>> -> memref<120x128xf32, #tpu.memory_space<hbm>>
      tpu.wait_dma2 semaphore(%run_scoped3A : memref<!tpu.dma_semaphore, #tpu.memory_space<semaphore_mem>>) src(%dma_wait3A_61 : memref<120x128xf32, #tpu.memory_space<hbm>>) dst(%dma_wait3A_59 : memref<120x128xf32, #tpu.memory_space<vmem>>)
      tpu.yield
    }) : () -> ()
    "tpu.region"() ({
      %run_scoped3A = tpu.sem_alloc : memref<!tpu.dma_semaphore, #tpu.memory_space<semaphore_mem>>
      %dma_start3A = arith.constant 0 : i32
      %dma_start3A_43 = arith.constant 0 : i32
      %dma_start3A_44 = tpu.memref_slice %arg10[%dma_start3A, %dma_start3A_43] : memref<128x128xf32, #tpu.memory_space<vmem>> -> memref<120x128xf32, #tpu.memory_space<vmem>>
      %dma_start3A_45 = arith.constant 0 : i32
      %dma_start3A_46 = tpu.memref_slice %arg13[%multiple_of3A, %dma_start3A_45] : memref<10112x128xf32, #tpu.memory_space<vmem_shared>> -> memref<120x128xf32, #tpu.memory_space<vmem_shared>>
      %dma_start3A_47 = arith.constant 0 : i32
      %dma_start3A_48 = tpu.memref_slice %arg13[%multiple_of3A, %dma_start3A_47] : memref<10112x128xf32, #tpu.memory_space<vmem_shared>> -> memref<120x128xf32, #tpu.memory_space<vmem_shared>>
      %dma_start3A_49 = arith.constant 0 : i32
      %dma_start3A_50 = arith.constant 0 : i32
      %dma_start3A_51 = tpu.memref_slice %arg10[%dma_start3A_49, %dma_start3A_50] : memref<128x128xf32, #tpu.memory_space<vmem>> -> memref<120x128xf32, #tpu.memory_space<vmem>>
      tpu.enqueue_dma source(%dma_start3A_51 : memref<120x128xf32, #tpu.memory_space<vmem>>) target(%dma_start3A_48 : memref<120x128xf32, #tpu.memory_space<vmem_shared>>) target_semaphore(%run_scoped3A : memref<!tpu.dma_semaphore, #tpu.memory_space<semaphore_mem>>)
      %dma_wait3A_52 = arith.constant 0 : i32
      %dma_wait3A_53 = arith.constant 0 : i32
      %dma_wait3A_54 = tpu.memref_slice %arg10[%dma_wait3A_52, %dma_wait3A_53] : memref<128x128xf32, #tpu.memory_space<vmem>> -> memref<120x128xf32, #tpu.memory_space<vmem>>
      %dma_wait3A_55 = arith.constant 0 : i32
      %dma_wait3A_56 = tpu.memref_slice %arg13[%multiple_of3A, %dma_wait3A_55] : memref<10112x128xf32, #tpu.memory_space<vmem_shared>> -> memref<120x128xf32, #tpu.memory_space<vmem_shared>>
      %dma_wait3A_57 = arith.constant 0 : i32
      %dma_wait3A_58 = tpu.memref_slice %arg13[%multiple_of3A, %dma_wait3A_57] : memref<10112x128xf32, #tpu.memory_space<vmem_shared>> -> memref<120x128xf32, #tpu.memory_space<vmem_shared>>
      %dma_wait3A_59 = arith.constant 0 : i32
      %dma_wait3A_60 = arith.constant 0 : i32
      %dma_wait3A_61 = tpu.memref_slice %arg10[%dma_wait3A_59, %dma_wait3A_60] : memref<128x128xf32, #tpu.memory_space<vmem>> -> memref<120x128xf32, #tpu.memory_space<vmem>>
      tpu.wait_dma2 semaphore(%run_scoped3A : memref<!tpu.dma_semaphore, #tpu.memory_space<semaphore_mem>>) src(%dma_wait3A_61 : memref<120x128xf32, #tpu.memory_space<vmem>>) dst(%dma_wait3A_58 : memref<120x128xf32, #tpu.memory_space<vmem_shared>>)
      tpu.yield
    }) : () -> ()
    %barrier3A = arith.constant 0 : index
    tpu.barrier barrier_id(%barrier3A)
    %scan3A_12 = arith.constant 0 : i32
    %scan3A_13 = arith.constant 0 : i32
    %scan3A_14 = arith.constant 81 : i32
    %scan3A_15 = arith.addi %scan3A_13, %scan3A_14 : i32
    %scan3A_16 = arith.constant 1 : i32
    scf.for %scan3A_43 = %scan3A_13 to %scan3A_15 step %scan3A_16  : i32 {
      %jit3A = arith.constant 2 : i32
      %eq3A_44 = arith.constant 0 : i32
      %eq3A_45 = arith.cmpi eq, %jit3A, %eq3A_44 : i32
      %jit3A_46 = arith.constant 1 : i32
      %select_n3A = arith.select %eq3A_45, %jit3A_46, %jit3A : i32
      %rem3A = arith.remsi %scan3A_43, %select_n3A : i32
      %ne3A = arith.constant 0 : i32
      %ne3A_47 = arith.cmpi ne, %rem3A, %ne3A : i32
      %lt3A = arith.constant 0 : i32
      %lt3A_48 = arith.cmpi slt, %rem3A, %lt3A : i32
      %lt3A_49 = arith.constant 0 : i32
      %lt3A_50 = arith.cmpi slt, %select_n3A, %lt3A_49 : i32
      %ne3A_51 = arith.xori %lt3A_48, %lt3A_50 : i1
      %and3A = arith.andi %ne3A_51, %ne3A_47 : i1
      %add3A_52 = arith.addi %rem3A, %select_n3A : i32
      %select_n3A_53 = arith.select %and3A, %add3A_52, %rem3A : i32
      %add3A_54 = arith.constant 1 : i32
      %add3A_55 = arith.addi %scan3A_43, %add3A_54 : i32
      %jit3A_56 = arith.constant 2 : i32
      %eq3A_57 = arith.constant 0 : i32
      %eq3A_58 = arith.cmpi eq, %jit3A_56, %eq3A_57 : i32
      %jit3A_59 = arith.constant 1 : i32
      %select_n3A_60 = arith.select %eq3A_58, %jit3A_59, %jit3A_56 : i32
      %rem3A_61 = arith.remsi %add3A_55, %select_n3A_60 : i32
      %ne3A_62 = arith.constant 0 : i32
      %ne3A_63 = arith.cmpi ne, %rem3A_61, %ne3A_62 : i32
      %lt3A_64 = arith.constant 0 : i32
      %lt3A_65 = arith.cmpi slt, %rem3A_61, %lt3A_64 : i32
      %lt3A_66 = arith.constant 0 : i32
      %lt3A_67 = arith.cmpi slt, %select_n3A_60, %lt3A_66 : i32
      %ne3A_68 = arith.xori %lt3A_65, %lt3A_67 : i1
      %and3A_69 = arith.andi %ne3A_68, %ne3A_63 : i1
      %add3A_70 = arith.addi %rem3A_61, %select_n3A_60 : i32
      %select_n3A_71 = arith.select %and3A_69, %add3A_70, %rem3A_61 : i32
      %ge3A = arith.constant 2 : i32
      %ge3A_72 = arith.cmpi sge, %scan3A_43, %ge3A : i32
      %convert_element_type3A_73 = arith.extui %ge3A_72 : i1 to i32
      %cond3A_74 = arith.constant 0 : i32
      %cond3A_75 = arith.cmpi ne, %convert_element_type3A_73, %cond3A_74 : i32
      scf.if %cond3A_75 {
        %dma_wait3A_85 = arith.constant 0 : i32
        %dma_wait3A_86 = arith.constant 0 : i32
        %dma_wait3A_87 = tpu.memref_slice %arg9[%select_n3A_53, %dma_wait3A_85, %dma_wait3A_86] : memref<2x128x128xf32, #tpu.memory_space<vmem>> -> memref<1x128x128xf32, #tpu.memory_space<vmem>>
        %dma_wait3A_88 = tpu.memref_squeeze %dma_wait3A_87 : memref<1x128x128xf32, #tpu.memory_space<vmem>> -> memref<128x128xf32, #tpu.memory_space<vmem>>
        %dma_wait3A_89 = arith.constant 0 : i32
        %dma_wait3A_90 = arith.constant 0 : i32
        %dma_wait3A_91 = tpu.memref_slice %arg2[%dma_wait3A_89, %dma_wait3A_90] : memref<10112x128xf32, #tpu.memory_space<hbm>> -> memref<128x128xf32, #tpu.memory_space<hbm>>
        %dma_wait3A_92 = tpu.memref_slice %arg12[%select_n3A_53] : memref<2x!tpu.dma_semaphore, #tpu.memory_space<semaphore_mem>> -> memref<1x!tpu.dma_semaphore, #tpu.memory_space<semaphore_mem>>
        %dma_wait3A_93 = tpu.memref_squeeze %dma_wait3A_92 : memref<1x!tpu.dma_semaphore, #tpu.memory_space<semaphore_mem>> -> memref<!tpu.dma_semaphore, #tpu.memory_space<semaphore_mem>>
        %dma_wait3A_94 = arith.constant 0 : i32
        %dma_wait3A_95 = arith.constant 0 : i32
        %dma_wait3A_96 = tpu.memref_slice %arg9[%select_n3A_53, %dma_wait3A_94, %dma_wait3A_95] : memref<2x128x128xf32, #tpu.memory_space<vmem>> -> memref<1x128x128xf32, #tpu.memory_space<vmem>>
        %dma_wait3A_97 = tpu.memref_squeeze %dma_wait3A_96 : memref<1x128x128xf32, #tpu.memory_space<vmem>> -> memref<128x128xf32, #tpu.memory_space<vmem>>
        %dma_wait3A_98 = arith.constant 0 : i32
        %dma_wait3A_99 = arith.constant 0 : i32
        %dma_wait3A_100 = tpu.memref_slice %arg2[%dma_wait3A_98, %dma_wait3A_99] : memref<10112x128xf32, #tpu.memory_space<hbm>> -> memref<128x128xf32, #tpu.memory_space<hbm>>
        tpu.wait_dma2 semaphore(%dma_wait3A_93 : memref<!tpu.dma_semaphore, #tpu.memory_space<semaphore_mem>>) src(%dma_wait3A_100 : memref<128x128xf32, #tpu.memory_space<hbm>>) dst(%dma_wait3A_97 : memref<128x128xf32, #tpu.memory_space<vmem>>)
      } else {
      }
      %le3A = arith.constant 79 : i32
      %le3A_76 = arith.cmpi sle, %scan3A_43, %le3A : i32
      %convert_element_type3A_77 = arith.extui %le3A_76 : i1 to i32
      %cond3A_78 = arith.constant 0 : i32
      %cond3A_79 = arith.cmpi ne, %convert_element_type3A_77, %cond3A_78 : i32
      scf.if %cond3A_79 {
        %add3A_85 = arith.addi %mul3A_4, %scan3A_43 : i32
        %mul3A_86 = arith.constant 128 : i32
        %mul3A_87 = arith.muli %add3A_85, %mul3A_86 : i32
        %multiple_of3A_88 = tpu.assume_multiple %mul3A_87, 128 : i32
        "tpu.region"() ({
          %run_scoped3A = tpu.sem_alloc : memref<!tpu.dma_semaphore, #tpu.memory_space<semaphore_mem>>
          %dma_start3A_100 = arith.constant 0 : i32
          %dma_start3A_101 = tpu.memref_slice %arg7[%select_n3A_53, %dma_start3A_100] : memref<2x128xi32, #tpu.memory_space<vmem>> -> memref<1x128xi32, #tpu.memory_space<vmem>>
          %dma_start3A_102 = tpu.memref_squeeze %dma_start3A_101 : memref<1x128xi32, #tpu.memory_space<vmem>> -> memref<128xi32, #tpu.memory_space<vmem>>
          %dma_start3A_103 = tpu.memref_slice %arg3[%multiple_of3A_88] : memref<327680xi32, #tpu.memory_space<hbm>> -> memref<128xi32, #tpu.memory_space<hbm>>
          %dma_start3A_104 = arith.constant 0 : i32
          %dma_start3A_105 = tpu.memref_slice %arg7[%select_n3A_53, %dma_start3A_104] : memref<2x128xi32, #tpu.memory_space<vmem>> -> memref<1x128xi32, #tpu.memory_space<vmem>>
          %dma_start3A_106 = tpu.memref_squeeze %dma_start3A_105 : memref<1x128xi32, #tpu.memory_space<vmem>> -> memref<128xi32, #tpu.memory_space<vmem>>
          %dma_start3A_107 = tpu.memref_slice %arg3[%multiple_of3A_88] : memref<327680xi32, #tpu.memory_space<hbm>> -> memref<128xi32, #tpu.memory_space<hbm>>
          tpu.enqueue_dma source(%dma_start3A_107 : memref<128xi32, #tpu.memory_space<hbm>>) target(%dma_start3A_106 : memref<128xi32, #tpu.memory_space<vmem>>) target_semaphore(%run_scoped3A : memref<!tpu.dma_semaphore, #tpu.memory_space<semaphore_mem>>)
          %dma_wait3A_108 = arith.constant 0 : i32
          %dma_wait3A_109 = tpu.memref_slice %arg7[%select_n3A_53, %dma_wait3A_108] : memref<2x128xi32, #tpu.memory_space<vmem>> -> memref<1x128xi32, #tpu.memory_space<vmem>>
          %dma_wait3A_110 = tpu.memref_squeeze %dma_wait3A_109 : memref<1x128xi32, #tpu.memory_space<vmem>> -> memref<128xi32, #tpu.memory_space<vmem>>
          %dma_wait3A_111 = tpu.memref_slice %arg3[%multiple_of3A_88] : memref<327680xi32, #tpu.memory_space<hbm>> -> memref<128xi32, #tpu.memory_space<hbm>>
          %dma_wait3A_112 = arith.constant 0 : i32
          %dma_wait3A_113 = tpu.memref_slice %arg7[%select_n3A_53, %dma_wait3A_112] : memref<2x128xi32, #tpu.memory_space<vmem>> -> memref<1x128xi32, #tpu.memory_space<vmem>>
          %dma_wait3A_114 = tpu.memref_squeeze %dma_wait3A_113 : memref<1x128xi32, #tpu.memory_space<vmem>> -> memref<128xi32, #tpu.memory_space<vmem>>
          %dma_wait3A_115 = tpu.memref_slice %arg3[%multiple_of3A_88] : memref<327680xi32, #tpu.memory_space<hbm>> -> memref<128xi32, #tpu.memory_space<hbm>>
          tpu.wait_dma2 semaphore(%run_scoped3A : memref<!tpu.dma_semaphore, #tpu.memory_space<semaphore_mem>>) src(%dma_wait3A_115 : memref<128xi32, #tpu.memory_space<hbm>>) dst(%dma_wait3A_114 : memref<128xi32, #tpu.memory_space<vmem>>)
          tpu.yield
        }) : () -> ()
        "tpu.region"() ({
          %run_scoped3A = tpu.sem_alloc : memref<!tpu.dma_semaphore, #tpu.memory_space<semaphore_mem>>
          %dma_start3A_100 = arith.constant 0 : i32
          %dma_start3A_101 = tpu.memref_slice %arg8[%select_n3A_53, %dma_start3A_100] : memref<2x128xi32, #tpu.memory_space<vmem>> -> memref<1x128xi32, #tpu.memory_space<vmem>>
          %dma_start3A_102 = tpu.memref_squeeze %dma_start3A_101 : memref<1x128xi32, #tpu.memory_space<vmem>> -> memref<128xi32, #tpu.memory_space<vmem>>
          %dma_start3A_103 = tpu.memref_slice %arg4[%multiple_of3A_88] : memref<327680xi32, #tpu.memory_space<hbm>> -> memref<128xi32, #tpu.memory_space<hbm>>
          %dma_start3A_104 = arith.constant 0 : i32
          %dma_start3A_105 = tpu.memref_slice %arg8[%select_n3A_53, %dma_start3A_104] : memref<2x128xi32, #tpu.memory_space<vmem>> -> memref<1x128xi32, #tpu.memory_space<vmem>>
          %dma_start3A_106 = tpu.memref_squeeze %dma_start3A_105 : memref<1x128xi32, #tpu.memory_space<vmem>> -> memref<128xi32, #tpu.memory_space<vmem>>
          %dma_start3A_107 = tpu.memref_slice %arg4[%multiple_of3A_88] : memref<327680xi32, #tpu.memory_space<hbm>> -> memref<128xi32, #tpu.memory_space<hbm>>
          tpu.enqueue_dma source(%dma_start3A_107 : memref<128xi32, #tpu.memory_space<hbm>>) target(%dma_start3A_106 : memref<128xi32, #tpu.memory_space<vmem>>) target_semaphore(%run_scoped3A : memref<!tpu.dma_semaphore, #tpu.memory_space<semaphore_mem>>)
          %dma_wait3A_108 = arith.constant 0 : i32
          %dma_wait3A_109 = tpu.memref_slice %arg8[%select_n3A_53, %dma_wait3A_108] : memref<2x128xi32, #tpu.memory_space<vmem>> -> memref<1x128xi32, #tpu.memory_space<vmem>>
          %dma_wait3A_110 = tpu.memref_squeeze %dma_wait3A_109 : memref<1x128xi32, #tpu.memory_space<vmem>> -> memref<128xi32, #tpu.memory_space<vmem>>
          %dma_wait3A_111 = tpu.memref_slice %arg4[%multiple_of3A_88] : memref<327680xi32, #tpu.memory_space<hbm>> -> memref<128xi32, #tpu.memory_space<hbm>>
          %dma_wait3A_112 = arith.constant 0 : i32
          %dma_wait3A_113 = tpu.memref_slice %arg8[%select_n3A_53, %dma_wait3A_112] : memref<2x128xi32, #tpu.memory_space<vmem>> -> memref<1x128xi32, #tpu.memory_space<vmem>>
          %dma_wait3A_114 = tpu.memref_squeeze %dma_wait3A_113 : memref<1x128xi32, #tpu.memory_space<vmem>> -> memref<128xi32, #tpu.memory_space<vmem>>
          %dma_wait3A_115 = tpu.memref_slice %arg4[%multiple_of3A_88] : memref<327680xi32, #tpu.memory_space<hbm>> -> memref<128xi32, #tpu.memory_space<hbm>>
          tpu.wait_dma2 semaphore(%run_scoped3A : memref<!tpu.dma_semaphore, #tpu.memory_space<semaphore_mem>>) src(%dma_wait3A_115 : memref<128xi32, #tpu.memory_space<hbm>>) dst(%dma_wait3A_114 : memref<128xi32, #tpu.memory_space<vmem>>)
          tpu.yield
        }) : () -> ()
        %dma_start3A = arith.constant 0 : i32
        %dma_start3A_89 = arith.constant 0 : i32
        %dma_start3A_90 = tpu.memref_slice %arg9[%select_n3A_53, %dma_start3A, %dma_start3A_89] : memref<2x128x128xf32, #tpu.memory_space<vmem>> -> memref<1x128x128xf32, #tpu.memory_space<vmem>>
        %dma_start3A_91 = tpu.memref_squeeze %dma_start3A_90 : memref<1x128x128xf32, #tpu.memory_space<vmem>> -> memref<128x128xf32, #tpu.memory_space<vmem>>
        %dma_start3A_92 = arith.constant 0 : i32
        %dma_start3A_93 = tpu.memref_slice %arg7[%select_n3A_53, %dma_start3A_92] : memref<2x128xi32, #tpu.memory_space<vmem>> -> memref<1x128xi32, #tpu.memory_space<vmem>>
        %dma_start3A_94 = tpu.memref_squeeze %dma_start3A_93 : memref<1x128xi32, #tpu.memory_space<vmem>> -> memref<128xi32, #tpu.memory_space<vmem>>
        %dma_start3A_95 = arith.constant 0 : i32
        %dma_start3A_96 = arith.constant 0 : i32
        %dma_start3A_97 = tpu.memref_slice %arg2[%dma_start3A_95, %dma_start3A_96] : memref<10112x128xf32, #tpu.memory_space<hbm>> -> memref<10112x128xf32, #tpu.memory_space<hbm>>
        %dma_start3A_98 = tpu.memref_slice %arg11[%select_n3A_53] : memref<2x!tpu.dma_semaphore, #tpu.memory_space<semaphore_mem>> -> memref<1x!tpu.dma_semaphore, #tpu.memory_space<semaphore_mem>>
        %dma_start3A_99 = tpu.memref_squeeze %dma_start3A_98 : memref<1x!tpu.dma_semaphore, #tpu.memory_space<semaphore_mem>> -> memref<!tpu.dma_semaphore, #tpu.memory_space<semaphore_mem>>
        tpu.enqueue_indirect_dma source(%dma_start3A_97 : memref<10112x128xf32, #tpu.memory_space<hbm>>) target(%dma_start3A_91 : memref<128x128xf32, #tpu.memory_space<vmem>>) offsets(%dma_start3A_94 : memref<128xi32, #tpu.memory_space<vmem>>) semaphore(%dma_start3A_99 : memref<!tpu.dma_semaphore, #tpu.memory_space<semaphore_mem>>)
      } else {
      }
      %ge3A_80 = arith.constant 1 : i32
      %ge3A_81 = arith.cmpi sge, %scan3A_43, %ge3A_80 : i32
      %convert_element_type3A_82 = arith.extui %ge3A_81 : i1 to i32
      %cond3A_83 = arith.constant 0 : i32
      %cond3A_84 = arith.cmpi ne, %convert_element_type3A_82, %cond3A_83 : i32
      scf.if %cond3A_84 {
        %dma_wait3A_85 = arith.constant 0 : i32
        %dma_wait3A_86 = arith.constant 0 : i32
        %dma_wait3A_87 = tpu.memref_slice %arg9[%select_n3A_71, %dma_wait3A_85, %dma_wait3A_86] : memref<2x128x128xf32, #tpu.memory_space<vmem>> -> memref<1x128x128xf32, #tpu.memory_space<vmem>>
        %dma_wait3A_88 = tpu.memref_squeeze %dma_wait3A_87 : memref<1x128x128xf32, #tpu.memory_space<vmem>> -> memref<128x128xf32, #tpu.memory_space<vmem>>
        %dma_wait3A_89 = arith.constant 0 : i32
        %dma_wait3A_90 = arith.constant 0 : i32
        %dma_wait3A_91 = tpu.memref_slice %arg2[%dma_wait3A_89, %dma_wait3A_90] : memref<10112x128xf32, #tpu.memory_space<hbm>> -> memref<128x128xf32, #tpu.memory_space<hbm>>
        %dma_wait3A_92 = tpu.memref_slice %arg11[%select_n3A_71] : memref<2x!tpu.dma_semaphore, #tpu.memory_space<semaphore_mem>> -> memref<1x!tpu.dma_semaphore, #tpu.memory_space<semaphore_mem>>
        %dma_wait3A_93 = tpu.memref_squeeze %dma_wait3A_92 : memref<1x!tpu.dma_semaphore, #tpu.memory_space<semaphore_mem>> -> memref<!tpu.dma_semaphore, #tpu.memory_space<semaphore_mem>>
        %dma_wait3A_94 = arith.constant 0 : i32
        %dma_wait3A_95 = arith.constant 0 : i32
        %dma_wait3A_96 = tpu.memref_slice %arg9[%select_n3A_71, %dma_wait3A_94, %dma_wait3A_95] : memref<2x128x128xf32, #tpu.memory_space<vmem>> -> memref<1x128x128xf32, #tpu.memory_space<vmem>>
        %dma_wait3A_97 = tpu.memref_squeeze %dma_wait3A_96 : memref<1x128x128xf32, #tpu.memory_space<vmem>> -> memref<128x128xf32, #tpu.memory_space<vmem>>
        %dma_wait3A_98 = arith.constant 0 : i32
        %dma_wait3A_99 = arith.constant 0 : i32
        %dma_wait3A_100 = tpu.memref_slice %arg2[%dma_wait3A_98, %dma_wait3A_99] : memref<10112x128xf32, #tpu.memory_space<hbm>> -> memref<128x128xf32, #tpu.memory_space<hbm>>
        tpu.wait_dma2 semaphore(%dma_wait3A_93 : memref<!tpu.dma_semaphore, #tpu.memory_space<semaphore_mem>>) src(%dma_wait3A_100 : memref<128x128xf32, #tpu.memory_space<hbm>>) dst(%dma_wait3A_97 : memref<128x128xf32, #tpu.memory_space<vmem>>)
        %dma_start3A = arith.constant 0 : i32
        %dma_start3A_101 = arith.constant 0 : i32
        %dma_start3A_102 = tpu.memref_slice %arg9[%select_n3A_71, %dma_start3A, %dma_start3A_101] : memref<2x128x128xf32, #tpu.memory_space<vmem>> -> memref<1x128x128xf32, #tpu.memory_space<vmem>>
        %dma_start3A_103 = tpu.memref_squeeze %dma_start3A_102 : memref<1x128x128xf32, #tpu.memory_space<vmem>> -> memref<128x128xf32, #tpu.memory_space<vmem>>
        %dma_start3A_104 = arith.constant 0 : i32
        %dma_start3A_105 = tpu.memref_slice %arg8[%select_n3A_71, %dma_start3A_104] : memref<2x128xi32, #tpu.memory_space<vmem>> -> memref<1x128xi32, #tpu.memory_space<vmem>>
        %dma_start3A_106 = tpu.memref_squeeze %dma_start3A_105 : memref<1x128xi32, #tpu.memory_space<vmem>> -> memref<128xi32, #tpu.memory_space<vmem>>
        %dma_start3A_107 = arith.constant 0 : i32
        %dma_start3A_108 = arith.constant 0 : i32
        %dma_start3A_109 = tpu.memref_slice %arg13[%dma_start3A_107, %dma_start3A_108] : memref<10112x128xf32, #tpu.memory_space<vmem_shared>> -> memref<10112x128xf32, #tpu.memory_space<vmem_shared>>
        %dma_start3A_110 = tpu.memref_slice %arg12[%select_n3A_71] : memref<2x!tpu.dma_semaphore, #tpu.memory_space<semaphore_mem>> -> memref<1x!tpu.dma_semaphore, #tpu.memory_space<semaphore_mem>>
        %dma_start3A_111 = tpu.memref_squeeze %dma_start3A_110 : memref<1x!tpu.dma_semaphore, #tpu.memory_space<semaphore_mem>> -> memref<!tpu.dma_semaphore, #tpu.memory_space<semaphore_mem>>
        tpu.enqueue_indirect_dma source(%dma_start3A_103 : memref<128x128xf32, #tpu.memory_space<vmem>>) target(%dma_start3A_109 : memref<10112x128xf32, #tpu.memory_space<vmem_shared>>) offsets(%dma_start3A_106 : memref<128xi32, #tpu.memory_space<vmem>>) semaphore(%dma_start3A_111 : memref<!tpu.dma_semaphore, #tpu.memory_space<semaphore_mem>>) {add = true}
      } else {
      }
    }
    %scan3A_17 = arith.constant 81 : i32
    %dma_wait3A = arith.constant 0 : i32
    %dma_wait3A_18 = arith.constant 1 : i32
    %dma_wait3A_19 = arith.constant 0 : i32
    %dma_wait3A_20 = arith.constant 0 : i32
    %dma_wait3A_21 = tpu.memref_slice %arg9[%dma_wait3A, %dma_wait3A_19, %dma_wait3A_20] : memref<2x128x128xf32, #tpu.memory_space<vmem>> -> memref<1x128x128xf32, #tpu.memory_space<vmem>>
    %dma_wait3A_22 = tpu.memref_squeeze %dma_wait3A_21 : memref<1x128x128xf32, #tpu.memory_space<vmem>> -> memref<128x128xf32, #tpu.memory_space<vmem>>
    %dma_wait3A_23 = arith.constant 0 : i32
    %dma_wait3A_24 = arith.constant 0 : i32
    %dma_wait3A_25 = tpu.memref_slice %arg2[%dma_wait3A_23, %dma_wait3A_24] : memref<10112x128xf32, #tpu.memory_space<hbm>> -> memref<128x128xf32, #tpu.memory_space<hbm>>
    %dma_wait3A_26 = tpu.memref_slice %arg12[%dma_wait3A_18] : memref<2x!tpu.dma_semaphore, #tpu.memory_space<semaphore_mem>> -> memref<1x!tpu.dma_semaphore, #tpu.memory_space<semaphore_mem>>
    %dma_wait3A_27 = tpu.memref_squeeze %dma_wait3A_26 : memref<1x!tpu.dma_semaphore, #tpu.memory_space<semaphore_mem>> -> memref<!tpu.dma_semaphore, #tpu.memory_space<semaphore_mem>>
    %dma_wait3A_28 = arith.constant 0 : i32
    %dma_wait3A_29 = arith.constant 0 : i32
    %dma_wait3A_30 = tpu.memref_slice %arg9[%dma_wait3A, %dma_wait3A_28, %dma_wait3A_29] : memref<2x128x128xf32, #tpu.memory_space<vmem>> -> memref<1x128x128xf32, #tpu.memory_space<vmem>>
    %dma_wait3A_31 = tpu.memref_squeeze %dma_wait3A_30 : memref<1x128x128xf32, #tpu.memory_space<vmem>> -> memref<128x128xf32, #tpu.memory_space<vmem>>
    %dma_wait3A_32 = arith.constant 0 : i32
    %dma_wait3A_33 = arith.constant 0 : i32
    %dma_wait3A_34 = tpu.memref_slice %arg2[%dma_wait3A_32, %dma_wait3A_33] : memref<10112x128xf32, #tpu.memory_space<hbm>> -> memref<128x128xf32, #tpu.memory_space<hbm>>
    tpu.wait_dma2 semaphore(%dma_wait3A_27 : memref<!tpu.dma_semaphore, #tpu.memory_space<semaphore_mem>>) src(%dma_wait3A_34 : memref<128x128xf32, #tpu.memory_space<hbm>>) dst(%dma_wait3A_31 : memref<128x128xf32, #tpu.memory_space<vmem>>)
    %barrier3A_35 = arith.constant 0 : index
    tpu.barrier barrier_id(%barrier3A_35)
    %eq3A = arith.constant 0 : i32
    %eq3A_36 = arith.cmpi eq, %arg0, %eq3A : i32
    %convert_element_type3A = arith.extui %eq3A_36 : i1 to i32
    %cond3A = arith.constant 0 : i32
    %cond3A_37 = arith.cmpi ne, %convert_element_type3A, %cond3A : i32
    scf.if %cond3A_37 {
      %scan3A_43 = arith.constant 0 : i32
      %scan3A_44 = arith.constant 0 : i32
      %scan3A_45 = arith.constant 4 : i32
      %scan3A_46 = arith.addi %scan3A_44, %scan3A_45 : i32
      %scan3A_47 = arith.constant 1 : i32
      scf.for %scan3A_52 = %scan3A_44 to %scan3A_46 step %scan3A_47  : i32 {
        %mul3A_53 = arith.constant 128 : i32
        %mul3A_54 = arith.muli %scan3A_52, %mul3A_53 : i32
        %add3A_55 = arith.addi %mul3A_2, %mul3A_54 : i32
        %multiple_of3A_56 = tpu.assume_multiple %add3A_55, 8 : i32
        "tpu.region"() ({
          %run_scoped3A = tpu.sem_alloc : memref<!tpu.dma_semaphore, #tpu.memory_space<semaphore_mem>>
          %dma_start3A = arith.constant 0 : i32
          %dma_start3A_57 = tpu.memref_slice %arg13[%multiple_of3A_56, %dma_start3A] : memref<10112x128xf32, #tpu.memory_space<vmem_shared>> -> memref<128x128xf32, #tpu.memory_space<vmem_shared>>
          %dma_start3A_58 = arith.constant 0 : i32
          %dma_start3A_59 = tpu.memref_slice %arg13[%multiple_of3A_56, %dma_start3A_58] : memref<10112x128xf32, #tpu.memory_space<vmem_shared>> -> memref<128x128xf32, #tpu.memory_space<vmem_shared>>
          tpu.enqueue_dma source(%dma_start3A_59 : memref<128x128xf32, #tpu.memory_space<vmem_shared>>) target(%arg10 : memref<128x128xf32, #tpu.memory_space<vmem>>) target_semaphore(%run_scoped3A : memref<!tpu.dma_semaphore, #tpu.memory_space<semaphore_mem>>)
          %dma_wait3A_60 = arith.constant 0 : i32
          %dma_wait3A_61 = tpu.memref_slice %arg13[%multiple_of3A_56, %dma_wait3A_60] : memref<10112x128xf32, #tpu.memory_space<vmem_shared>> -> memref<128x128xf32, #tpu.memory_space<vmem_shared>>
          %dma_wait3A_62 = arith.constant 0 : i32
          %dma_wait3A_63 = tpu.memref_slice %arg13[%multiple_of3A_56, %dma_wait3A_62] : memref<10112x128xf32, #tpu.memory_space<vmem_shared>> -> memref<128x128xf32, #tpu.memory_space<vmem_shared>>
          tpu.wait_dma2 semaphore(%run_scoped3A : memref<!tpu.dma_semaphore, #tpu.memory_space<semaphore_mem>>) src(%dma_wait3A_63 : memref<128x128xf32, #tpu.memory_space<vmem_shared>>) dst(%arg10 : memref<128x128xf32, #tpu.memory_space<vmem>>)
          tpu.yield
        }) : () -> ()
        "tpu.region"() ({
          %run_scoped3A = tpu.sem_alloc : memref<!tpu.dma_semaphore, #tpu.memory_space<semaphore_mem>>
          %dma_start3A = arith.constant 0 : i32
          %dma_start3A_57 = tpu.memref_slice %arg5[%multiple_of3A_56, %dma_start3A] : memref<10112x128xf32, #tpu.memory_space<hbm>> -> memref<128x128xf32, #tpu.memory_space<hbm>>
          %dma_start3A_58 = arith.constant 0 : i32
          %dma_start3A_59 = tpu.memref_slice %arg5[%multiple_of3A_56, %dma_start3A_58] : memref<10112x128xf32, #tpu.memory_space<hbm>> -> memref<128x128xf32, #tpu.memory_space<hbm>>
          tpu.enqueue_dma source(%arg10 : memref<128x128xf32, #tpu.memory_space<vmem>>) target(%dma_start3A_59 : memref<128x128xf32, #tpu.memory_space<hbm>>) target_semaphore(%run_scoped3A : memref<!tpu.dma_semaphore, #tpu.memory_space<semaphore_mem>>)
          %dma_wait3A_60 = arith.constant 0 : i32
          %dma_wait3A_61 = tpu.memref_slice %arg5[%multiple_of3A_56, %dma_wait3A_60] : memref<10112x128xf32, #tpu.memory_space<hbm>> -> memref<128x128xf32, #tpu.memory_space<hbm>>
          %dma_wait3A_62 = arith.constant 0 : i32
          %dma_wait3A_63 = tpu.memref_slice %arg5[%multiple_of3A_56, %dma_wait3A_62] : memref<10112x128xf32, #tpu.memory_space<hbm>> -> memref<128x128xf32, #tpu.memory_space<hbm>>
          tpu.wait_dma2 semaphore(%run_scoped3A : memref<!tpu.dma_semaphore, #tpu.memory_space<semaphore_mem>>) src(%arg10 : memref<128x128xf32, #tpu.memory_space<vmem>>) dst(%dma_wait3A_63 : memref<128x128xf32, #tpu.memory_space<hbm>>)
          tpu.yield
        }) : () -> ()
      }
      %scan3A_48 = arith.constant 4 : i32
      %add3A_49 = arith.constant 512 : i32
      %add3A_50 = arith.addi %mul3A_2, %add3A_49 : i32
      %multiple_of3A_51 = tpu.assume_multiple %add3A_50, 8 : i32
      "tpu.region"() ({
        %run_scoped3A = tpu.sem_alloc : memref<!tpu.dma_semaphore, #tpu.memory_space<semaphore_mem>>
        %dma_start3A = arith.constant 0 : i32
        %dma_start3A_52 = arith.constant 0 : i32
        %dma_start3A_53 = tpu.memref_slice %arg10[%dma_start3A, %dma_start3A_52] : memref<128x128xf32, #tpu.memory_space<vmem>> -> memref<120x128xf32, #tpu.memory_space<vmem>>
        %dma_start3A_54 = arith.constant 0 : i32
        %dma_start3A_55 = tpu.memref_slice %arg13[%multiple_of3A_51, %dma_start3A_54] : memref<10112x128xf32, #tpu.memory_space<vmem_shared>> -> memref<120x128xf32, #tpu.memory_space<vmem_shared>>
        %dma_start3A_56 = arith.constant 0 : i32
        %dma_start3A_57 = arith.constant 0 : i32
        %dma_start3A_58 = tpu.memref_slice %arg10[%dma_start3A_56, %dma_start3A_57] : memref<128x128xf32, #tpu.memory_space<vmem>> -> memref<120x128xf32, #tpu.memory_space<vmem>>
        %dma_start3A_59 = arith.constant 0 : i32
        %dma_start3A_60 = tpu.memref_slice %arg13[%multiple_of3A_51, %dma_start3A_59] : memref<10112x128xf32, #tpu.memory_space<vmem_shared>> -> memref<120x128xf32, #tpu.memory_space<vmem_shared>>
        tpu.enqueue_dma source(%dma_start3A_60 : memref<120x128xf32, #tpu.memory_space<vmem_shared>>) target(%dma_start3A_58 : memref<120x128xf32, #tpu.memory_space<vmem>>) target_semaphore(%run_scoped3A : memref<!tpu.dma_semaphore, #tpu.memory_space<semaphore_mem>>)
        %dma_wait3A_61 = arith.constant 0 : i32
        %dma_wait3A_62 = arith.constant 0 : i32
        %dma_wait3A_63 = tpu.memref_slice %arg10[%dma_wait3A_61, %dma_wait3A_62] : memref<128x128xf32, #tpu.memory_space<vmem>> -> memref<120x128xf32, #tpu.memory_space<vmem>>
        %dma_wait3A_64 = arith.constant 0 : i32
        %dma_wait3A_65 = tpu.memref_slice %arg13[%multiple_of3A_51, %dma_wait3A_64] : memref<10112x128xf32, #tpu.memory_space<vmem_shared>> -> memref<120x128xf32, #tpu.memory_space<vmem_shared>>
        %dma_wait3A_66 = arith.constant 0 : i32
        %dma_wait3A_67 = arith.constant 0 : i32
        %dma_wait3A_68 = tpu.memref_slice %arg10[%dma_wait3A_66, %dma_wait3A_67] : memref<128x128xf32, #tpu.memory_space<vmem>> -> memref<120x128xf32, #tpu.memory_space<vmem>>
        %dma_wait3A_69 = arith.constant 0 : i32
        %dma_wait3A_70 = tpu.memref_slice %arg13[%multiple_of3A_51, %dma_wait3A_69] : memref<10112x128xf32, #tpu.memory_space<vmem_shared>> -> memref<120x128xf32, #tpu.memory_space<vmem_shared>>
        tpu.wait_dma2 semaphore(%run_scoped3A : memref<!tpu.dma_semaphore, #tpu.memory_space<semaphore_mem>>) src(%dma_wait3A_70 : memref<120x128xf32, #tpu.memory_space<vmem_shared>>) dst(%dma_wait3A_68 : memref<120x128xf32, #tpu.memory_space<vmem>>)
        tpu.yield
      }) : () -> ()
      "tpu.region"() ({
        %run_scoped3A = tpu.sem_alloc : memref<!tpu.dma_semaphore, #tpu.memory_space<semaphore_mem>>
        %dma_start3A = arith.constant 0 : i32
        %dma_start3A_52 = arith.constant 0 : i32
        %dma_start3A_53 = tpu.memref_slice %arg10[%dma_start3A, %dma_start3A_52] : memref<128x128xf32, #tpu.memory_space<vmem>> -> memref<120x128xf32, #tpu.memory_space<vmem>>
        %dma_start3A_54 = arith.constant 0 : i32
        %dma_start3A_55 = tpu.memref_slice %arg5[%multiple_of3A_51, %dma_start3A_54] : memref<10112x128xf32, #tpu.memory_space<hbm>> -> memref<120x128xf32, #tpu.memory_space<hbm>>
        %dma_start3A_56 = arith.constant 0 : i32
        %dma_start3A_57 = tpu.memref_slice %arg5[%multiple_of3A_51, %dma_start3A_56] : memref<10112x128xf32, #tpu.memory_space<hbm>> -> memref<120x128xf32, #tpu.memory_space<hbm>>
        %dma_start3A_58 = arith.constant 0 : i32
        %dma_start3A_59 = arith.constant 0 : i32
        %dma_start3A_60 = tpu.memref_slice %arg10[%dma_start3A_58, %dma_start3A_59] : memref<128x128xf32, #tpu.memory_space<vmem>> -> memref<120x128xf32, #tpu.memory_space<vmem>>
        tpu.enqueue_dma source(%dma_start3A_60 : memref<120x128xf32, #tpu.memory_space<vmem>>) target(%dma_start3A_57 : memref<120x128xf32, #tpu.memory_space<hbm>>) target_semaphore(%run_scoped3A : memref<!tpu.dma_semaphore, #tpu.memory_space<semaphore_mem>>)
        %dma_wait3A_61 = arith.constant 0 : i32
        %dma_wait3A_62 = arith.constant 0 : i32
        %dma_wait3A_63 = tpu.memref_slice %arg10[%dma_wait3A_61, %dma_wait3A_62] : memref<128x128xf32, #tpu.memory_space<vmem>> -> memref<120x128xf32, #tpu.memory_space<vmem>>
        %dma_wait3A_64 = arith.constant 0 : i32
        %dma_wait3A_65 = tpu.memref_slice %arg5[%multiple_of3A_51, %dma_wait3A_64] : memref<10112x128xf32, #tpu.memory_space<hbm>> -> memref<120x128xf32, #tpu.memory_space<hbm>>
        %dma_wait3A_66 = arith.constant 0 : i32
        %dma_wait3A_67 = tpu.memref_slice %arg5[%multiple_of3A_51, %dma_wait3A_66] : memref<10112x128xf32, #tpu.memory_space<hbm>> -> memref<120x128xf32, #tpu.memory_space<hbm>>
        %dma_wait3A_68 = arith.constant 0 : i32
        %dma_wait3A_69 = arith.constant 0 : i32
        %dma_wait3A_70 = tpu.memref_slice %arg10[%dma_wait3A_68, %dma_wait3A_69] : memref<128x128xf32, #tpu.memory_space<vmem>> -> memref<120x128xf32, #tpu.memory_space<vmem>>
        tpu.wait_dma2 semaphore(%run_scoped3A : memref<!tpu.dma_semaphore, #tpu.memory_space<semaphore_mem>>) src(%dma_wait3A_70 : memref<120x128xf32, #tpu.memory_space<vmem>>) dst(%dma_wait3A_67 : memref<120x128xf32, #tpu.memory_space<hbm>>)
        tpu.yield
      }) : () -> ()
    } else {
    }
    %eq3A_38 = arith.constant 1 : i32
    %eq3A_39 = arith.cmpi eq, %arg0, %eq3A_38 : i32
    %convert_element_type3A_40 = arith.extui %eq3A_39 : i1 to i32
    %cond3A_41 = arith.constant 0 : i32
    %cond3A_42 = arith.cmpi ne, %convert_element_type3A_40, %cond3A_41 : i32
    scf.if %cond3A_42 {
      %scan3A_43 = arith.constant 0 : i32
      %scan3A_44 = arith.constant 0 : i32
      %scan3A_45 = arith.constant 4 : i32
      %scan3A_46 = arith.addi %scan3A_44, %scan3A_45 : i32
      %scan3A_47 = arith.constant 1 : i32
      scf.for %scan3A_52 = %scan3A_44 to %scan3A_46 step %scan3A_47  : i32 {
        %mul3A_53 = arith.constant 128 : i32
        %mul3A_54 = arith.muli %scan3A_52, %mul3A_53 : i32
        %add3A_55 = arith.addi %mul3A_2, %mul3A_54 : i32
        %multiple_of3A_56 = tpu.assume_multiple %add3A_55, 8 : i32
        "tpu.region"() ({
          %run_scoped3A = tpu.sem_alloc : memref<!tpu.dma_semaphore, #tpu.memory_space<semaphore_mem>>
          %dma_start3A = arith.constant 0 : i32
          %dma_start3A_57 = tpu.memref_slice %arg13[%multiple_of3A_56, %dma_start3A] : memref<10112x128xf32, #tpu.memory_space<vmem_shared>> -> memref<128x128xf32, #tpu.memory_space<vmem_shared>>
          %dma_start3A_58 = arith.constant 0 : i32
          %dma_start3A_59 = tpu.memref_slice %arg13[%multiple_of3A_56, %dma_start3A_58] : memref<10112x128xf32, #tpu.memory_space<vmem_shared>> -> memref<128x128xf32, #tpu.memory_space<vmem_shared>>
          tpu.enqueue_dma source(%dma_start3A_59 : memref<128x128xf32, #tpu.memory_space<vmem_shared>>) target(%arg10 : memref<128x128xf32, #tpu.memory_space<vmem>>) target_semaphore(%run_scoped3A : memref<!tpu.dma_semaphore, #tpu.memory_space<semaphore_mem>>)
          %dma_wait3A_60 = arith.constant 0 : i32
          %dma_wait3A_61 = tpu.memref_slice %arg13[%multiple_of3A_56, %dma_wait3A_60] : memref<10112x128xf32, #tpu.memory_space<vmem_shared>> -> memref<128x128xf32, #tpu.memory_space<vmem_shared>>
          %dma_wait3A_62 = arith.constant 0 : i32
          %dma_wait3A_63 = tpu.memref_slice %arg13[%multiple_of3A_56, %dma_wait3A_62] : memref<10112x128xf32, #tpu.memory_space<vmem_shared>> -> memref<128x128xf32, #tpu.memory_space<vmem_shared>>
          tpu.wait_dma2 semaphore(%run_scoped3A : memref<!tpu.dma_semaphore, #tpu.memory_space<semaphore_mem>>) src(%dma_wait3A_63 : memref<128x128xf32, #tpu.memory_space<vmem_shared>>) dst(%arg10 : memref<128x128xf32, #tpu.memory_space<vmem>>)
          tpu.yield
        }) : () -> ()
        "tpu.region"() ({
          %run_scoped3A = tpu.sem_alloc : memref<!tpu.dma_semaphore, #tpu.memory_space<semaphore_mem>>
          %dma_start3A = arith.constant 0 : i32
          %dma_start3A_57 = tpu.memref_slice %arg6[%multiple_of3A_56, %dma_start3A] : memref<10112x128xf32, #tpu.memory_space<hbm>> -> memref<128x128xf32, #tpu.memory_space<hbm>>
          %dma_start3A_58 = arith.constant 0 : i32
          %dma_start3A_59 = tpu.memref_slice %arg6[%multiple_of3A_56, %dma_start3A_58] : memref<10112x128xf32, #tpu.memory_space<hbm>> -> memref<128x128xf32, #tpu.memory_space<hbm>>
          tpu.enqueue_dma source(%arg10 : memref<128x128xf32, #tpu.memory_space<vmem>>) target(%dma_start3A_59 : memref<128x128xf32, #tpu.memory_space<hbm>>) target_semaphore(%run_scoped3A : memref<!tpu.dma_semaphore, #tpu.memory_space<semaphore_mem>>)
          %dma_wait3A_60 = arith.constant 0 : i32
          %dma_wait3A_61 = tpu.memref_slice %arg6[%multiple_of3A_56, %dma_wait3A_60] : memref<10112x128xf32, #tpu.memory_space<hbm>> -> memref<128x128xf32, #tpu.memory_space<hbm>>
          %dma_wait3A_62 = arith.constant 0 : i32
          %dma_wait3A_63 = tpu.memref_slice %arg6[%multiple_of3A_56, %dma_wait3A_62] : memref<10112x128xf32, #tpu.memory_space<hbm>> -> memref<128x128xf32, #tpu.memory_space<hbm>>
          tpu.wait_dma2 semaphore(%run_scoped3A : memref<!tpu.dma_semaphore, #tpu.memory_space<semaphore_mem>>) src(%arg10 : memref<128x128xf32, #tpu.memory_space<vmem>>) dst(%dma_wait3A_63 : memref<128x128xf32, #tpu.memory_space<hbm>>)
          tpu.yield
        }) : () -> ()
      }
      %scan3A_48 = arith.constant 4 : i32
      %add3A_49 = arith.constant 512 : i32
      %add3A_50 = arith.addi %mul3A_2, %add3A_49 : i32
      %multiple_of3A_51 = tpu.assume_multiple %add3A_50, 8 : i32
      "tpu.region"() ({
        %run_scoped3A = tpu.sem_alloc : memref<!tpu.dma_semaphore, #tpu.memory_space<semaphore_mem>>
        %dma_start3A = arith.constant 0 : i32
        %dma_start3A_52 = arith.constant 0 : i32
        %dma_start3A_53 = tpu.memref_slice %arg10[%dma_start3A, %dma_start3A_52] : memref<128x128xf32, #tpu.memory_space<vmem>> -> memref<120x128xf32, #tpu.memory_space<vmem>>
        %dma_start3A_54 = arith.constant 0 : i32
        %dma_start3A_55 = tpu.memref_slice %arg13[%multiple_of3A_51, %dma_start3A_54] : memref<10112x128xf32, #tpu.memory_space<vmem_shared>> -> memref<120x128xf32, #tpu.memory_space<vmem_shared>>
        %dma_start3A_56 = arith.constant 0 : i32
        %dma_start3A_57 = arith.constant 0 : i32
        %dma_start3A_58 = tpu.memref_slice %arg10[%dma_start3A_56, %dma_start3A_57] : memref<128x128xf32, #tpu.memory_space<vmem>> -> memref<120x128xf32, #tpu.memory_space<vmem>>
        %dma_start3A_59 = arith.constant 0 : i32
        %dma_start3A_60 = tpu.memref_slice %arg13[%multiple_of3A_51, %dma_start3A_59] : memref<10112x128xf32, #tpu.memory_space<vmem_shared>> -> memref<120x128xf32, #tpu.memory_space<vmem_shared>>
        tpu.enqueue_dma source(%dma_start3A_60 : memref<120x128xf32, #tpu.memory_space<vmem_shared>>) target(%dma_start3A_58 : memref<120x128xf32, #tpu.memory_space<vmem>>) target_semaphore(%run_scoped3A : memref<!tpu.dma_semaphore, #tpu.memory_space<semaphore_mem>>)
        %dma_wait3A_61 = arith.constant 0 : i32
        %dma_wait3A_62 = arith.constant 0 : i32
        %dma_wait3A_63 = tpu.memref_slice %arg10[%dma_wait3A_61, %dma_wait3A_62] : memref<128x128xf32, #tpu.memory_space<vmem>> -> memref<120x128xf32, #tpu.memory_space<vmem>>
        %dma_wait3A_64 = arith.constant 0 : i32
        %dma_wait3A_65 = tpu.memref_slice %arg13[%multiple_of3A_51, %dma_wait3A_64] : memref<10112x128xf32, #tpu.memory_space<vmem_shared>> -> memref<120x128xf32, #tpu.memory_space<vmem_shared>>
        %dma_wait3A_66 = arith.constant 0 : i32
        %dma_wait3A_67 = arith.constant 0 : i32
        %dma_wait3A_68 = tpu.memref_slice %arg10[%dma_wait3A_66, %dma_wait3A_67] : memref<128x128xf32, #tpu.memory_space<vmem>> -> memref<120x128xf32, #tpu.memory_space<vmem>>
        %dma_wait3A_69 = arith.constant 0 : i32
        %dma_wait3A_70 = tpu.memref_slice %arg13[%multiple_of3A_51, %dma_wait3A_69] : memref<10112x128xf32, #tpu.memory_space<vmem_shared>> -> memref<120x128xf32, #tpu.memory_space<vmem_shared>>
        tpu.wait_dma2 semaphore(%run_scoped3A : memref<!tpu.dma_semaphore, #tpu.memory_space<semaphore_mem>>) src(%dma_wait3A_70 : memref<120x128xf32, #tpu.memory_space<vmem_shared>>) dst(%dma_wait3A_68 : memref<120x128xf32, #tpu.memory_space<vmem>>)
        tpu.yield
      }) : () -> ()
      "tpu.region"() ({
        %run_scoped3A = tpu.sem_alloc : memref<!tpu.dma_semaphore, #tpu.memory_space<semaphore_mem>>
        %dma_start3A = arith.constant 0 : i32
        %dma_start3A_52 = arith.constant 0 : i32
        %dma_start3A_53 = tpu.memref_slice %arg10[%dma_start3A, %dma_start3A_52] : memref<128x128xf32, #tpu.memory_space<vmem>> -> memref<120x128xf32, #tpu.memory_space<vmem>>
        %dma_start3A_54 = arith.constant 0 : i32
        %dma_start3A_55 = tpu.memref_slice %arg6[%multiple_of3A_51, %dma_start3A_54] : memref<10112x128xf32, #tpu.memory_space<hbm>> -> memref<120x128xf32, #tpu.memory_space<hbm>>
        %dma_start3A_56 = arith.constant 0 : i32
        %dma_start3A_57 = tpu.memref_slice %arg6[%multiple_of3A_51, %dma_start3A_56] : memref<10112x128xf32, #tpu.memory_space<hbm>> -> memref<120x128xf32, #tpu.memory_space<hbm>>
        %dma_start3A_58 = arith.constant 0 : i32
        %dma_start3A_59 = arith.constant 0 : i32
        %dma_start3A_60 = tpu.memref_slice %arg10[%dma_start3A_58, %dma_start3A_59] : memref<128x128xf32, #tpu.memory_space<vmem>> -> memref<120x128xf32, #tpu.memory_space<vmem>>
        tpu.enqueue_dma source(%dma_start3A_60 : memref<120x128xf32, #tpu.memory_space<vmem>>) target(%dma_start3A_57 : memref<120x128xf32, #tpu.memory_space<hbm>>) target_semaphore(%run_scoped3A : memref<!tpu.dma_semaphore, #tpu.memory_space<semaphore_mem>>)
        %dma_wait3A_61 = arith.constant 0 : i32
        %dma_wait3A_62 = arith.constant 0 : i32
        %dma_wait3A_63 = tpu.memref_slice %arg10[%dma_wait3A_61, %dma_wait3A_62] : memref<128x128xf32, #tpu.memory_space<vmem>> -> memref<120x128xf32, #tpu.memory_space<vmem>>
        %dma_wait3A_64 = arith.constant 0 : i32
        %dma_wait3A_65 = tpu.memref_slice %arg6[%multiple_of3A_51, %dma_wait3A_64] : memref<10112x128xf32, #tpu.memory_space<hbm>> -> memref<120x128xf32, #tpu.memory_space<hbm>>
        %dma_wait3A_66 = arith.constant 0 : i32
        %dma_wait3A_67 = tpu.memref_slice %arg6[%multiple_of3A_51, %dma_wait3A_66] : memref<10112x128xf32, #tpu.memory_space<hbm>> -> memref<120x128xf32, #tpu.memory_space<hbm>>
        %dma_wait3A_68 = arith.constant 0 : i32
        %dma_wait3A_69 = arith.constant 0 : i32
        %dma_wait3A_70 = tpu.memref_slice %arg10[%dma_wait3A_68, %dma_wait3A_69] : memref<128x128xf32, #tpu.memory_space<vmem>> -> memref<120x128xf32, #tpu.memory_space<vmem>>
        tpu.wait_dma2 semaphore(%run_scoped3A : memref<!tpu.dma_semaphore, #tpu.memory_space<semaphore_mem>>) src(%dma_wait3A_70 : memref<120x128xf32, #tpu.memory_space<vmem>>) dst(%dma_wait3A_67 : memref<120x128xf32, #tpu.memory_space<hbm>>)
        tpu.yield
      }) : () -> ()
    } else {
    }
    return
  }
}

#map = affine_map<(d0, d1) -> (0)>
#map1 = affine_map<(d0, d1) -> (0, 0)>
module attributes {stable_mosaic.version = 14 : i64} {
  func.func @_sc_cnt_body(%arg0: i32, %arg1: i32, %arg2: memref<327680xi32, #tpu.memory_space<hbm>>, %arg3: memref<10112x128xf32, #tpu.memory_space<hbm>>, %arg4: memref<128x128xf32, #tpu.memory_space<hbm>>, %arg5: memref<10112x128xf32, #tpu.memory_space<hbm>>, %arg6: memref<10112x128xf32, #tpu.memory_space<hbm>>, %arg7: memref<2x128xi32, #tpu.memory_space<vmem>>, %arg8: memref<128x128xf32, #tpu.memory_space<vmem>>, %arg9: memref<128x128xf32, #tpu.memory_space<vmem>>, %arg10: memref<2x!tpu.dma_semaphore, #tpu.memory_space<semaphore_mem>>, %arg11: memref<10112x128xf32, #tpu.memory_space<vmem_shared>>) attributes {dimension_semantics = [#tpu.dimension_semantics<core_parallel>, #tpu.dimension_semantics<subcore_parallel>], iteration_bounds = array<i64: 2, 16>, scalar_prefetch = 0 : i64, scratch_operands = 5 : i64, tpu.core_type = #tpu.core_type<sc_vector_subcore>, window_params = [{transform_indices = #map}, {transform_indices = #map1}, {transform_indices = #map1}, {transform_indices = #map1}, {transform_indices = #map1}]} {
    %mul3A = arith.constant 2 : i32
    %mul3A_0 = arith.muli %arg1, %mul3A : i32
    %add3A = arith.addi %mul3A_0, %arg0 : i32
    %mul3A_1 = arith.constant 632 : i32
    %mul3A_2 = arith.muli %arg1, %mul3A_1 : i32
    %mul3A_3 = arith.constant 80 : i32
    %mul3A_4 = arith.muli %add3A, %mul3A_3 : i32
    "tpu.region"() ({
      %run_scoped3A = tpu.sem_alloc : memref<!tpu.dma_semaphore, #tpu.memory_space<semaphore_mem>>
      tpu.enqueue_dma source(%arg4 : memref<128x128xf32, #tpu.memory_space<hbm>>) target(%arg8 : memref<128x128xf32, #tpu.memory_space<vmem>>) target_semaphore(%run_scoped3A : memref<!tpu.dma_semaphore, #tpu.memory_space<semaphore_mem>>)
      tpu.wait_dma2 semaphore(%run_scoped3A : memref<!tpu.dma_semaphore, #tpu.memory_space<semaphore_mem>>) src(%arg4 : memref<128x128xf32, #tpu.memory_space<hbm>>) dst(%arg8 : memref<128x128xf32, #tpu.memory_space<vmem>>)
      tpu.yield
    }) : () -> ()
    %scan3A = arith.constant 0 : i32
    %scan3A_5 = arith.constant 0 : i32
    %scan3A_6 = arith.constant 4 : i32
    %scan3A_7 = arith.addi %scan3A_5, %scan3A_6 : i32
    %scan3A_8 = arith.constant 1 : i32
    scf.for %scan3A_26 = %scan3A_5 to %scan3A_7 step %scan3A_8  : i32 {
      %mul3A_27 = arith.constant 128 : i32
      %mul3A_28 = arith.muli %scan3A_26, %mul3A_27 : i32
      %add3A_29 = arith.addi %mul3A_2, %mul3A_28 : i32
      %multiple_of3A_30 = tpu.assume_multiple %add3A_29, 8 : i32
      "tpu.region"() ({
        %run_scoped3A = tpu.sem_alloc : memref<!tpu.dma_semaphore, #tpu.memory_space<semaphore_mem>>
        %dma_start3A = arith.constant 0 : i32
        %dma_start3A_31 = tpu.memref_slice %arg3[%multiple_of3A_30, %dma_start3A] : memref<10112x128xf32, #tpu.memory_space<hbm>> -> memref<128x128xf32, #tpu.memory_space<hbm>>
        %dma_start3A_32 = arith.constant 0 : i32
        %dma_start3A_33 = tpu.memref_slice %arg3[%multiple_of3A_30, %dma_start3A_32] : memref<10112x128xf32, #tpu.memory_space<hbm>> -> memref<128x128xf32, #tpu.memory_space<hbm>>
        tpu.enqueue_dma source(%dma_start3A_33 : memref<128x128xf32, #tpu.memory_space<hbm>>) target(%arg9 : memref<128x128xf32, #tpu.memory_space<vmem>>) target_semaphore(%run_scoped3A : memref<!tpu.dma_semaphore, #tpu.memory_space<semaphore_mem>>)
        %dma_wait3A = arith.constant 0 : i32
        %dma_wait3A_34 = tpu.memref_slice %arg3[%multiple_of3A_30, %dma_wait3A] : memref<10112x128xf32, #tpu.memory_space<hbm>> -> memref<128x128xf32, #tpu.memory_space<hbm>>
        %dma_wait3A_35 = arith.constant 0 : i32
        %dma_wait3A_36 = tpu.memref_slice %arg3[%multiple_of3A_30, %dma_wait3A_35] : memref<10112x128xf32, #tpu.memory_space<hbm>> -> memref<128x128xf32, #tpu.memory_space<hbm>>
        tpu.wait_dma2 semaphore(%run_scoped3A : memref<!tpu.dma_semaphore, #tpu.memory_space<semaphore_mem>>) src(%dma_wait3A_36 : memref<128x128xf32, #tpu.memory_space<hbm>>) dst(%arg9 : memref<128x128xf32, #tpu.memory_space<vmem>>)
        tpu.yield
      }) : () -> ()
      "tpu.region"() ({
        %run_scoped3A = tpu.sem_alloc : memref<!tpu.dma_semaphore, #tpu.memory_space<semaphore_mem>>
        %dma_start3A = arith.constant 0 : i32
        %dma_start3A_31 = tpu.memref_slice %arg11[%multiple_of3A_30, %dma_start3A] : memref<10112x128xf32, #tpu.memory_space<vmem_shared>> -> memref<128x128xf32, #tpu.memory_space<vmem_shared>>
        %dma_start3A_32 = arith.constant 0 : i32
        %dma_start3A_33 = tpu.memref_slice %arg11[%multiple_of3A_30, %dma_start3A_32] : memref<10112x128xf32, #tpu.memory_space<vmem_shared>> -> memref<128x128xf32, #tpu.memory_space<vmem_shared>>
        tpu.enqueue_dma source(%arg9 : memref<128x128xf32, #tpu.memory_space<vmem>>) target(%dma_start3A_33 : memref<128x128xf32, #tpu.memory_space<vmem_shared>>) target_semaphore(%run_scoped3A : memref<!tpu.dma_semaphore, #tpu.memory_space<semaphore_mem>>)
        %dma_wait3A = arith.constant 0 : i32
        %dma_wait3A_34 = tpu.memref_slice %arg11[%multiple_of3A_30, %dma_wait3A] : memref<10112x128xf32, #tpu.memory_space<vmem_shared>> -> memref<128x128xf32, #tpu.memory_space<vmem_shared>>
        %dma_wait3A_35 = arith.constant 0 : i32
        %dma_wait3A_36 = tpu.memref_slice %arg11[%multiple_of3A_30, %dma_wait3A_35] : memref<10112x128xf32, #tpu.memory_space<vmem_shared>> -> memref<128x128xf32, #tpu.memory_space<vmem_shared>>
        tpu.wait_dma2 semaphore(%run_scoped3A : memref<!tpu.dma_semaphore, #tpu.memory_space<semaphore_mem>>) src(%arg9 : memref<128x128xf32, #tpu.memory_space<vmem>>) dst(%dma_wait3A_36 : memref<128x128xf32, #tpu.memory_space<vmem_shared>>)
        tpu.yield
      }) : () -> ()
    }
    %scan3A_9 = arith.constant 4 : i32
    %add3A_10 = arith.constant 512 : i32
    %add3A_11 = arith.addi %mul3A_2, %add3A_10 : i32
    %multiple_of3A = tpu.assume_multiple %add3A_11, 8 : i32
    "tpu.region"() ({
      %run_scoped3A = tpu.sem_alloc : memref<!tpu.dma_semaphore, #tpu.memory_space<semaphore_mem>>
      %dma_start3A = arith.constant 0 : i32
      %dma_start3A_26 = arith.constant 0 : i32
      %dma_start3A_27 = tpu.memref_slice %arg9[%dma_start3A, %dma_start3A_26] : memref<128x128xf32, #tpu.memory_space<vmem>> -> memref<120x128xf32, #tpu.memory_space<vmem>>
      %dma_start3A_28 = arith.constant 0 : i32
      %dma_start3A_29 = tpu.memref_slice %arg3[%multiple_of3A, %dma_start3A_28] : memref<10112x128xf32, #tpu.memory_space<hbm>> -> memref<120x128xf32, #tpu.memory_space<hbm>>
      %dma_start3A_30 = arith.constant 0 : i32
      %dma_start3A_31 = arith.constant 0 : i32
      %dma_start3A_32 = tpu.memref_slice %arg9[%dma_start3A_30, %dma_start3A_31] : memref<128x128xf32, #tpu.memory_space<vmem>> -> memref<120x128xf32, #tpu.memory_space<vmem>>
      %dma_start3A_33 = arith.constant 0 : i32
      %dma_start3A_34 = tpu.memref_slice %arg3[%multiple_of3A, %dma_start3A_33] : memref<10112x128xf32, #tpu.memory_space<hbm>> -> memref<120x128xf32, #tpu.memory_space<hbm>>
      tpu.enqueue_dma source(%dma_start3A_34 : memref<120x128xf32, #tpu.memory_space<hbm>>) target(%dma_start3A_32 : memref<120x128xf32, #tpu.memory_space<vmem>>) target_semaphore(%run_scoped3A : memref<!tpu.dma_semaphore, #tpu.memory_space<semaphore_mem>>)
      %dma_wait3A = arith.constant 0 : i32
      %dma_wait3A_35 = arith.constant 0 : i32
      %dma_wait3A_36 = tpu.memref_slice %arg9[%dma_wait3A, %dma_wait3A_35] : memref<128x128xf32, #tpu.memory_space<vmem>> -> memref<120x128xf32, #tpu.memory_space<vmem>>
      %dma_wait3A_37 = arith.constant 0 : i32
      %dma_wait3A_38 = tpu.memref_slice %arg3[%multiple_of3A, %dma_wait3A_37] : memref<10112x128xf32, #tpu.memory_space<hbm>> -> memref<120x128xf32, #tpu.memory_space<hbm>>
      %dma_wait3A_39 = arith.constant 0 : i32
      %dma_wait3A_40 = arith.constant 0 : i32
      %dma_wait3A_41 = tpu.memref_slice %arg9[%dma_wait3A_39, %dma_wait3A_40] : memref<128x128xf32, #tpu.memory_space<vmem>> -> memref<120x128xf32, #tpu.memory_space<vmem>>
      %dma_wait3A_42 = arith.constant 0 : i32
      %dma_wait3A_43 = tpu.memref_slice %arg3[%multiple_of3A, %dma_wait3A_42] : memref<10112x128xf32, #tpu.memory_space<hbm>> -> memref<120x128xf32, #tpu.memory_space<hbm>>
      tpu.wait_dma2 semaphore(%run_scoped3A : memref<!tpu.dma_semaphore, #tpu.memory_space<semaphore_mem>>) src(%dma_wait3A_43 : memref<120x128xf32, #tpu.memory_space<hbm>>) dst(%dma_wait3A_41 : memref<120x128xf32, #tpu.memory_space<vmem>>)
      tpu.yield
    }) : () -> ()
    "tpu.region"() ({
      %run_scoped3A = tpu.sem_alloc : memref<!tpu.dma_semaphore, #tpu.memory_space<semaphore_mem>>
      %dma_start3A = arith.constant 0 : i32
      %dma_start3A_26 = arith.constant 0 : i32
      %dma_start3A_27 = tpu.memref_slice %arg9[%dma_start3A, %dma_start3A_26] : memref<128x128xf32, #tpu.memory_space<vmem>> -> memref<120x128xf32, #tpu.memory_space<vmem>>
      %dma_start3A_28 = arith.constant 0 : i32
      %dma_start3A_29 = tpu.memref_slice %arg11[%multiple_of3A, %dma_start3A_28] : memref<10112x128xf32, #tpu.memory_space<vmem_shared>> -> memref<120x128xf32, #tpu.memory_space<vmem_shared>>
      %dma_start3A_30 = arith.constant 0 : i32
      %dma_start3A_31 = tpu.memref_slice %arg11[%multiple_of3A, %dma_start3A_30] : memref<10112x128xf32, #tpu.memory_space<vmem_shared>> -> memref<120x128xf32, #tpu.memory_space<vmem_shared>>
      %dma_start3A_32 = arith.constant 0 : i32
      %dma_start3A_33 = arith.constant 0 : i32
      %dma_start3A_34 = tpu.memref_slice %arg9[%dma_start3A_32, %dma_start3A_33] : memref<128x128xf32, #tpu.memory_space<vmem>> -> memref<120x128xf32, #tpu.memory_space<vmem>>
      tpu.enqueue_dma source(%dma_start3A_34 : memref<120x128xf32, #tpu.memory_space<vmem>>) target(%dma_start3A_31 : memref<120x128xf32, #tpu.memory_space<vmem_shared>>) target_semaphore(%run_scoped3A : memref<!tpu.dma_semaphore, #tpu.memory_space<semaphore_mem>>)
      %dma_wait3A = arith.constant 0 : i32
      %dma_wait3A_35 = arith.constant 0 : i32
      %dma_wait3A_36 = tpu.memref_slice %arg9[%dma_wait3A, %dma_wait3A_35] : memref<128x128xf32, #tpu.memory_space<vmem>> -> memref<120x128xf32, #tpu.memory_space<vmem>>
      %dma_wait3A_37 = arith.constant 0 : i32
      %dma_wait3A_38 = tpu.memref_slice %arg11[%multiple_of3A, %dma_wait3A_37] : memref<10112x128xf32, #tpu.memory_space<vmem_shared>> -> memref<120x128xf32, #tpu.memory_space<vmem_shared>>
      %dma_wait3A_39 = arith.constant 0 : i32
      %dma_wait3A_40 = tpu.memref_slice %arg11[%multiple_of3A, %dma_wait3A_39] : memref<10112x128xf32, #tpu.memory_space<vmem_shared>> -> memref<120x128xf32, #tpu.memory_space<vmem_shared>>
      %dma_wait3A_41 = arith.constant 0 : i32
      %dma_wait3A_42 = arith.constant 0 : i32
      %dma_wait3A_43 = tpu.memref_slice %arg9[%dma_wait3A_41, %dma_wait3A_42] : memref<128x128xf32, #tpu.memory_space<vmem>> -> memref<120x128xf32, #tpu.memory_space<vmem>>
      tpu.wait_dma2 semaphore(%run_scoped3A : memref<!tpu.dma_semaphore, #tpu.memory_space<semaphore_mem>>) src(%dma_wait3A_43 : memref<120x128xf32, #tpu.memory_space<vmem>>) dst(%dma_wait3A_40 : memref<120x128xf32, #tpu.memory_space<vmem_shared>>)
      tpu.yield
    }) : () -> ()
    %barrier3A = arith.constant 0 : index
    tpu.barrier barrier_id(%barrier3A)
    %scan3A_12 = arith.constant 0 : i32
    %scan3A_13 = arith.constant 0 : i32
    %scan3A_14 = arith.constant 82 : i32
    %scan3A_15 = arith.addi %scan3A_13, %scan3A_14 : i32
    %scan3A_16 = arith.constant 1 : i32
    scf.for %scan3A_26 = %scan3A_13 to %scan3A_15 step %scan3A_16  : i32 {
      %jit3A = arith.constant 2 : i32
      %eq3A_27 = arith.constant 0 : i32
      %eq3A_28 = arith.cmpi eq, %jit3A, %eq3A_27 : i32
      %jit3A_29 = arith.constant 1 : i32
      %select_n3A = arith.select %eq3A_28, %jit3A_29, %jit3A : i32
      %rem3A = arith.remsi %scan3A_26, %select_n3A : i32
      %ne3A = arith.constant 0 : i32
      %ne3A_30 = arith.cmpi ne, %rem3A, %ne3A : i32
      %lt3A = arith.constant 0 : i32
      %lt3A_31 = arith.cmpi slt, %rem3A, %lt3A : i32
      %lt3A_32 = arith.constant 0 : i32
      %lt3A_33 = arith.cmpi slt, %select_n3A, %lt3A_32 : i32
      %ne3A_34 = arith.xori %lt3A_31, %lt3A_33 : i1
      %and3A = arith.andi %ne3A_34, %ne3A_30 : i1
      %add3A_35 = arith.addi %rem3A, %select_n3A : i32
      %select_n3A_36 = arith.select %and3A, %add3A_35, %rem3A : i32
      %ge3A = arith.constant 2 : i32
      %ge3A_37 = arith.cmpi sge, %scan3A_26, %ge3A : i32
      %convert_element_type3A_38 = arith.extui %ge3A_37 : i1 to i32
      %cond3A_39 = arith.constant 0 : i32
      %cond3A_40 = arith.cmpi ne, %convert_element_type3A_38, %cond3A_39 : i32
      scf.if %cond3A_40 {
        %dma_wait3A = tpu.memref_slice %arg10[%select_n3A_36] : memref<2x!tpu.dma_semaphore, #tpu.memory_space<semaphore_mem>> -> memref<1x!tpu.dma_semaphore, #tpu.memory_space<semaphore_mem>>
        %dma_wait3A_45 = tpu.memref_squeeze %dma_wait3A : memref<1x!tpu.dma_semaphore, #tpu.memory_space<semaphore_mem>> -> memref<!tpu.dma_semaphore, #tpu.memory_space<semaphore_mem>>
        tpu.wait_dma2 semaphore(%dma_wait3A_45 : memref<!tpu.dma_semaphore, #tpu.memory_space<semaphore_mem>>) src(%arg4 : memref<128x128xf32, #tpu.memory_space<hbm>>) dst(%arg8 : memref<128x128xf32, #tpu.memory_space<vmem>>)
      } else {
      }
      %le3A = arith.constant 79 : i32
      %le3A_41 = arith.cmpi sle, %scan3A_26, %le3A : i32
      %convert_element_type3A_42 = arith.extui %le3A_41 : i1 to i32
      %cond3A_43 = arith.constant 0 : i32
      %cond3A_44 = arith.cmpi ne, %convert_element_type3A_42, %cond3A_43 : i32
      scf.if %cond3A_44 {
        %add3A_45 = arith.addi %mul3A_4, %scan3A_26 : i32
        %mul3A_46 = arith.constant 128 : i32
        %mul3A_47 = arith.muli %add3A_45, %mul3A_46 : i32
        %multiple_of3A_48 = tpu.assume_multiple %mul3A_47, 128 : i32
        "tpu.region"() ({
          %run_scoped3A = tpu.sem_alloc : memref<!tpu.dma_semaphore, #tpu.memory_space<semaphore_mem>>
          %dma_start3A_56 = arith.constant 0 : i32
          %dma_start3A_57 = tpu.memref_slice %arg7[%select_n3A_36, %dma_start3A_56] : memref<2x128xi32, #tpu.memory_space<vmem>> -> memref<1x128xi32, #tpu.memory_space<vmem>>
          %dma_start3A_58 = tpu.memref_squeeze %dma_start3A_57 : memref<1x128xi32, #tpu.memory_space<vmem>> -> memref<128xi32, #tpu.memory_space<vmem>>
          %dma_start3A_59 = tpu.memref_slice %arg2[%multiple_of3A_48] : memref<327680xi32, #tpu.memory_space<hbm>> -> memref<128xi32, #tpu.memory_space<hbm>>
          %dma_start3A_60 = arith.constant 0 : i32
          %dma_start3A_61 = tpu.memref_slice %arg7[%select_n3A_36, %dma_start3A_60] : memref<2x128xi32, #tpu.memory_space<vmem>> -> memref<1x128xi32, #tpu.memory_space<vmem>>
          %dma_start3A_62 = tpu.memref_squeeze %dma_start3A_61 : memref<1x128xi32, #tpu.memory_space<vmem>> -> memref<128xi32, #tpu.memory_space<vmem>>
          %dma_start3A_63 = tpu.memref_slice %arg2[%multiple_of3A_48] : memref<327680xi32, #tpu.memory_space<hbm>> -> memref<128xi32, #tpu.memory_space<hbm>>
          tpu.enqueue_dma source(%dma_start3A_63 : memref<128xi32, #tpu.memory_space<hbm>>) target(%dma_start3A_62 : memref<128xi32, #tpu.memory_space<vmem>>) target_semaphore(%run_scoped3A : memref<!tpu.dma_semaphore, #tpu.memory_space<semaphore_mem>>)
          %dma_wait3A = arith.constant 0 : i32
          %dma_wait3A_64 = tpu.memref_slice %arg7[%select_n3A_36, %dma_wait3A] : memref<2x128xi32, #tpu.memory_space<vmem>> -> memref<1x128xi32, #tpu.memory_space<vmem>>
          %dma_wait3A_65 = tpu.memref_squeeze %dma_wait3A_64 : memref<1x128xi32, #tpu.memory_space<vmem>> -> memref<128xi32, #tpu.memory_space<vmem>>
          %dma_wait3A_66 = tpu.memref_slice %arg2[%multiple_of3A_48] : memref<327680xi32, #tpu.memory_space<hbm>> -> memref<128xi32, #tpu.memory_space<hbm>>
          %dma_wait3A_67 = arith.constant 0 : i32
          %dma_wait3A_68 = tpu.memref_slice %arg7[%select_n3A_36, %dma_wait3A_67] : memref<2x128xi32, #tpu.memory_space<vmem>> -> memref<1x128xi32, #tpu.memory_space<vmem>>
          %dma_wait3A_69 = tpu.memref_squeeze %dma_wait3A_68 : memref<1x128xi32, #tpu.memory_space<vmem>> -> memref<128xi32, #tpu.memory_space<vmem>>
          %dma_wait3A_70 = tpu.memref_slice %arg2[%multiple_of3A_48] : memref<327680xi32, #tpu.memory_space<hbm>> -> memref<128xi32, #tpu.memory_space<hbm>>
          tpu.wait_dma2 semaphore(%run_scoped3A : memref<!tpu.dma_semaphore, #tpu.memory_space<semaphore_mem>>) src(%dma_wait3A_70 : memref<128xi32, #tpu.memory_space<hbm>>) dst(%dma_wait3A_69 : memref<128xi32, #tpu.memory_space<vmem>>)
          tpu.yield
        }) : () -> ()
        %dma_start3A = arith.constant 0 : i32
        %dma_start3A_49 = tpu.memref_slice %arg7[%select_n3A_36, %dma_start3A] : memref<2x128xi32, #tpu.memory_space<vmem>> -> memref<1x128xi32, #tpu.memory_space<vmem>>
        %dma_start3A_50 = tpu.memref_squeeze %dma_start3A_49 : memref<1x128xi32, #tpu.memory_space<vmem>> -> memref<128xi32, #tpu.memory_space<vmem>>
        %dma_start3A_51 = arith.constant 0 : i32
        %dma_start3A_52 = arith.constant 0 : i32
        %dma_start3A_53 = tpu.memref_slice %arg11[%dma_start3A_51, %dma_start3A_52] : memref<10112x128xf32, #tpu.memory_space<vmem_shared>> -> memref<10112x128xf32, #tpu.memory_space<vmem_shared>>
        %dma_start3A_54 = tpu.memref_slice %arg10[%select_n3A_36] : memref<2x!tpu.dma_semaphore, #tpu.memory_space<semaphore_mem>> -> memref<1x!tpu.dma_semaphore, #tpu.memory_space<semaphore_mem>>
        %dma_start3A_55 = tpu.memref_squeeze %dma_start3A_54 : memref<1x!tpu.dma_semaphore, #tpu.memory_space<semaphore_mem>> -> memref<!tpu.dma_semaphore, #tpu.memory_space<semaphore_mem>>
        tpu.enqueue_indirect_dma source(%arg8 : memref<128x128xf32, #tpu.memory_space<vmem>>) target(%dma_start3A_53 : memref<10112x128xf32, #tpu.memory_space<vmem_shared>>) offsets(%dma_start3A_50 : memref<128xi32, #tpu.memory_space<vmem>>) semaphore(%dma_start3A_55 : memref<!tpu.dma_semaphore, #tpu.memory_space<semaphore_mem>>) {add = true}
      } else {
      }
    }
    %scan3A_17 = arith.constant 82 : i32
    %barrier3A_18 = arith.constant 0 : index
    tpu.barrier barrier_id(%barrier3A_18)
    %eq3A = arith.constant 0 : i32
    %eq3A_19 = arith.cmpi eq, %arg0, %eq3A : i32
    %convert_element_type3A = arith.extui %eq3A_19 : i1 to i32
    %cond3A = arith.constant 0 : i32
    %cond3A_20 = arith.cmpi ne, %convert_element_type3A, %cond3A : i32
    scf.if %cond3A_20 {
      %scan3A_26 = arith.constant 0 : i32
      %scan3A_27 = arith.constant 0 : i32
      %scan3A_28 = arith.constant 4 : i32
      %scan3A_29 = arith.addi %scan3A_27, %scan3A_28 : i32
      %scan3A_30 = arith.constant 1 : i32
      scf.for %scan3A_35 = %scan3A_27 to %scan3A_29 step %scan3A_30  : i32 {
        %mul3A_36 = arith.constant 128 : i32
        %mul3A_37 = arith.muli %scan3A_35, %mul3A_36 : i32
        %add3A_38 = arith.addi %mul3A_2, %mul3A_37 : i32
        %multiple_of3A_39 = tpu.assume_multiple %add3A_38, 8 : i32
        "tpu.region"() ({
          %run_scoped3A = tpu.sem_alloc : memref<!tpu.dma_semaphore, #tpu.memory_space<semaphore_mem>>
          %dma_start3A = arith.constant 0 : i32
          %dma_start3A_40 = tpu.memref_slice %arg11[%multiple_of3A_39, %dma_start3A] : memref<10112x128xf32, #tpu.memory_space<vmem_shared>> -> memref<128x128xf32, #tpu.memory_space<vmem_shared>>
          %dma_start3A_41 = arith.constant 0 : i32
          %dma_start3A_42 = tpu.memref_slice %arg11[%multiple_of3A_39, %dma_start3A_41] : memref<10112x128xf32, #tpu.memory_space<vmem_shared>> -> memref<128x128xf32, #tpu.memory_space<vmem_shared>>
          tpu.enqueue_dma source(%dma_start3A_42 : memref<128x128xf32, #tpu.memory_space<vmem_shared>>) target(%arg9 : memref<128x128xf32, #tpu.memory_space<vmem>>) target_semaphore(%run_scoped3A : memref<!tpu.dma_semaphore, #tpu.memory_space<semaphore_mem>>)
          %dma_wait3A = arith.constant 0 : i32
          %dma_wait3A_43 = tpu.memref_slice %arg11[%multiple_of3A_39, %dma_wait3A] : memref<10112x128xf32, #tpu.memory_space<vmem_shared>> -> memref<128x128xf32, #tpu.memory_space<vmem_shared>>
          %dma_wait3A_44 = arith.constant 0 : i32
          %dma_wait3A_45 = tpu.memref_slice %arg11[%multiple_of3A_39, %dma_wait3A_44] : memref<10112x128xf32, #tpu.memory_space<vmem_shared>> -> memref<128x128xf32, #tpu.memory_space<vmem_shared>>
          tpu.wait_dma2 semaphore(%run_scoped3A : memref<!tpu.dma_semaphore, #tpu.memory_space<semaphore_mem>>) src(%dma_wait3A_45 : memref<128x128xf32, #tpu.memory_space<vmem_shared>>) dst(%arg9 : memref<128x128xf32, #tpu.memory_space<vmem>>)
          tpu.yield
        }) : () -> ()
        "tpu.region"() ({
          %run_scoped3A = tpu.sem_alloc : memref<!tpu.dma_semaphore, #tpu.memory_space<semaphore_mem>>
          %dma_start3A = arith.constant 0 : i32
          %dma_start3A_40 = tpu.memref_slice %arg5[%multiple_of3A_39, %dma_start3A] : memref<10112x128xf32, #tpu.memory_space<hbm>> -> memref<128x128xf32, #tpu.memory_space<hbm>>
          %dma_start3A_41 = arith.constant 0 : i32
          %dma_start3A_42 = tpu.memref_slice %arg5[%multiple_of3A_39, %dma_start3A_41] : memref<10112x128xf32, #tpu.memory_space<hbm>> -> memref<128x128xf32, #tpu.memory_space<hbm>>
          tpu.enqueue_dma source(%arg9 : memref<128x128xf32, #tpu.memory_space<vmem>>) target(%dma_start3A_42 : memref<128x128xf32, #tpu.memory_space<hbm>>) target_semaphore(%run_scoped3A : memref<!tpu.dma_semaphore, #tpu.memory_space<semaphore_mem>>)
          %dma_wait3A = arith.constant 0 : i32
          %dma_wait3A_43 = tpu.memref_slice %arg5[%multiple_of3A_39, %dma_wait3A] : memref<10112x128xf32, #tpu.memory_space<hbm>> -> memref<128x128xf32, #tpu.memory_space<hbm>>
          %dma_wait3A_44 = arith.constant 0 : i32
          %dma_wait3A_45 = tpu.memref_slice %arg5[%multiple_of3A_39, %dma_wait3A_44] : memref<10112x128xf32, #tpu.memory_space<hbm>> -> memref<128x128xf32, #tpu.memory_space<hbm>>
          tpu.wait_dma2 semaphore(%run_scoped3A : memref<!tpu.dma_semaphore, #tpu.memory_space<semaphore_mem>>) src(%arg9 : memref<128x128xf32, #tpu.memory_space<vmem>>) dst(%dma_wait3A_45 : memref<128x128xf32, #tpu.memory_space<hbm>>)
          tpu.yield
        }) : () -> ()
      }
      %scan3A_31 = arith.constant 4 : i32
      %add3A_32 = arith.constant 512 : i32
      %add3A_33 = arith.addi %mul3A_2, %add3A_32 : i32
      %multiple_of3A_34 = tpu.assume_multiple %add3A_33, 8 : i32
      "tpu.region"() ({
        %run_scoped3A = tpu.sem_alloc : memref<!tpu.dma_semaphore, #tpu.memory_space<semaphore_mem>>
        %dma_start3A = arith.constant 0 : i32
        %dma_start3A_35 = arith.constant 0 : i32
        %dma_start3A_36 = tpu.memref_slice %arg9[%dma_start3A, %dma_start3A_35] : memref<128x128xf32, #tpu.memory_space<vmem>> -> memref<120x128xf32, #tpu.memory_space<vmem>>
        %dma_start3A_37 = arith.constant 0 : i32
        %dma_start3A_38 = tpu.memref_slice %arg11[%multiple_of3A_34, %dma_start3A_37] : memref<10112x128xf32, #tpu.memory_space<vmem_shared>> -> memref<120x128xf32, #tpu.memory_space<vmem_shared>>
        %dma_start3A_39 = arith.constant 0 : i32
        %dma_start3A_40 = arith.constant 0 : i32
        %dma_start3A_41 = tpu.memref_slice %arg9[%dma_start3A_39, %dma_start3A_40] : memref<128x128xf32, #tpu.memory_space<vmem>> -> memref<120x128xf32, #tpu.memory_space<vmem>>
        %dma_start3A_42 = arith.constant 0 : i32
        %dma_start3A_43 = tpu.memref_slice %arg11[%multiple_of3A_34, %dma_start3A_42] : memref<10112x128xf32, #tpu.memory_space<vmem_shared>> -> memref<120x128xf32, #tpu.memory_space<vmem_shared>>
        tpu.enqueue_dma source(%dma_start3A_43 : memref<120x128xf32, #tpu.memory_space<vmem_shared>>) target(%dma_start3A_41 : memref<120x128xf32, #tpu.memory_space<vmem>>) target_semaphore(%run_scoped3A : memref<!tpu.dma_semaphore, #tpu.memory_space<semaphore_mem>>)
        %dma_wait3A = arith.constant 0 : i32
        %dma_wait3A_44 = arith.constant 0 : i32
        %dma_wait3A_45 = tpu.memref_slice %arg9[%dma_wait3A, %dma_wait3A_44] : memref<128x128xf32, #tpu.memory_space<vmem>> -> memref<120x128xf32, #tpu.memory_space<vmem>>
        %dma_wait3A_46 = arith.constant 0 : i32
        %dma_wait3A_47 = tpu.memref_slice %arg11[%multiple_of3A_34, %dma_wait3A_46] : memref<10112x128xf32, #tpu.memory_space<vmem_shared>> -> memref<120x128xf32, #tpu.memory_space<vmem_shared>>
        %dma_wait3A_48 = arith.constant 0 : i32
        %dma_wait3A_49 = arith.constant 0 : i32
        %dma_wait3A_50 = tpu.memref_slice %arg9[%dma_wait3A_48, %dma_wait3A_49] : memref<128x128xf32, #tpu.memory_space<vmem>> -> memref<120x128xf32, #tpu.memory_space<vmem>>
        %dma_wait3A_51 = arith.constant 0 : i32
        %dma_wait3A_52 = tpu.memref_slice %arg11[%multiple_of3A_34, %dma_wait3A_51] : memref<10112x128xf32, #tpu.memory_space<vmem_shared>> -> memref<120x128xf32, #tpu.memory_space<vmem_shared>>
        tpu.wait_dma2 semaphore(%run_scoped3A : memref<!tpu.dma_semaphore, #tpu.memory_space<semaphore_mem>>) src(%dma_wait3A_52 : memref<120x128xf32, #tpu.memory_space<vmem_shared>>) dst(%dma_wait3A_50 : memref<120x128xf32, #tpu.memory_space<vmem>>)
        tpu.yield
      }) : () -> ()
      "tpu.region"() ({
        %run_scoped3A = tpu.sem_alloc : memref<!tpu.dma_semaphore, #tpu.memory_space<semaphore_mem>>
        %dma_start3A = arith.constant 0 : i32
        %dma_start3A_35 = arith.constant 0 : i32
        %dma_start3A_36 = tpu.memref_slice %arg9[%dma_start3A, %dma_start3A_35] : memref<128x128xf32, #tpu.memory_space<vmem>> -> memref<120x128xf32, #tpu.memory_space<vmem>>
        %dma_start3A_37 = arith.constant 0 : i32
        %dma_start3A_38 = tpu.memref_slice %arg5[%multiple_of3A_34, %dma_start3A_37] : memref<10112x128xf32, #tpu.memory_space<hbm>> -> memref<120x128xf32, #tpu.memory_space<hbm>>
        %dma_start3A_39 = arith.constant 0 : i32
        %dma_start3A_40 = tpu.memref_slice %arg5[%multiple_of3A_34, %dma_start3A_39] : memref<10112x128xf32, #tpu.memory_space<hbm>> -> memref<120x128xf32, #tpu.memory_space<hbm>>
        %dma_start3A_41 = arith.constant 0 : i32
        %dma_start3A_42 = arith.constant 0 : i32
        %dma_start3A_43 = tpu.memref_slice %arg9[%dma_start3A_41, %dma_start3A_42] : memref<128x128xf32, #tpu.memory_space<vmem>> -> memref<120x128xf32, #tpu.memory_space<vmem>>
        tpu.enqueue_dma source(%dma_start3A_43 : memref<120x128xf32, #tpu.memory_space<vmem>>) target(%dma_start3A_40 : memref<120x128xf32, #tpu.memory_space<hbm>>) target_semaphore(%run_scoped3A : memref<!tpu.dma_semaphore, #tpu.memory_space<semaphore_mem>>)
        %dma_wait3A = arith.constant 0 : i32
        %dma_wait3A_44 = arith.constant 0 : i32
        %dma_wait3A_45 = tpu.memref_slice %arg9[%dma_wait3A, %dma_wait3A_44] : memref<128x128xf32, #tpu.memory_space<vmem>> -> memref<120x128xf32, #tpu.memory_space<vmem>>
        %dma_wait3A_46 = arith.constant 0 : i32
        %dma_wait3A_47 = tpu.memref_slice %arg5[%multiple_of3A_34, %dma_wait3A_46] : memref<10112x128xf32, #tpu.memory_space<hbm>> -> memref<120x128xf32, #tpu.memory_space<hbm>>
        %dma_wait3A_48 = arith.constant 0 : i32
        %dma_wait3A_49 = tpu.memref_slice %arg5[%multiple_of3A_34, %dma_wait3A_48] : memref<10112x128xf32, #tpu.memory_space<hbm>> -> memref<120x128xf32, #tpu.memory_space<hbm>>
        %dma_wait3A_50 = arith.constant 0 : i32
        %dma_wait3A_51 = arith.constant 0 : i32
        %dma_wait3A_52 = tpu.memref_slice %arg9[%dma_wait3A_50, %dma_wait3A_51] : memref<128x128xf32, #tpu.memory_space<vmem>> -> memref<120x128xf32, #tpu.memory_space<vmem>>
        tpu.wait_dma2 semaphore(%run_scoped3A : memref<!tpu.dma_semaphore, #tpu.memory_space<semaphore_mem>>) src(%dma_wait3A_52 : memref<120x128xf32, #tpu.memory_space<vmem>>) dst(%dma_wait3A_49 : memref<120x128xf32, #tpu.memory_space<hbm>>)
        tpu.yield
      }) : () -> ()
    } else {
    }
    %eq3A_21 = arith.constant 1 : i32
    %eq3A_22 = arith.cmpi eq, %arg0, %eq3A_21 : i32
    %convert_element_type3A_23 = arith.extui %eq3A_22 : i1 to i32
    %cond3A_24 = arith.constant 0 : i32
    %cond3A_25 = arith.cmpi ne, %convert_element_type3A_23, %cond3A_24 : i32
    scf.if %cond3A_25 {
      %scan3A_26 = arith.constant 0 : i32
      %scan3A_27 = arith.constant 0 : i32
      %scan3A_28 = arith.constant 4 : i32
      %scan3A_29 = arith.addi %scan3A_27, %scan3A_28 : i32
      %scan3A_30 = arith.constant 1 : i32
      scf.for %scan3A_35 = %scan3A_27 to %scan3A_29 step %scan3A_30  : i32 {
        %mul3A_36 = arith.constant 128 : i32
        %mul3A_37 = arith.muli %scan3A_35, %mul3A_36 : i32
        %add3A_38 = arith.addi %mul3A_2, %mul3A_37 : i32
        %multiple_of3A_39 = tpu.assume_multiple %add3A_38, 8 : i32
        "tpu.region"() ({
          %run_scoped3A = tpu.sem_alloc : memref<!tpu.dma_semaphore, #tpu.memory_space<semaphore_mem>>
          %dma_start3A = arith.constant 0 : i32
          %dma_start3A_40 = tpu.memref_slice %arg11[%multiple_of3A_39, %dma_start3A] : memref<10112x128xf32, #tpu.memory_space<vmem_shared>> -> memref<128x128xf32, #tpu.memory_space<vmem_shared>>
          %dma_start3A_41 = arith.constant 0 : i32
          %dma_start3A_42 = tpu.memref_slice %arg11[%multiple_of3A_39, %dma_start3A_41] : memref<10112x128xf32, #tpu.memory_space<vmem_shared>> -> memref<128x128xf32, #tpu.memory_space<vmem_shared>>
          tpu.enqueue_dma source(%dma_start3A_42 : memref<128x128xf32, #tpu.memory_space<vmem_shared>>) target(%arg9 : memref<128x128xf32, #tpu.memory_space<vmem>>) target_semaphore(%run_scoped3A : memref<!tpu.dma_semaphore, #tpu.memory_space<semaphore_mem>>)
          %dma_wait3A = arith.constant 0 : i32
          %dma_wait3A_43 = tpu.memref_slice %arg11[%multiple_of3A_39, %dma_wait3A] : memref<10112x128xf32, #tpu.memory_space<vmem_shared>> -> memref<128x128xf32, #tpu.memory_space<vmem_shared>>
          %dma_wait3A_44 = arith.constant 0 : i32
          %dma_wait3A_45 = tpu.memref_slice %arg11[%multiple_of3A_39, %dma_wait3A_44] : memref<10112x128xf32, #tpu.memory_space<vmem_shared>> -> memref<128x128xf32, #tpu.memory_space<vmem_shared>>
          tpu.wait_dma2 semaphore(%run_scoped3A : memref<!tpu.dma_semaphore, #tpu.memory_space<semaphore_mem>>) src(%dma_wait3A_45 : memref<128x128xf32, #tpu.memory_space<vmem_shared>>) dst(%arg9 : memref<128x128xf32, #tpu.memory_space<vmem>>)
          tpu.yield
        }) : () -> ()
        "tpu.region"() ({
          %run_scoped3A = tpu.sem_alloc : memref<!tpu.dma_semaphore, #tpu.memory_space<semaphore_mem>>
          %dma_start3A = arith.constant 0 : i32
          %dma_start3A_40 = tpu.memref_slice %arg6[%multiple_of3A_39, %dma_start3A] : memref<10112x128xf32, #tpu.memory_space<hbm>> -> memref<128x128xf32, #tpu.memory_space<hbm>>
          %dma_start3A_41 = arith.constant 0 : i32
          %dma_start3A_42 = tpu.memref_slice %arg6[%multiple_of3A_39, %dma_start3A_41] : memref<10112x128xf32, #tpu.memory_space<hbm>> -> memref<128x128xf32, #tpu.memory_space<hbm>>
          tpu.enqueue_dma source(%arg9 : memref<128x128xf32, #tpu.memory_space<vmem>>) target(%dma_start3A_42 : memref<128x128xf32, #tpu.memory_space<hbm>>) target_semaphore(%run_scoped3A : memref<!tpu.dma_semaphore, #tpu.memory_space<semaphore_mem>>)
          %dma_wait3A = arith.constant 0 : i32
          %dma_wait3A_43 = tpu.memref_slice %arg6[%multiple_of3A_39, %dma_wait3A] : memref<10112x128xf32, #tpu.memory_space<hbm>> -> memref<128x128xf32, #tpu.memory_space<hbm>>
          %dma_wait3A_44 = arith.constant 0 : i32
          %dma_wait3A_45 = tpu.memref_slice %arg6[%multiple_of3A_39, %dma_wait3A_44] : memref<10112x128xf32, #tpu.memory_space<hbm>> -> memref<128x128xf32, #tpu.memory_space<hbm>>
          tpu.wait_dma2 semaphore(%run_scoped3A : memref<!tpu.dma_semaphore, #tpu.memory_space<semaphore_mem>>) src(%arg9 : memref<128x128xf32, #tpu.memory_space<vmem>>) dst(%dma_wait3A_45 : memref<128x128xf32, #tpu.memory_space<hbm>>)
          tpu.yield
        }) : () -> ()
      }
      %scan3A_31 = arith.constant 4 : i32
      %add3A_32 = arith.constant 512 : i32
      %add3A_33 = arith.addi %mul3A_2, %add3A_32 : i32
      %multiple_of3A_34 = tpu.assume_multiple %add3A_33, 8 : i32
      "tpu.region"() ({
        %run_scoped3A = tpu.sem_alloc : memref<!tpu.dma_semaphore, #tpu.memory_space<semaphore_mem>>
        %dma_start3A = arith.constant 0 : i32
        %dma_start3A_35 = arith.constant 0 : i32
        %dma_start3A_36 = tpu.memref_slice %arg9[%dma_start3A, %dma_start3A_35] : memref<128x128xf32, #tpu.memory_space<vmem>> -> memref<120x128xf32, #tpu.memory_space<vmem>>
        %dma_start3A_37 = arith.constant 0 : i32
        %dma_start3A_38 = tpu.memref_slice %arg11[%multiple_of3A_34, %dma_start3A_37] : memref<10112x128xf32, #tpu.memory_space<vmem_shared>> -> memref<120x128xf32, #tpu.memory_space<vmem_shared>>
        %dma_start3A_39 = arith.constant 0 : i32
        %dma_start3A_40 = arith.constant 0 : i32
        %dma_start3A_41 = tpu.memref_slice %arg9[%dma_start3A_39, %dma_start3A_40] : memref<128x128xf32, #tpu.memory_space<vmem>> -> memref<120x128xf32, #tpu.memory_space<vmem>>
        %dma_start3A_42 = arith.constant 0 : i32
        %dma_start3A_43 = tpu.memref_slice %arg11[%multiple_of3A_34, %dma_start3A_42] : memref<10112x128xf32, #tpu.memory_space<vmem_shared>> -> memref<120x128xf32, #tpu.memory_space<vmem_shared>>
        tpu.enqueue_dma source(%dma_start3A_43 : memref<120x128xf32, #tpu.memory_space<vmem_shared>>) target(%dma_start3A_41 : memref<120x128xf32, #tpu.memory_space<vmem>>) target_semaphore(%run_scoped3A : memref<!tpu.dma_semaphore, #tpu.memory_space<semaphore_mem>>)
        %dma_wait3A = arith.constant 0 : i32
        %dma_wait3A_44 = arith.constant 0 : i32
        %dma_wait3A_45 = tpu.memref_slice %arg9[%dma_wait3A, %dma_wait3A_44] : memref<128x128xf32, #tpu.memory_space<vmem>> -> memref<120x128xf32, #tpu.memory_space<vmem>>
        %dma_wait3A_46 = arith.constant 0 : i32
        %dma_wait3A_47 = tpu.memref_slice %arg11[%multiple_of3A_34, %dma_wait3A_46] : memref<10112x128xf32, #tpu.memory_space<vmem_shared>> -> memref<120x128xf32, #tpu.memory_space<vmem_shared>>
        %dma_wait3A_48 = arith.constant 0 : i32
        %dma_wait3A_49 = arith.constant 0 : i32
        %dma_wait3A_50 = tpu.memref_slice %arg9[%dma_wait3A_48, %dma_wait3A_49] : memref<128x128xf32, #tpu.memory_space<vmem>> -> memref<120x128xf32, #tpu.memory_space<vmem>>
        %dma_wait3A_51 = arith.constant 0 : i32
        %dma_wait3A_52 = tpu.memref_slice %arg11[%multiple_of3A_34, %dma_wait3A_51] : memref<10112x128xf32, #tpu.memory_space<vmem_shared>> -> memref<120x128xf32, #tpu.memory_space<vmem_shared>>
        tpu.wait_dma2 semaphore(%run_scoped3A : memref<!tpu.dma_semaphore, #tpu.memory_space<semaphore_mem>>) src(%dma_wait3A_52 : memref<120x128xf32, #tpu.memory_space<vmem_shared>>) dst(%dma_wait3A_50 : memref<120x128xf32, #tpu.memory_space<vmem>>)
        tpu.yield
      }) : () -> ()
      "tpu.region"() ({
        %run_scoped3A = tpu.sem_alloc : memref<!tpu.dma_semaphore, #tpu.memory_space<semaphore_mem>>
        %dma_start3A = arith.constant 0 : i32
        %dma_start3A_35 = arith.constant 0 : i32
        %dma_start3A_36 = tpu.memref_slice %arg9[%dma_start3A, %dma_start3A_35] : memref<128x128xf32, #tpu.memory_space<vmem>> -> memref<120x128xf32, #tpu.memory_space<vmem>>
        %dma_start3A_37 = arith.constant 0 : i32
        %dma_start3A_38 = tpu.memref_slice %arg6[%multiple_of3A_34, %dma_start3A_37] : memref<10112x128xf32, #tpu.memory_space<hbm>> -> memref<120x128xf32, #tpu.memory_space<hbm>>
        %dma_start3A_39 = arith.constant 0 : i32
        %dma_start3A_40 = tpu.memref_slice %arg6[%multiple_of3A_34, %dma_start3A_39] : memref<10112x128xf32, #tpu.memory_space<hbm>> -> memref<120x128xf32, #tpu.memory_space<hbm>>
        %dma_start3A_41 = arith.constant 0 : i32
        %dma_start3A_42 = arith.constant 0 : i32
        %dma_start3A_43 = tpu.memref_slice %arg9[%dma_start3A_41, %dma_start3A_42] : memref<128x128xf32, #tpu.memory_space<vmem>> -> memref<120x128xf32, #tpu.memory_space<vmem>>
        tpu.enqueue_dma source(%dma_start3A_43 : memref<120x128xf32, #tpu.memory_space<vmem>>) target(%dma_start3A_40 : memref<120x128xf32, #tpu.memory_space<hbm>>) target_semaphore(%run_scoped3A : memref<!tpu.dma_semaphore, #tpu.memory_space<semaphore_mem>>)
        %dma_wait3A = arith.constant 0 : i32
        %dma_wait3A_44 = arith.constant 0 : i32
        %dma_wait3A_45 = tpu.memref_slice %arg9[%dma_wait3A, %dma_wait3A_44] : memref<128x128xf32, #tpu.memory_space<vmem>> -> memref<120x128xf32, #tpu.memory_space<vmem>>
        %dma_wait3A_46 = arith.constant 0 : i32
        %dma_wait3A_47 = tpu.memref_slice %arg6[%multiple_of3A_34, %dma_wait3A_46] : memref<10112x128xf32, #tpu.memory_space<hbm>> -> memref<120x128xf32, #tpu.memory_space<hbm>>
        %dma_wait3A_48 = arith.constant 0 : i32
        %dma_wait3A_49 = tpu.memref_slice %arg6[%multiple_of3A_34, %dma_wait3A_48] : memref<10112x128xf32, #tpu.memory_space<hbm>> -> memref<120x128xf32, #tpu.memory_space<hbm>>
        %dma_wait3A_50 = arith.constant 0 : i32
        %dma_wait3A_51 = arith.constant 0 : i32
        %dma_wait3A_52 = tpu.memref_slice %arg9[%dma_wait3A_50, %dma_wait3A_51] : memref<128x128xf32, #tpu.memory_space<vmem>> -> memref<120x128xf32, #tpu.memory_space<vmem>>
        tpu.wait_dma2 semaphore(%run_scoped3A : memref<!tpu.dma_semaphore, #tpu.memory_space<semaphore_mem>>) src(%dma_wait3A_52 : memref<120x128xf32, #tpu.memory_space<vmem>>) dst(%dma_wait3A_49 : memref<120x128xf32, #tpu.memory_space<hbm>>)
        tpu.yield
      }) : () -> ()
    } else {
    }
    return
  }
}

#map = affine_map<(d0, d1) -> (0, 0)>
#map1 = affine_map<(d0, d1) -> (0)>
module attributes {stable_mosaic.version = 14 : i64} {
  func.func @_sc_adj_body(%arg0: i32, %arg1: i32, %arg2: memref<10112x128xf32, #tpu.memory_space<hbm>>, %arg3: memref<327680xi32, #tpu.memory_space<hbm>>, %arg4: memref<327680xi32, #tpu.memory_space<hbm>>, %arg5: memref<10112x128xf32, #tpu.memory_space<hbm>>, %arg6: memref<10112x128xf32, #tpu.memory_space<hbm>>, %arg7: memref<2x128xi32, #tpu.memory_space<vmem>>, %arg8: memref<2x128xi32, #tpu.memory_space<vmem>>, %arg9: memref<2x128x128xf32, #tpu.memory_space<vmem>>, %arg10: memref<128x128xf32, #tpu.memory_space<vmem>>, %arg11: memref<2x!tpu.dma_semaphore, #tpu.memory_space<semaphore_mem>>, %arg12: memref<2x!tpu.dma_semaphore, #tpu.memory_space<semaphore_mem>>, %arg13: memref<10112x128xf32, #tpu.memory_space<vmem_shared>>) attributes {dimension_semantics = [#tpu.dimension_semantics<core_parallel>, #tpu.dimension_semantics<subcore_parallel>], iteration_bounds = array<i64: 2, 16>, scalar_prefetch = 0 : i64, scratch_operands = 7 : i64, tpu.core_type = #tpu.core_type<sc_vector_subcore>, window_params = [{transform_indices = #map}, {transform_indices = #map1}, {transform_indices = #map1}, {transform_indices = #map}, {transform_indices = #map}]} {
    %mul3A = arith.constant 2 : i32
    %mul3A_0 = arith.muli %arg1, %mul3A : i32
    %add3A = arith.addi %mul3A_0, %arg0 : i32
    %mul3A_1 = arith.constant 632 : i32
    %mul3A_2 = arith.muli %arg1, %mul3A_1 : i32
    %mul3A_3 = arith.constant 80 : i32
    %mul3A_4 = arith.muli %add3A, %mul3A_3 : i32
    %scan3A = arith.constant 0 : i32
    %scan3A_5 = arith.constant 0 : i32
    %scan3A_6 = arith.constant 4 : i32
    %scan3A_7 = arith.addi %scan3A_5, %scan3A_6 : i32
    %scan3A_8 = arith.constant 1 : i32
    scf.for %scan3A_43 = %scan3A_5 to %scan3A_7 step %scan3A_8  : i32 {
      %mul3A_44 = arith.constant 128 : i32
      %mul3A_45 = arith.muli %scan3A_43, %mul3A_44 : i32
      %add3A_46 = arith.addi %mul3A_2, %mul3A_45 : i32
      %multiple_of3A_47 = tpu.assume_multiple %add3A_46, 8 : i32
      "tpu.region"() ({
        %run_scoped3A = tpu.sem_alloc : memref<!tpu.dma_semaphore, #tpu.memory_space<semaphore_mem>>
        %dma_start3A = arith.constant 0 : i32
        %dma_start3A_48 = tpu.memref_slice %arg2[%multiple_of3A_47, %dma_start3A] : memref<10112x128xf32, #tpu.memory_space<hbm>> -> memref<128x128xf32, #tpu.memory_space<hbm>>
        %dma_start3A_49 = arith.constant 0 : i32
        %dma_start3A_50 = tpu.memref_slice %arg2[%multiple_of3A_47, %dma_start3A_49] : memref<10112x128xf32, #tpu.memory_space<hbm>> -> memref<128x128xf32, #tpu.memory_space<hbm>>
        tpu.enqueue_dma source(%dma_start3A_50 : memref<128x128xf32, #tpu.memory_space<hbm>>) target(%arg10 : memref<128x128xf32, #tpu.memory_space<vmem>>) target_semaphore(%run_scoped3A : memref<!tpu.dma_semaphore, #tpu.memory_space<semaphore_mem>>)
        %dma_wait3A_51 = arith.constant 0 : i32
        %dma_wait3A_52 = tpu.memref_slice %arg2[%multiple_of3A_47, %dma_wait3A_51] : memref<10112x128xf32, #tpu.memory_space<hbm>> -> memref<128x128xf32, #tpu.memory_space<hbm>>
        %dma_wait3A_53 = arith.constant 0 : i32
        %dma_wait3A_54 = tpu.memref_slice %arg2[%multiple_of3A_47, %dma_wait3A_53] : memref<10112x128xf32, #tpu.memory_space<hbm>> -> memref<128x128xf32, #tpu.memory_space<hbm>>
        tpu.wait_dma2 semaphore(%run_scoped3A : memref<!tpu.dma_semaphore, #tpu.memory_space<semaphore_mem>>) src(%dma_wait3A_54 : memref<128x128xf32, #tpu.memory_space<hbm>>) dst(%arg10 : memref<128x128xf32, #tpu.memory_space<vmem>>)
        tpu.yield
      }) : () -> ()
      "tpu.region"() ({
        %run_scoped3A = tpu.sem_alloc : memref<!tpu.dma_semaphore, #tpu.memory_space<semaphore_mem>>
        %dma_start3A = arith.constant 0 : i32
        %dma_start3A_48 = tpu.memref_slice %arg13[%multiple_of3A_47, %dma_start3A] : memref<10112x128xf32, #tpu.memory_space<vmem_shared>> -> memref<128x128xf32, #tpu.memory_space<vmem_shared>>
        %dma_start3A_49 = arith.constant 0 : i32
        %dma_start3A_50 = tpu.memref_slice %arg13[%multiple_of3A_47, %dma_start3A_49] : memref<10112x128xf32, #tpu.memory_space<vmem_shared>> -> memref<128x128xf32, #tpu.memory_space<vmem_shared>>
        tpu.enqueue_dma source(%arg10 : memref<128x128xf32, #tpu.memory_space<vmem>>) target(%dma_start3A_50 : memref<128x128xf32, #tpu.memory_space<vmem_shared>>) target_semaphore(%run_scoped3A : memref<!tpu.dma_semaphore, #tpu.memory_space<semaphore_mem>>)
        %dma_wait3A_51 = arith.constant 0 : i32
        %dma_wait3A_52 = tpu.memref_slice %arg13[%multiple_of3A_47, %dma_wait3A_51] : memref<10112x128xf32, #tpu.memory_space<vmem_shared>> -> memref<128x128xf32, #tpu.memory_space<vmem_shared>>
        %dma_wait3A_53 = arith.constant 0 : i32
        %dma_wait3A_54 = tpu.memref_slice %arg13[%multiple_of3A_47, %dma_wait3A_53] : memref<10112x128xf32, #tpu.memory_space<vmem_shared>> -> memref<128x128xf32, #tpu.memory_space<vmem_shared>>
        tpu.wait_dma2 semaphore(%run_scoped3A : memref<!tpu.dma_semaphore, #tpu.memory_space<semaphore_mem>>) src(%arg10 : memref<128x128xf32, #tpu.memory_space<vmem>>) dst(%dma_wait3A_54 : memref<128x128xf32, #tpu.memory_space<vmem_shared>>)
        tpu.yield
      }) : () -> ()
    }
    %scan3A_9 = arith.constant 4 : i32
    %add3A_10 = arith.constant 512 : i32
    %add3A_11 = arith.addi %mul3A_2, %add3A_10 : i32
    %multiple_of3A = tpu.assume_multiple %add3A_11, 8 : i32
    "tpu.region"() ({
      %run_scoped3A = tpu.sem_alloc : memref<!tpu.dma_semaphore, #tpu.memory_space<semaphore_mem>>
      %dma_start3A = arith.constant 0 : i32
      %dma_start3A_43 = arith.constant 0 : i32
      %dma_start3A_44 = tpu.memref_slice %arg10[%dma_start3A, %dma_start3A_43] : memref<128x128xf32, #tpu.memory_space<vmem>> -> memref<120x128xf32, #tpu.memory_space<vmem>>
      %dma_start3A_45 = arith.constant 0 : i32
      %dma_start3A_46 = tpu.memref_slice %arg2[%multiple_of3A, %dma_start3A_45] : memref<10112x128xf32, #tpu.memory_space<hbm>> -> memref<120x128xf32, #tpu.memory_space<hbm>>
      %dma_start3A_47 = arith.constant 0 : i32
      %dma_start3A_48 = arith.constant 0 : i32
      %dma_start3A_49 = tpu.memref_slice %arg10[%dma_start3A_47, %dma_start3A_48] : memref<128x128xf32, #tpu.memory_space<vmem>> -> memref<120x128xf32, #tpu.memory_space<vmem>>
      %dma_start3A_50 = arith.constant 0 : i32
      %dma_start3A_51 = tpu.memref_slice %arg2[%multiple_of3A, %dma_start3A_50] : memref<10112x128xf32, #tpu.memory_space<hbm>> -> memref<120x128xf32, #tpu.memory_space<hbm>>
      tpu.enqueue_dma source(%dma_start3A_51 : memref<120x128xf32, #tpu.memory_space<hbm>>) target(%dma_start3A_49 : memref<120x128xf32, #tpu.memory_space<vmem>>) target_semaphore(%run_scoped3A : memref<!tpu.dma_semaphore, #tpu.memory_space<semaphore_mem>>)
      %dma_wait3A_52 = arith.constant 0 : i32
      %dma_wait3A_53 = arith.constant 0 : i32
      %dma_wait3A_54 = tpu.memref_slice %arg10[%dma_wait3A_52, %dma_wait3A_53] : memref<128x128xf32, #tpu.memory_space<vmem>> -> memref<120x128xf32, #tpu.memory_space<vmem>>
      %dma_wait3A_55 = arith.constant 0 : i32
      %dma_wait3A_56 = tpu.memref_slice %arg2[%multiple_of3A, %dma_wait3A_55] : memref<10112x128xf32, #tpu.memory_space<hbm>> -> memref<120x128xf32, #tpu.memory_space<hbm>>
      %dma_wait3A_57 = arith.constant 0 : i32
      %dma_wait3A_58 = arith.constant 0 : i32
      %dma_wait3A_59 = tpu.memref_slice %arg10[%dma_wait3A_57, %dma_wait3A_58] : memref<128x128xf32, #tpu.memory_space<vmem>> -> memref<120x128xf32, #tpu.memory_space<vmem>>
      %dma_wait3A_60 = arith.constant 0 : i32
      %dma_wait3A_61 = tpu.memref_slice %arg2[%multiple_of3A, %dma_wait3A_60] : memref<10112x128xf32, #tpu.memory_space<hbm>> -> memref<120x128xf32, #tpu.memory_space<hbm>>
      tpu.wait_dma2 semaphore(%run_scoped3A : memref<!tpu.dma_semaphore, #tpu.memory_space<semaphore_mem>>) src(%dma_wait3A_61 : memref<120x128xf32, #tpu.memory_space<hbm>>) dst(%dma_wait3A_59 : memref<120x128xf32, #tpu.memory_space<vmem>>)
      tpu.yield
    }) : () -> ()
    "tpu.region"() ({
      %run_scoped3A = tpu.sem_alloc : memref<!tpu.dma_semaphore, #tpu.memory_space<semaphore_mem>>
      %dma_start3A = arith.constant 0 : i32
      %dma_start3A_43 = arith.constant 0 : i32
      %dma_start3A_44 = tpu.memref_slice %arg10[%dma_start3A, %dma_start3A_43] : memref<128x128xf32, #tpu.memory_space<vmem>> -> memref<120x128xf32, #tpu.memory_space<vmem>>
      %dma_start3A_45 = arith.constant 0 : i32
      %dma_start3A_46 = tpu.memref_slice %arg13[%multiple_of3A, %dma_start3A_45] : memref<10112x128xf32, #tpu.memory_space<vmem_shared>> -> memref<120x128xf32, #tpu.memory_space<vmem_shared>>
      %dma_start3A_47 = arith.constant 0 : i32
      %dma_start3A_48 = tpu.memref_slice %arg13[%multiple_of3A, %dma_start3A_47] : memref<10112x128xf32, #tpu.memory_space<vmem_shared>> -> memref<120x128xf32, #tpu.memory_space<vmem_shared>>
      %dma_start3A_49 = arith.constant 0 : i32
      %dma_start3A_50 = arith.constant 0 : i32
      %dma_start3A_51 = tpu.memref_slice %arg10[%dma_start3A_49, %dma_start3A_50] : memref<128x128xf32, #tpu.memory_space<vmem>> -> memref<120x128xf32, #tpu.memory_space<vmem>>
      tpu.enqueue_dma source(%dma_start3A_51 : memref<120x128xf32, #tpu.memory_space<vmem>>) target(%dma_start3A_48 : memref<120x128xf32, #tpu.memory_space<vmem_shared>>) target_semaphore(%run_scoped3A : memref<!tpu.dma_semaphore, #tpu.memory_space<semaphore_mem>>)
      %dma_wait3A_52 = arith.constant 0 : i32
      %dma_wait3A_53 = arith.constant 0 : i32
      %dma_wait3A_54 = tpu.memref_slice %arg10[%dma_wait3A_52, %dma_wait3A_53] : memref<128x128xf32, #tpu.memory_space<vmem>> -> memref<120x128xf32, #tpu.memory_space<vmem>>
      %dma_wait3A_55 = arith.constant 0 : i32
      %dma_wait3A_56 = tpu.memref_slice %arg13[%multiple_of3A, %dma_wait3A_55] : memref<10112x128xf32, #tpu.memory_space<vmem_shared>> -> memref<120x128xf32, #tpu.memory_space<vmem_shared>>
      %dma_wait3A_57 = arith.constant 0 : i32
      %dma_wait3A_58 = tpu.memref_slice %arg13[%multiple_of3A, %dma_wait3A_57] : memref<10112x128xf32, #tpu.memory_space<vmem_shared>> -> memref<120x128xf32, #tpu.memory_space<vmem_shared>>
      %dma_wait3A_59 = arith.constant 0 : i32
      %dma_wait3A_60 = arith.constant 0 : i32
      %dma_wait3A_61 = tpu.memref_slice %arg10[%dma_wait3A_59, %dma_wait3A_60] : memref<128x128xf32, #tpu.memory_space<vmem>> -> memref<120x128xf32, #tpu.memory_space<vmem>>
      tpu.wait_dma2 semaphore(%run_scoped3A : memref<!tpu.dma_semaphore, #tpu.memory_space<semaphore_mem>>) src(%dma_wait3A_61 : memref<120x128xf32, #tpu.memory_space<vmem>>) dst(%dma_wait3A_58 : memref<120x128xf32, #tpu.memory_space<vmem_shared>>)
      tpu.yield
    }) : () -> ()
    %barrier3A = arith.constant 0 : index
    tpu.barrier barrier_id(%barrier3A)
    %scan3A_12 = arith.constant 0 : i32
    %scan3A_13 = arith.constant 0 : i32
    %scan3A_14 = arith.constant 81 : i32
    %scan3A_15 = arith.addi %scan3A_13, %scan3A_14 : i32
    %scan3A_16 = arith.constant 1 : i32
    scf.for %scan3A_43 = %scan3A_13 to %scan3A_15 step %scan3A_16  : i32 {
      %jit3A = arith.constant 2 : i32
      %eq3A_44 = arith.constant 0 : i32
      %eq3A_45 = arith.cmpi eq, %jit3A, %eq3A_44 : i32
      %jit3A_46 = arith.constant 1 : i32
      %select_n3A = arith.select %eq3A_45, %jit3A_46, %jit3A : i32
      %rem3A = arith.remsi %scan3A_43, %select_n3A : i32
      %ne3A = arith.constant 0 : i32
      %ne3A_47 = arith.cmpi ne, %rem3A, %ne3A : i32
      %lt3A = arith.constant 0 : i32
      %lt3A_48 = arith.cmpi slt, %rem3A, %lt3A : i32
      %lt3A_49 = arith.constant 0 : i32
      %lt3A_50 = arith.cmpi slt, %select_n3A, %lt3A_49 : i32
      %ne3A_51 = arith.xori %lt3A_48, %lt3A_50 : i1
      %and3A = arith.andi %ne3A_51, %ne3A_47 : i1
      %add3A_52 = arith.addi %rem3A, %select_n3A : i32
      %select_n3A_53 = arith.select %and3A, %add3A_52, %rem3A : i32
      %add3A_54 = arith.constant 1 : i32
      %add3A_55 = arith.addi %scan3A_43, %add3A_54 : i32
      %jit3A_56 = arith.constant 2 : i32
      %eq3A_57 = arith.constant 0 : i32
      %eq3A_58 = arith.cmpi eq, %jit3A_56, %eq3A_57 : i32
      %jit3A_59 = arith.constant 1 : i32
      %select_n3A_60 = arith.select %eq3A_58, %jit3A_59, %jit3A_56 : i32
      %rem3A_61 = arith.remsi %add3A_55, %select_n3A_60 : i32
      %ne3A_62 = arith.constant 0 : i32
      %ne3A_63 = arith.cmpi ne, %rem3A_61, %ne3A_62 : i32
      %lt3A_64 = arith.constant 0 : i32
      %lt3A_65 = arith.cmpi slt, %rem3A_61, %lt3A_64 : i32
      %lt3A_66 = arith.constant 0 : i32
      %lt3A_67 = arith.cmpi slt, %select_n3A_60, %lt3A_66 : i32
      %ne3A_68 = arith.xori %lt3A_65, %lt3A_67 : i1
      %and3A_69 = arith.andi %ne3A_68, %ne3A_63 : i1
      %add3A_70 = arith.addi %rem3A_61, %select_n3A_60 : i32
      %select_n3A_71 = arith.select %and3A_69, %add3A_70, %rem3A_61 : i32
      %ge3A = arith.constant 2 : i32
      %ge3A_72 = arith.cmpi sge, %scan3A_43, %ge3A : i32
      %convert_element_type3A_73 = arith.extui %ge3A_72 : i1 to i32
      %cond3A_74 = arith.constant 0 : i32
      %cond3A_75 = arith.cmpi ne, %convert_element_type3A_73, %cond3A_74 : i32
      scf.if %cond3A_75 {
        %dma_wait3A_85 = arith.constant 0 : i32
        %dma_wait3A_86 = arith.constant 0 : i32
        %dma_wait3A_87 = tpu.memref_slice %arg9[%select_n3A_53, %dma_wait3A_85, %dma_wait3A_86] : memref<2x128x128xf32, #tpu.memory_space<vmem>> -> memref<1x128x128xf32, #tpu.memory_space<vmem>>
        %dma_wait3A_88 = tpu.memref_squeeze %dma_wait3A_87 : memref<1x128x128xf32, #tpu.memory_space<vmem>> -> memref<128x128xf32, #tpu.memory_space<vmem>>
        %dma_wait3A_89 = arith.constant 0 : i32
        %dma_wait3A_90 = arith.constant 0 : i32
        %dma_wait3A_91 = tpu.memref_slice %arg2[%dma_wait3A_89, %dma_wait3A_90] : memref<10112x128xf32, #tpu.memory_space<hbm>> -> memref<128x128xf32, #tpu.memory_space<hbm>>
        %dma_wait3A_92 = tpu.memref_slice %arg12[%select_n3A_53] : memref<2x!tpu.dma_semaphore, #tpu.memory_space<semaphore_mem>> -> memref<1x!tpu.dma_semaphore, #tpu.memory_space<semaphore_mem>>
        %dma_wait3A_93 = tpu.memref_squeeze %dma_wait3A_92 : memref<1x!tpu.dma_semaphore, #tpu.memory_space<semaphore_mem>> -> memref<!tpu.dma_semaphore, #tpu.memory_space<semaphore_mem>>
        %dma_wait3A_94 = arith.constant 0 : i32
        %dma_wait3A_95 = arith.constant 0 : i32
        %dma_wait3A_96 = tpu.memref_slice %arg9[%select_n3A_53, %dma_wait3A_94, %dma_wait3A_95] : memref<2x128x128xf32, #tpu.memory_space<vmem>> -> memref<1x128x128xf32, #tpu.memory_space<vmem>>
        %dma_wait3A_97 = tpu.memref_squeeze %dma_wait3A_96 : memref<1x128x128xf32, #tpu.memory_space<vmem>> -> memref<128x128xf32, #tpu.memory_space<vmem>>
        %dma_wait3A_98 = arith.constant 0 : i32
        %dma_wait3A_99 = arith.constant 0 : i32
        %dma_wait3A_100 = tpu.memref_slice %arg2[%dma_wait3A_98, %dma_wait3A_99] : memref<10112x128xf32, #tpu.memory_space<hbm>> -> memref<128x128xf32, #tpu.memory_space<hbm>>
        tpu.wait_dma2 semaphore(%dma_wait3A_93 : memref<!tpu.dma_semaphore, #tpu.memory_space<semaphore_mem>>) src(%dma_wait3A_100 : memref<128x128xf32, #tpu.memory_space<hbm>>) dst(%dma_wait3A_97 : memref<128x128xf32, #tpu.memory_space<vmem>>)
      } else {
      }
      %le3A = arith.constant 79 : i32
      %le3A_76 = arith.cmpi sle, %scan3A_43, %le3A : i32
      %convert_element_type3A_77 = arith.extui %le3A_76 : i1 to i32
      %cond3A_78 = arith.constant 0 : i32
      %cond3A_79 = arith.cmpi ne, %convert_element_type3A_77, %cond3A_78 : i32
      scf.if %cond3A_79 {
        %add3A_85 = arith.addi %mul3A_4, %scan3A_43 : i32
        %mul3A_86 = arith.constant 128 : i32
        %mul3A_87 = arith.muli %add3A_85, %mul3A_86 : i32
        %multiple_of3A_88 = tpu.assume_multiple %mul3A_87, 128 : i32
        "tpu.region"() ({
          %run_scoped3A = tpu.sem_alloc : memref<!tpu.dma_semaphore, #tpu.memory_space<semaphore_mem>>
          %dma_start3A_100 = arith.constant 0 : i32
          %dma_start3A_101 = tpu.memref_slice %arg7[%select_n3A_53, %dma_start3A_100] : memref<2x128xi32, #tpu.memory_space<vmem>> -> memref<1x128xi32, #tpu.memory_space<vmem>>
          %dma_start3A_102 = tpu.memref_squeeze %dma_start3A_101 : memref<1x128xi32, #tpu.memory_space<vmem>> -> memref<128xi32, #tpu.memory_space<vmem>>
          %dma_start3A_103 = tpu.memref_slice %arg3[%multiple_of3A_88] : memref<327680xi32, #tpu.memory_space<hbm>> -> memref<128xi32, #tpu.memory_space<hbm>>
          %dma_start3A_104 = arith.constant 0 : i32
          %dma_start3A_105 = tpu.memref_slice %arg7[%select_n3A_53, %dma_start3A_104] : memref<2x128xi32, #tpu.memory_space<vmem>> -> memref<1x128xi32, #tpu.memory_space<vmem>>
          %dma_start3A_106 = tpu.memref_squeeze %dma_start3A_105 : memref<1x128xi32, #tpu.memory_space<vmem>> -> memref<128xi32, #tpu.memory_space<vmem>>
          %dma_start3A_107 = tpu.memref_slice %arg3[%multiple_of3A_88] : memref<327680xi32, #tpu.memory_space<hbm>> -> memref<128xi32, #tpu.memory_space<hbm>>
          tpu.enqueue_dma source(%dma_start3A_107 : memref<128xi32, #tpu.memory_space<hbm>>) target(%dma_start3A_106 : memref<128xi32, #tpu.memory_space<vmem>>) target_semaphore(%run_scoped3A : memref<!tpu.dma_semaphore, #tpu.memory_space<semaphore_mem>>)
          %dma_wait3A_108 = arith.constant 0 : i32
          %dma_wait3A_109 = tpu.memref_slice %arg7[%select_n3A_53, %dma_wait3A_108] : memref<2x128xi32, #tpu.memory_space<vmem>> -> memref<1x128xi32, #tpu.memory_space<vmem>>
          %dma_wait3A_110 = tpu.memref_squeeze %dma_wait3A_109 : memref<1x128xi32, #tpu.memory_space<vmem>> -> memref<128xi32, #tpu.memory_space<vmem>>
          %dma_wait3A_111 = tpu.memref_slice %arg3[%multiple_of3A_88] : memref<327680xi32, #tpu.memory_space<hbm>> -> memref<128xi32, #tpu.memory_space<hbm>>
          %dma_wait3A_112 = arith.constant 0 : i32
          %dma_wait3A_113 = tpu.memref_slice %arg7[%select_n3A_53, %dma_wait3A_112] : memref<2x128xi32, #tpu.memory_space<vmem>> -> memref<1x128xi32, #tpu.memory_space<vmem>>
          %dma_wait3A_114 = tpu.memref_squeeze %dma_wait3A_113 : memref<1x128xi32, #tpu.memory_space<vmem>> -> memref<128xi32, #tpu.memory_space<vmem>>
          %dma_wait3A_115 = tpu.memref_slice %arg3[%multiple_of3A_88] : memref<327680xi32, #tpu.memory_space<hbm>> -> memref<128xi32, #tpu.memory_space<hbm>>
          tpu.wait_dma2 semaphore(%run_scoped3A : memref<!tpu.dma_semaphore, #tpu.memory_space<semaphore_mem>>) src(%dma_wait3A_115 : memref<128xi32, #tpu.memory_space<hbm>>) dst(%dma_wait3A_114 : memref<128xi32, #tpu.memory_space<vmem>>)
          tpu.yield
        }) : () -> ()
        "tpu.region"() ({
          %run_scoped3A = tpu.sem_alloc : memref<!tpu.dma_semaphore, #tpu.memory_space<semaphore_mem>>
          %dma_start3A_100 = arith.constant 0 : i32
          %dma_start3A_101 = tpu.memref_slice %arg8[%select_n3A_53, %dma_start3A_100] : memref<2x128xi32, #tpu.memory_space<vmem>> -> memref<1x128xi32, #tpu.memory_space<vmem>>
          %dma_start3A_102 = tpu.memref_squeeze %dma_start3A_101 : memref<1x128xi32, #tpu.memory_space<vmem>> -> memref<128xi32, #tpu.memory_space<vmem>>
          %dma_start3A_103 = tpu.memref_slice %arg4[%multiple_of3A_88] : memref<327680xi32, #tpu.memory_space<hbm>> -> memref<128xi32, #tpu.memory_space<hbm>>
          %dma_start3A_104 = arith.constant 0 : i32
          %dma_start3A_105 = tpu.memref_slice %arg8[%select_n3A_53, %dma_start3A_104] : memref<2x128xi32, #tpu.memory_space<vmem>> -> memref<1x128xi32, #tpu.memory_space<vmem>>
          %dma_start3A_106 = tpu.memref_squeeze %dma_start3A_105 : memref<1x128xi32, #tpu.memory_space<vmem>> -> memref<128xi32, #tpu.memory_space<vmem>>
          %dma_start3A_107 = tpu.memref_slice %arg4[%multiple_of3A_88] : memref<327680xi32, #tpu.memory_space<hbm>> -> memref<128xi32, #tpu.memory_space<hbm>>
          tpu.enqueue_dma source(%dma_start3A_107 : memref<128xi32, #tpu.memory_space<hbm>>) target(%dma_start3A_106 : memref<128xi32, #tpu.memory_space<vmem>>) target_semaphore(%run_scoped3A : memref<!tpu.dma_semaphore, #tpu.memory_space<semaphore_mem>>)
          %dma_wait3A_108 = arith.constant 0 : i32
          %dma_wait3A_109 = tpu.memref_slice %arg8[%select_n3A_53, %dma_wait3A_108] : memref<2x128xi32, #tpu.memory_space<vmem>> -> memref<1x128xi32, #tpu.memory_space<vmem>>
          %dma_wait3A_110 = tpu.memref_squeeze %dma_wait3A_109 : memref<1x128xi32, #tpu.memory_space<vmem>> -> memref<128xi32, #tpu.memory_space<vmem>>
          %dma_wait3A_111 = tpu.memref_slice %arg4[%multiple_of3A_88] : memref<327680xi32, #tpu.memory_space<hbm>> -> memref<128xi32, #tpu.memory_space<hbm>>
          %dma_wait3A_112 = arith.constant 0 : i32
          %dma_wait3A_113 = tpu.memref_slice %arg8[%select_n3A_53, %dma_wait3A_112] : memref<2x128xi32, #tpu.memory_space<vmem>> -> memref<1x128xi32, #tpu.memory_space<vmem>>
          %dma_wait3A_114 = tpu.memref_squeeze %dma_wait3A_113 : memref<1x128xi32, #tpu.memory_space<vmem>> -> memref<128xi32, #tpu.memory_space<vmem>>
          %dma_wait3A_115 = tpu.memref_slice %arg4[%multiple_of3A_88] : memref<327680xi32, #tpu.memory_space<hbm>> -> memref<128xi32, #tpu.memory_space<hbm>>
          tpu.wait_dma2 semaphore(%run_scoped3A : memref<!tpu.dma_semaphore, #tpu.memory_space<semaphore_mem>>) src(%dma_wait3A_115 : memref<128xi32, #tpu.memory_space<hbm>>) dst(%dma_wait3A_114 : memref<128xi32, #tpu.memory_space<vmem>>)
          tpu.yield
        }) : () -> ()
        %dma_start3A = arith.constant 0 : i32
        %dma_start3A_89 = arith.constant 0 : i32
        %dma_start3A_90 = tpu.memref_slice %arg9[%select_n3A_53, %dma_start3A, %dma_start3A_89] : memref<2x128x128xf32, #tpu.memory_space<vmem>> -> memref<1x128x128xf32, #tpu.memory_space<vmem>>
        %dma_start3A_91 = tpu.memref_squeeze %dma_start3A_90 : memref<1x128x128xf32, #tpu.memory_space<vmem>> -> memref<128x128xf32, #tpu.memory_space<vmem>>
        %dma_start3A_92 = arith.constant 0 : i32
        %dma_start3A_93 = tpu.memref_slice %arg7[%select_n3A_53, %dma_start3A_92] : memref<2x128xi32, #tpu.memory_space<vmem>> -> memref<1x128xi32, #tpu.memory_space<vmem>>
        %dma_start3A_94 = tpu.memref_squeeze %dma_start3A_93 : memref<1x128xi32, #tpu.memory_space<vmem>> -> memref<128xi32, #tpu.memory_space<vmem>>
        %dma_start3A_95 = arith.constant 0 : i32
        %dma_start3A_96 = arith.constant 0 : i32
        %dma_start3A_97 = tpu.memref_slice %arg2[%dma_start3A_95, %dma_start3A_96] : memref<10112x128xf32, #tpu.memory_space<hbm>> -> memref<10112x128xf32, #tpu.memory_space<hbm>>
        %dma_start3A_98 = tpu.memref_slice %arg11[%select_n3A_53] : memref<2x!tpu.dma_semaphore, #tpu.memory_space<semaphore_mem>> -> memref<1x!tpu.dma_semaphore, #tpu.memory_space<semaphore_mem>>
        %dma_start3A_99 = tpu.memref_squeeze %dma_start3A_98 : memref<1x!tpu.dma_semaphore, #tpu.memory_space<semaphore_mem>> -> memref<!tpu.dma_semaphore, #tpu.memory_space<semaphore_mem>>
        tpu.enqueue_indirect_dma source(%dma_start3A_97 : memref<10112x128xf32, #tpu.memory_space<hbm>>) target(%dma_start3A_91 : memref<128x128xf32, #tpu.memory_space<vmem>>) offsets(%dma_start3A_94 : memref<128xi32, #tpu.memory_space<vmem>>) semaphore(%dma_start3A_99 : memref<!tpu.dma_semaphore, #tpu.memory_space<semaphore_mem>>)
      } else {
      }
      %ge3A_80 = arith.constant 1 : i32
      %ge3A_81 = arith.cmpi sge, %scan3A_43, %ge3A_80 : i32
      %convert_element_type3A_82 = arith.extui %ge3A_81 : i1 to i32
      %cond3A_83 = arith.constant 0 : i32
      %cond3A_84 = arith.cmpi ne, %convert_element_type3A_82, %cond3A_83 : i32
      scf.if %cond3A_84 {
        %dma_wait3A_85 = arith.constant 0 : i32
        %dma_wait3A_86 = arith.constant 0 : i32
        %dma_wait3A_87 = tpu.memref_slice %arg9[%select_n3A_71, %dma_wait3A_85, %dma_wait3A_86] : memref<2x128x128xf32, #tpu.memory_space<vmem>> -> memref<1x128x128xf32, #tpu.memory_space<vmem>>
        %dma_wait3A_88 = tpu.memref_squeeze %dma_wait3A_87 : memref<1x128x128xf32, #tpu.memory_space<vmem>> -> memref<128x128xf32, #tpu.memory_space<vmem>>
        %dma_wait3A_89 = arith.constant 0 : i32
        %dma_wait3A_90 = arith.constant 0 : i32
        %dma_wait3A_91 = tpu.memref_slice %arg2[%dma_wait3A_89, %dma_wait3A_90] : memref<10112x128xf32, #tpu.memory_space<hbm>> -> memref<128x128xf32, #tpu.memory_space<hbm>>
        %dma_wait3A_92 = tpu.memref_slice %arg11[%select_n3A_71] : memref<2x!tpu.dma_semaphore, #tpu.memory_space<semaphore_mem>> -> memref<1x!tpu.dma_semaphore, #tpu.memory_space<semaphore_mem>>
        %dma_wait3A_93 = tpu.memref_squeeze %dma_wait3A_92 : memref<1x!tpu.dma_semaphore, #tpu.memory_space<semaphore_mem>> -> memref<!tpu.dma_semaphore, #tpu.memory_space<semaphore_mem>>
        %dma_wait3A_94 = arith.constant 0 : i32
        %dma_wait3A_95 = arith.constant 0 : i32
        %dma_wait3A_96 = tpu.memref_slice %arg9[%select_n3A_71, %dma_wait3A_94, %dma_wait3A_95] : memref<2x128x128xf32, #tpu.memory_space<vmem>> -> memref<1x128x128xf32, #tpu.memory_space<vmem>>
        %dma_wait3A_97 = tpu.memref_squeeze %dma_wait3A_96 : memref<1x128x128xf32, #tpu.memory_space<vmem>> -> memref<128x128xf32, #tpu.memory_space<vmem>>
        %dma_wait3A_98 = arith.constant 0 : i32
        %dma_wait3A_99 = arith.constant 0 : i32
        %dma_wait3A_100 = tpu.memref_slice %arg2[%dma_wait3A_98, %dma_wait3A_99] : memref<10112x128xf32, #tpu.memory_space<hbm>> -> memref<128x128xf32, #tpu.memory_space<hbm>>
        tpu.wait_dma2 semaphore(%dma_wait3A_93 : memref<!tpu.dma_semaphore, #tpu.memory_space<semaphore_mem>>) src(%dma_wait3A_100 : memref<128x128xf32, #tpu.memory_space<hbm>>) dst(%dma_wait3A_97 : memref<128x128xf32, #tpu.memory_space<vmem>>)
        %dma_start3A = arith.constant 0 : i32
        %dma_start3A_101 = arith.constant 0 : i32
        %dma_start3A_102 = tpu.memref_slice %arg9[%select_n3A_71, %dma_start3A, %dma_start3A_101] : memref<2x128x128xf32, #tpu.memory_space<vmem>> -> memref<1x128x128xf32, #tpu.memory_space<vmem>>
        %dma_start3A_103 = tpu.memref_squeeze %dma_start3A_102 : memref<1x128x128xf32, #tpu.memory_space<vmem>> -> memref<128x128xf32, #tpu.memory_space<vmem>>
        %dma_start3A_104 = arith.constant 0 : i32
        %dma_start3A_105 = tpu.memref_slice %arg8[%select_n3A_71, %dma_start3A_104] : memref<2x128xi32, #tpu.memory_space<vmem>> -> memref<1x128xi32, #tpu.memory_space<vmem>>
        %dma_start3A_106 = tpu.memref_squeeze %dma_start3A_105 : memref<1x128xi32, #tpu.memory_space<vmem>> -> memref<128xi32, #tpu.memory_space<vmem>>
        %dma_start3A_107 = arith.constant 0 : i32
        %dma_start3A_108 = arith.constant 0 : i32
        %dma_start3A_109 = tpu.memref_slice %arg13[%dma_start3A_107, %dma_start3A_108] : memref<10112x128xf32, #tpu.memory_space<vmem_shared>> -> memref<10112x128xf32, #tpu.memory_space<vmem_shared>>
        %dma_start3A_110 = tpu.memref_slice %arg12[%select_n3A_71] : memref<2x!tpu.dma_semaphore, #tpu.memory_space<semaphore_mem>> -> memref<1x!tpu.dma_semaphore, #tpu.memory_space<semaphore_mem>>
        %dma_start3A_111 = tpu.memref_squeeze %dma_start3A_110 : memref<1x!tpu.dma_semaphore, #tpu.memory_space<semaphore_mem>> -> memref<!tpu.dma_semaphore, #tpu.memory_space<semaphore_mem>>
        tpu.enqueue_indirect_dma source(%dma_start3A_103 : memref<128x128xf32, #tpu.memory_space<vmem>>) target(%dma_start3A_109 : memref<10112x128xf32, #tpu.memory_space<vmem_shared>>) offsets(%dma_start3A_106 : memref<128xi32, #tpu.memory_space<vmem>>) semaphore(%dma_start3A_111 : memref<!tpu.dma_semaphore, #tpu.memory_space<semaphore_mem>>) {add = true}
      } else {
      }
    }
    %scan3A_17 = arith.constant 81 : i32
    %dma_wait3A = arith.constant 0 : i32
    %dma_wait3A_18 = arith.constant 1 : i32
    %dma_wait3A_19 = arith.constant 0 : i32
    %dma_wait3A_20 = arith.constant 0 : i32
    %dma_wait3A_21 = tpu.memref_slice %arg9[%dma_wait3A, %dma_wait3A_19, %dma_wait3A_20] : memref<2x128x128xf32, #tpu.memory_space<vmem>> -> memref<1x128x128xf32, #tpu.memory_space<vmem>>
    %dma_wait3A_22 = tpu.memref_squeeze %dma_wait3A_21 : memref<1x128x128xf32, #tpu.memory_space<vmem>> -> memref<128x128xf32, #tpu.memory_space<vmem>>
    %dma_wait3A_23 = arith.constant 0 : i32
    %dma_wait3A_24 = arith.constant 0 : i32
    %dma_wait3A_25 = tpu.memref_slice %arg2[%dma_wait3A_23, %dma_wait3A_24] : memref<10112x128xf32, #tpu.memory_space<hbm>> -> memref<128x128xf32, #tpu.memory_space<hbm>>
    %dma_wait3A_26 = tpu.memref_slice %arg12[%dma_wait3A_18] : memref<2x!tpu.dma_semaphore, #tpu.memory_space<semaphore_mem>> -> memref<1x!tpu.dma_semaphore, #tpu.memory_space<semaphore_mem>>
    %dma_wait3A_27 = tpu.memref_squeeze %dma_wait3A_26 : memref<1x!tpu.dma_semaphore, #tpu.memory_space<semaphore_mem>> -> memref<!tpu.dma_semaphore, #tpu.memory_space<semaphore_mem>>
    %dma_wait3A_28 = arith.constant 0 : i32
    %dma_wait3A_29 = arith.constant 0 : i32
    %dma_wait3A_30 = tpu.memref_slice %arg9[%dma_wait3A, %dma_wait3A_28, %dma_wait3A_29] : memref<2x128x128xf32, #tpu.memory_space<vmem>> -> memref<1x128x128xf32, #tpu.memory_space<vmem>>
    %dma_wait3A_31 = tpu.memref_squeeze %dma_wait3A_30 : memref<1x128x128xf32, #tpu.memory_space<vmem>> -> memref<128x128xf32, #tpu.memory_space<vmem>>
    %dma_wait3A_32 = arith.constant 0 : i32
    %dma_wait3A_33 = arith.constant 0 : i32
    %dma_wait3A_34 = tpu.memref_slice %arg2[%dma_wait3A_32, %dma_wait3A_33] : memref<10112x128xf32, #tpu.memory_space<hbm>> -> memref<128x128xf32, #tpu.memory_space<hbm>>
    tpu.wait_dma2 semaphore(%dma_wait3A_27 : memref<!tpu.dma_semaphore, #tpu.memory_space<semaphore_mem>>) src(%dma_wait3A_34 : memref<128x128xf32, #tpu.memory_space<hbm>>) dst(%dma_wait3A_31 : memref<128x128xf32, #tpu.memory_space<vmem>>)
    %barrier3A_35 = arith.constant 0 : index
    tpu.barrier barrier_id(%barrier3A_35)
    %eq3A = arith.constant 0 : i32
    %eq3A_36 = arith.cmpi eq, %arg0, %eq3A : i32
    %convert_element_type3A = arith.extui %eq3A_36 : i1 to i32
    %cond3A = arith.constant 0 : i32
    %cond3A_37 = arith.cmpi ne, %convert_element_type3A, %cond3A : i32
    scf.if %cond3A_37 {
      %scan3A_43 = arith.constant 0 : i32
      %scan3A_44 = arith.constant 0 : i32
      %scan3A_45 = arith.constant 4 : i32
      %scan3A_46 = arith.addi %scan3A_44, %scan3A_45 : i32
      %scan3A_47 = arith.constant 1 : i32
      scf.for %scan3A_52 = %scan3A_44 to %scan3A_46 step %scan3A_47  : i32 {
        %mul3A_53 = arith.constant 128 : i32
        %mul3A_54 = arith.muli %scan3A_52, %mul3A_53 : i32
        %add3A_55 = arith.addi %mul3A_2, %mul3A_54 : i32
        %multiple_of3A_56 = tpu.assume_multiple %add3A_55, 8 : i32
        "tpu.region"() ({
          %run_scoped3A = tpu.sem_alloc : memref<!tpu.dma_semaphore, #tpu.memory_space<semaphore_mem>>
          %dma_start3A = arith.constant 0 : i32
          %dma_start3A_57 = tpu.memref_slice %arg13[%multiple_of3A_56, %dma_start3A] : memref<10112x128xf32, #tpu.memory_space<vmem_shared>> -> memref<128x128xf32, #tpu.memory_space<vmem_shared>>
          %dma_start3A_58 = arith.constant 0 : i32
          %dma_start3A_59 = tpu.memref_slice %arg13[%multiple_of3A_56, %dma_start3A_58] : memref<10112x128xf32, #tpu.memory_space<vmem_shared>> -> memref<128x128xf32, #tpu.memory_space<vmem_shared>>
          tpu.enqueue_dma source(%dma_start3A_59 : memref<128x128xf32, #tpu.memory_space<vmem_shared>>) target(%arg10 : memref<128x128xf32, #tpu.memory_space<vmem>>) target_semaphore(%run_scoped3A : memref<!tpu.dma_semaphore, #tpu.memory_space<semaphore_mem>>)
          %dma_wait3A_60 = arith.constant 0 : i32
          %dma_wait3A_61 = tpu.memref_slice %arg13[%multiple_of3A_56, %dma_wait3A_60] : memref<10112x128xf32, #tpu.memory_space<vmem_shared>> -> memref<128x128xf32, #tpu.memory_space<vmem_shared>>
          %dma_wait3A_62 = arith.constant 0 : i32
          %dma_wait3A_63 = tpu.memref_slice %arg13[%multiple_of3A_56, %dma_wait3A_62] : memref<10112x128xf32, #tpu.memory_space<vmem_shared>> -> memref<128x128xf32, #tpu.memory_space<vmem_shared>>
          tpu.wait_dma2 semaphore(%run_scoped3A : memref<!tpu.dma_semaphore, #tpu.memory_space<semaphore_mem>>) src(%dma_wait3A_63 : memref<128x128xf32, #tpu.memory_space<vmem_shared>>) dst(%arg10 : memref<128x128xf32, #tpu.memory_space<vmem>>)
          tpu.yield
        }) : () -> ()
        "tpu.region"() ({
          %run_scoped3A = tpu.sem_alloc : memref<!tpu.dma_semaphore, #tpu.memory_space<semaphore_mem>>
          %dma_start3A = arith.constant 0 : i32
          %dma_start3A_57 = tpu.memref_slice %arg5[%multiple_of3A_56, %dma_start3A] : memref<10112x128xf32, #tpu.memory_space<hbm>> -> memref<128x128xf32, #tpu.memory_space<hbm>>
          %dma_start3A_58 = arith.constant 0 : i32
          %dma_start3A_59 = tpu.memref_slice %arg5[%multiple_of3A_56, %dma_start3A_58] : memref<10112x128xf32, #tpu.memory_space<hbm>> -> memref<128x128xf32, #tpu.memory_space<hbm>>
          tpu.enqueue_dma source(%arg10 : memref<128x128xf32, #tpu.memory_space<vmem>>) target(%dma_start3A_59 : memref<128x128xf32, #tpu.memory_space<hbm>>) target_semaphore(%run_scoped3A : memref<!tpu.dma_semaphore, #tpu.memory_space<semaphore_mem>>)
          %dma_wait3A_60 = arith.constant 0 : i32
          %dma_wait3A_61 = tpu.memref_slice %arg5[%multiple_of3A_56, %dma_wait3A_60] : memref<10112x128xf32, #tpu.memory_space<hbm>> -> memref<128x128xf32, #tpu.memory_space<hbm>>
          %dma_wait3A_62 = arith.constant 0 : i32
          %dma_wait3A_63 = tpu.memref_slice %arg5[%multiple_of3A_56, %dma_wait3A_62] : memref<10112x128xf32, #tpu.memory_space<hbm>> -> memref<128x128xf32, #tpu.memory_space<hbm>>
          tpu.wait_dma2 semaphore(%run_scoped3A : memref<!tpu.dma_semaphore, #tpu.memory_space<semaphore_mem>>) src(%arg10 : memref<128x128xf32, #tpu.memory_space<vmem>>) dst(%dma_wait3A_63 : memref<128x128xf32, #tpu.memory_space<hbm>>)
          tpu.yield
        }) : () -> ()
      }
      %scan3A_48 = arith.constant 4 : i32
      %add3A_49 = arith.constant 512 : i32
      %add3A_50 = arith.addi %mul3A_2, %add3A_49 : i32
      %multiple_of3A_51 = tpu.assume_multiple %add3A_50, 8 : i32
      "tpu.region"() ({
        %run_scoped3A = tpu.sem_alloc : memref<!tpu.dma_semaphore, #tpu.memory_space<semaphore_mem>>
        %dma_start3A = arith.constant 0 : i32
        %dma_start3A_52 = arith.constant 0 : i32
        %dma_start3A_53 = tpu.memref_slice %arg10[%dma_start3A, %dma_start3A_52] : memref<128x128xf32, #tpu.memory_space<vmem>> -> memref<120x128xf32, #tpu.memory_space<vmem>>
        %dma_start3A_54 = arith.constant 0 : i32
        %dma_start3A_55 = tpu.memref_slice %arg13[%multiple_of3A_51, %dma_start3A_54] : memref<10112x128xf32, #tpu.memory_space<vmem_shared>> -> memref<120x128xf32, #tpu.memory_space<vmem_shared>>
        %dma_start3A_56 = arith.constant 0 : i32
        %dma_start3A_57 = arith.constant 0 : i32
        %dma_start3A_58 = tpu.memref_slice %arg10[%dma_start3A_56, %dma_start3A_57] : memref<128x128xf32, #tpu.memory_space<vmem>> -> memref<120x128xf32, #tpu.memory_space<vmem>>
        %dma_start3A_59 = arith.constant 0 : i32
        %dma_start3A_60 = tpu.memref_slice %arg13[%multiple_of3A_51, %dma_start3A_59] : memref<10112x128xf32, #tpu.memory_space<vmem_shared>> -> memref<120x128xf32, #tpu.memory_space<vmem_shared>>
        tpu.enqueue_dma source(%dma_start3A_60 : memref<120x128xf32, #tpu.memory_space<vmem_shared>>) target(%dma_start3A_58 : memref<120x128xf32, #tpu.memory_space<vmem>>) target_semaphore(%run_scoped3A : memref<!tpu.dma_semaphore, #tpu.memory_space<semaphore_mem>>)
        %dma_wait3A_61 = arith.constant 0 : i32
        %dma_wait3A_62 = arith.constant 0 : i32
        %dma_wait3A_63 = tpu.memref_slice %arg10[%dma_wait3A_61, %dma_wait3A_62] : memref<128x128xf32, #tpu.memory_space<vmem>> -> memref<120x128xf32, #tpu.memory_space<vmem>>
        %dma_wait3A_64 = arith.constant 0 : i32
        %dma_wait3A_65 = tpu.memref_slice %arg13[%multiple_of3A_51, %dma_wait3A_64] : memref<10112x128xf32, #tpu.memory_space<vmem_shared>> -> memref<120x128xf32, #tpu.memory_space<vmem_shared>>
        %dma_wait3A_66 = arith.constant 0 : i32
        %dma_wait3A_67 = arith.constant 0 : i32
        %dma_wait3A_68 = tpu.memref_slice %arg10[%dma_wait3A_66, %dma_wait3A_67] : memref<128x128xf32, #tpu.memory_space<vmem>> -> memref<120x128xf32, #tpu.memory_space<vmem>>
        %dma_wait3A_69 = arith.constant 0 : i32
        %dma_wait3A_70 = tpu.memref_slice %arg13[%multiple_of3A_51, %dma_wait3A_69] : memref<10112x128xf32, #tpu.memory_space<vmem_shared>> -> memref<120x128xf32, #tpu.memory_space<vmem_shared>>
        tpu.wait_dma2 semaphore(%run_scoped3A : memref<!tpu.dma_semaphore, #tpu.memory_space<semaphore_mem>>) src(%dma_wait3A_70 : memref<120x128xf32, #tpu.memory_space<vmem_shared>>) dst(%dma_wait3A_68 : memref<120x128xf32, #tpu.memory_space<vmem>>)
        tpu.yield
      }) : () -> ()
      "tpu.region"() ({
        %run_scoped3A = tpu.sem_alloc : memref<!tpu.dma_semaphore, #tpu.memory_space<semaphore_mem>>
        %dma_start3A = arith.constant 0 : i32
        %dma_start3A_52 = arith.constant 0 : i32
        %dma_start3A_53 = tpu.memref_slice %arg10[%dma_start3A, %dma_start3A_52] : memref<128x128xf32, #tpu.memory_space<vmem>> -> memref<120x128xf32, #tpu.memory_space<vmem>>
        %dma_start3A_54 = arith.constant 0 : i32
        %dma_start3A_55 = tpu.memref_slice %arg5[%multiple_of3A_51, %dma_start3A_54] : memref<10112x128xf32, #tpu.memory_space<hbm>> -> memref<120x128xf32, #tpu.memory_space<hbm>>
        %dma_start3A_56 = arith.constant 0 : i32
        %dma_start3A_57 = tpu.memref_slice %arg5[%multiple_of3A_51, %dma_start3A_56] : memref<10112x128xf32, #tpu.memory_space<hbm>> -> memref<120x128xf32, #tpu.memory_space<hbm>>
        %dma_start3A_58 = arith.constant 0 : i32
        %dma_start3A_59 = arith.constant 0 : i32
        %dma_start3A_60 = tpu.memref_slice %arg10[%dma_start3A_58, %dma_start3A_59] : memref<128x128xf32, #tpu.memory_space<vmem>> -> memref<120x128xf32, #tpu.memory_space<vmem>>
        tpu.enqueue_dma source(%dma_start3A_60 : memref<120x128xf32, #tpu.memory_space<vmem>>) target(%dma_start3A_57 : memref<120x128xf32, #tpu.memory_space<hbm>>) target_semaphore(%run_scoped3A : memref<!tpu.dma_semaphore, #tpu.memory_space<semaphore_mem>>)
        %dma_wait3A_61 = arith.constant 0 : i32
        %dma_wait3A_62 = arith.constant 0 : i32
        %dma_wait3A_63 = tpu.memref_slice %arg10[%dma_wait3A_61, %dma_wait3A_62] : memref<128x128xf32, #tpu.memory_space<vmem>> -> memref<120x128xf32, #tpu.memory_space<vmem>>
        %dma_wait3A_64 = arith.constant 0 : i32
        %dma_wait3A_65 = tpu.memref_slice %arg5[%multiple_of3A_51, %dma_wait3A_64] : memref<10112x128xf32, #tpu.memory_space<hbm>> -> memref<120x128xf32, #tpu.memory_space<hbm>>
        %dma_wait3A_66 = arith.constant 0 : i32
        %dma_wait3A_67 = tpu.memref_slice %arg5[%multiple_of3A_51, %dma_wait3A_66] : memref<10112x128xf32, #tpu.memory_space<hbm>> -> memref<120x128xf32, #tpu.memory_space<hbm>>
        %dma_wait3A_68 = arith.constant 0 : i32
        %dma_wait3A_69 = arith.constant 0 : i32
        %dma_wait3A_70 = tpu.memref_slice %arg10[%dma_wait3A_68, %dma_wait3A_69] : memref<128x128xf32, #tpu.memory_space<vmem>> -> memref<120x128xf32, #tpu.memory_space<vmem>>
        tpu.wait_dma2 semaphore(%run_scoped3A : memref<!tpu.dma_semaphore, #tpu.memory_space<semaphore_mem>>) src(%dma_wait3A_70 : memref<120x128xf32, #tpu.memory_space<vmem>>) dst(%dma_wait3A_67 : memref<120x128xf32, #tpu.memory_space<hbm>>)
        tpu.yield
      }) : () -> ()
    } else {
    }
    %eq3A_38 = arith.constant 1 : i32
    %eq3A_39 = arith.cmpi eq, %arg0, %eq3A_38 : i32
    %convert_element_type3A_40 = arith.extui %eq3A_39 : i1 to i32
    %cond3A_41 = arith.constant 0 : i32
    %cond3A_42 = arith.cmpi ne, %convert_element_type3A_40, %cond3A_41 : i32
    scf.if %cond3A_42 {
      %scan3A_43 = arith.constant 0 : i32
      %scan3A_44 = arith.constant 0 : i32
      %scan3A_45 = arith.constant 4 : i32
      %scan3A_46 = arith.addi %scan3A_44, %scan3A_45 : i32
      %scan3A_47 = arith.constant 1 : i32
      scf.for %scan3A_52 = %scan3A_44 to %scan3A_46 step %scan3A_47  : i32 {
        %mul3A_53 = arith.constant 128 : i32
        %mul3A_54 = arith.muli %scan3A_52, %mul3A_53 : i32
        %add3A_55 = arith.addi %mul3A_2, %mul3A_54 : i32
        %multiple_of3A_56 = tpu.assume_multiple %add3A_55, 8 : i32
        "tpu.region"() ({
          %run_scoped3A = tpu.sem_alloc : memref<!tpu.dma_semaphore, #tpu.memory_space<semaphore_mem>>
          %dma_start3A = arith.constant 0 : i32
          %dma_start3A_57 = tpu.memref_slice %arg13[%multiple_of3A_56, %dma_start3A] : memref<10112x128xf32, #tpu.memory_space<vmem_shared>> -> memref<128x128xf32, #tpu.memory_space<vmem_shared>>
          %dma_start3A_58 = arith.constant 0 : i32
          %dma_start3A_59 = tpu.memref_slice %arg13[%multiple_of3A_56, %dma_start3A_58] : memref<10112x128xf32, #tpu.memory_space<vmem_shared>> -> memref<128x128xf32, #tpu.memory_space<vmem_shared>>
          tpu.enqueue_dma source(%dma_start3A_59 : memref<128x128xf32, #tpu.memory_space<vmem_shared>>) target(%arg10 : memref<128x128xf32, #tpu.memory_space<vmem>>) target_semaphore(%run_scoped3A : memref<!tpu.dma_semaphore, #tpu.memory_space<semaphore_mem>>)
          %dma_wait3A_60 = arith.constant 0 : i32
          %dma_wait3A_61 = tpu.memref_slice %arg13[%multiple_of3A_56, %dma_wait3A_60] : memref<10112x128xf32, #tpu.memory_space<vmem_shared>> -> memref<128x128xf32, #tpu.memory_space<vmem_shared>>
          %dma_wait3A_62 = arith.constant 0 : i32
          %dma_wait3A_63 = tpu.memref_slice %arg13[%multiple_of3A_56, %dma_wait3A_62] : memref<10112x128xf32, #tpu.memory_space<vmem_shared>> -> memref<128x128xf32, #tpu.memory_space<vmem_shared>>
          tpu.wait_dma2 semaphore(%run_scoped3A : memref<!tpu.dma_semaphore, #tpu.memory_space<semaphore_mem>>) src(%dma_wait3A_63 : memref<128x128xf32, #tpu.memory_space<vmem_shared>>) dst(%arg10 : memref<128x128xf32, #tpu.memory_space<vmem>>)
          tpu.yield
        }) : () -> ()
        "tpu.region"() ({
          %run_scoped3A = tpu.sem_alloc : memref<!tpu.dma_semaphore, #tpu.memory_space<semaphore_mem>>
          %dma_start3A = arith.constant 0 : i32
          %dma_start3A_57 = tpu.memref_slice %arg6[%multiple_of3A_56, %dma_start3A] : memref<10112x128xf32, #tpu.memory_space<hbm>> -> memref<128x128xf32, #tpu.memory_space<hbm>>
          %dma_start3A_58 = arith.constant 0 : i32
          %dma_start3A_59 = tpu.memref_slice %arg6[%multiple_of3A_56, %dma_start3A_58] : memref<10112x128xf32, #tpu.memory_space<hbm>> -> memref<128x128xf32, #tpu.memory_space<hbm>>
          tpu.enqueue_dma source(%arg10 : memref<128x128xf32, #tpu.memory_space<vmem>>) target(%dma_start3A_59 : memref<128x128xf32, #tpu.memory_space<hbm>>) target_semaphore(%run_scoped3A : memref<!tpu.dma_semaphore, #tpu.memory_space<semaphore_mem>>)
          %dma_wait3A_60 = arith.constant 0 : i32
          %dma_wait3A_61 = tpu.memref_slice %arg6[%multiple_of3A_56, %dma_wait3A_60] : memref<10112x128xf32, #tpu.memory_space<hbm>> -> memref<128x128xf32, #tpu.memory_space<hbm>>
          %dma_wait3A_62 = arith.constant 0 : i32
          %dma_wait3A_63 = tpu.memref_slice %arg6[%multiple_of3A_56, %dma_wait3A_62] : memref<10112x128xf32, #tpu.memory_space<hbm>> -> memref<128x128xf32, #tpu.memory_space<hbm>>
          tpu.wait_dma2 semaphore(%run_scoped3A : memref<!tpu.dma_semaphore, #tpu.memory_space<semaphore_mem>>) src(%arg10 : memref<128x128xf32, #tpu.memory_space<vmem>>) dst(%dma_wait3A_63 : memref<128x128xf32, #tpu.memory_space<hbm>>)
          tpu.yield
        }) : () -> ()
      }
      %scan3A_48 = arith.constant 4 : i32
      %add3A_49 = arith.constant 512 : i32
      %add3A_50 = arith.addi %mul3A_2, %add3A_49 : i32
      %multiple_of3A_51 = tpu.assume_multiple %add3A_50, 8 : i32
      "tpu.region"() ({
        %run_scoped3A = tpu.sem_alloc : memref<!tpu.dma_semaphore, #tpu.memory_space<semaphore_mem>>
        %dma_start3A = arith.constant 0 : i32
        %dma_start3A_52 = arith.constant 0 : i32
        %dma_start3A_53 = tpu.memref_slice %arg10[%dma_start3A, %dma_start3A_52] : memref<128x128xf32, #tpu.memory_space<vmem>> -> memref<120x128xf32, #tpu.memory_space<vmem>>
        %dma_start3A_54 = arith.constant 0 : i32
        %dma_start3A_55 = tpu.memref_slice %arg13[%multiple_of3A_51, %dma_start3A_54] : memref<10112x128xf32, #tpu.memory_space<vmem_shared>> -> memref<120x128xf32, #tpu.memory_space<vmem_shared>>
        %dma_start3A_56 = arith.constant 0 : i32
        %dma_start3A_57 = arith.constant 0 : i32
        %dma_start3A_58 = tpu.memref_slice %arg10[%dma_start3A_56, %dma_start3A_57] : memref<128x128xf32, #tpu.memory_space<vmem>> -> memref<120x128xf32, #tpu.memory_space<vmem>>
        %dma_start3A_59 = arith.constant 0 : i32
        %dma_start3A_60 = tpu.memref_slice %arg13[%multiple_of3A_51, %dma_start3A_59] : memref<10112x128xf32, #tpu.memory_space<vmem_shared>> -> memref<120x128xf32, #tpu.memory_space<vmem_shared>>
        tpu.enqueue_dma source(%dma_start3A_60 : memref<120x128xf32, #tpu.memory_space<vmem_shared>>) target(%dma_start3A_58 : memref<120x128xf32, #tpu.memory_space<vmem>>) target_semaphore(%run_scoped3A : memref<!tpu.dma_semaphore, #tpu.memory_space<semaphore_mem>>)
        %dma_wait3A_61 = arith.constant 0 : i32
        %dma_wait3A_62 = arith.constant 0 : i32
        %dma_wait3A_63 = tpu.memref_slice %arg10[%dma_wait3A_61, %dma_wait3A_62] : memref<128x128xf32, #tpu.memory_space<vmem>> -> memref<120x128xf32, #tpu.memory_space<vmem>>
        %dma_wait3A_64 = arith.constant 0 : i32
        %dma_wait3A_65 = tpu.memref_slice %arg13[%multiple_of3A_51, %dma_wait3A_64] : memref<10112x128xf32, #tpu.memory_space<vmem_shared>> -> memref<120x128xf32, #tpu.memory_space<vmem_shared>>
        %dma_wait3A_66 = arith.constant 0 : i32
        %dma_wait3A_67 = arith.constant 0 : i32
        %dma_wait3A_68 = tpu.memref_slice %arg10[%dma_wait3A_66, %dma_wait3A_67] : memref<128x128xf32, #tpu.memory_space<vmem>> -> memref<120x128xf32, #tpu.memory_space<vmem>>
        %dma_wait3A_69 = arith.constant 0 : i32
        %dma_wait3A_70 = tpu.memref_slice %arg13[%multiple_of3A_51, %dma_wait3A_69] : memref<10112x128xf32, #tpu.memory_space<vmem_shared>> -> memref<120x128xf32, #tpu.memory_space<vmem_shared>>
        tpu.wait_dma2 semaphore(%run_scoped3A : memref<!tpu.dma_semaphore, #tpu.memory_space<semaphore_mem>>) src(%dma_wait3A_70 : memref<120x128xf32, #tpu.memory_space<vmem_shared>>) dst(%dma_wait3A_68 : memref<120x128xf32, #tpu.memory_space<vmem>>)
        tpu.yield
      }) : () -> ()
      "tpu.region"() ({
        %run_scoped3A = tpu.sem_alloc : memref<!tpu.dma_semaphore, #tpu.memory_space<semaphore_mem>>
        %dma_start3A = arith.constant 0 : i32
        %dma_start3A_52 = arith.constant 0 : i32
        %dma_start3A_53 = tpu.memref_slice %arg10[%dma_start3A, %dma_start3A_52] : memref<128x128xf32, #tpu.memory_space<vmem>> -> memref<120x128xf32, #tpu.memory_space<vmem>>
        %dma_start3A_54 = arith.constant 0 : i32
        %dma_start3A_55 = tpu.memref_slice %arg6[%multiple_of3A_51, %dma_start3A_54] : memref<10112x128xf32, #tpu.memory_space<hbm>> -> memref<120x128xf32, #tpu.memory_space<hbm>>
        %dma_start3A_56 = arith.constant 0 : i32
        %dma_start3A_57 = tpu.memref_slice %arg6[%multiple_of3A_51, %dma_start3A_56] : memref<10112x128xf32, #tpu.memory_space<hbm>> -> memref<120x128xf32, #tpu.memory_space<hbm>>
        %dma_start3A_58 = arith.constant 0 : i32
        %dma_start3A_59 = arith.constant 0 : i32
        %dma_start3A_60 = tpu.memref_slice %arg10[%dma_start3A_58, %dma_start3A_59] : memref<128x128xf32, #tpu.memory_space<vmem>> -> memref<120x128xf32, #tpu.memory_space<vmem>>
        tpu.enqueue_dma source(%dma_start3A_60 : memref<120x128xf32, #tpu.memory_space<vmem>>) target(%dma_start3A_57 : memref<120x128xf32, #tpu.memory_space<hbm>>) target_semaphore(%run_scoped3A : memref<!tpu.dma_semaphore, #tpu.memory_space<semaphore_mem>>)
        %dma_wait3A_61 = arith.constant 0 : i32
        %dma_wait3A_62 = arith.constant 0 : i32
        %dma_wait3A_63 = tpu.memref_slice %arg10[%dma_wait3A_61, %dma_wait3A_62] : memref<128x128xf32, #tpu.memory_space<vmem>> -> memref<120x128xf32, #tpu.memory_space<vmem>>
        %dma_wait3A_64 = arith.constant 0 : i32
        %dma_wait3A_65 = tpu.memref_slice %arg6[%multiple_of3A_51, %dma_wait3A_64] : memref<10112x128xf32, #tpu.memory_space<hbm>> -> memref<120x128xf32, #tpu.memory_space<hbm>>
        %dma_wait3A_66 = arith.constant 0 : i32
        %dma_wait3A_67 = tpu.memref_slice %arg6[%multiple_of3A_51, %dma_wait3A_66] : memref<10112x128xf32, #tpu.memory_space<hbm>> -> memref<120x128xf32, #tpu.memory_space<hbm>>
        %dma_wait3A_68 = arith.constant 0 : i32
        %dma_wait3A_69 = arith.constant 0 : i32
        %dma_wait3A_70 = tpu.memref_slice %arg10[%dma_wait3A_68, %dma_wait3A_69] : memref<128x128xf32, #tpu.memory_space<vmem>> -> memref<120x128xf32, #tpu.memory_space<vmem>>
        tpu.wait_dma2 semaphore(%run_scoped3A : memref<!tpu.dma_semaphore, #tpu.memory_space<semaphore_mem>>) src(%dma_wait3A_70 : memref<120x128xf32, #tpu.memory_space<vmem>>) dst(%dma_wait3A_67 : memref<120x128xf32, #tpu.memory_space<hbm>>)
        tpu.yield
      }) : () -> ()
    } else {
    }
    return
  }
}

module attributes {stable_mosaic.version = 14 : i64} {
  func.func @_lin_body(%arg0: i32, %arg1: memref<1264x128xf32, #tpu.memory_space<vmem>>, %arg2: memref<128x128xf32, #tpu.memory_space<vmem>>, %arg3: memref<1x128xf32, #tpu.memory_space<vmem>>, %arg4: memref<1264x128xf32, #tpu.memory_space<vmem>>) attributes {dimension_semantics = [#tpu.dimension_semantics<arbitrary>], iteration_bounds = array<i64: 8>, scalar_prefetch = 0 : i64, scratch_operands = 0 : i64, tpu.core_type = #tpu.core_type<tc>, window_params = [{transform_indices = @transform_0, window_bounds = array<i64: 1264, 128>}, {pipeline_mode = #tpu.pipeline_mode<synchronous>, transform_indices = @transform_1, window_bounds = array<i64: 128, 128>}, {pipeline_mode = #tpu.pipeline_mode<synchronous>, transform_indices = @transform_2, window_bounds = array<i64: 1, 128>}, {transform_indices = @transform_3, window_bounds = array<i64: 1264, 128>}]} {
    %get3A = arith.constant 0 : index
    %get3A_0 = arith.constant 0 : index
    %get3A_1 = vector.load %arg1[%get3A, %get3A_0] : memref<1264x128xf32, #tpu.memory_space<vmem>>, vector<1264x128xf32>
    %get3A_2 = arith.constant 0 : index
    %get3A_3 = arith.constant 0 : index
    %get3A_4 = vector.load %arg2[%get3A_2, %get3A_3] : memref<128x128xf32, #tpu.memory_space<vmem>>, vector<128x128xf32>
    %dot_general3A = arith.constant dense<0.000000e+00> : vector<1264x128xf32>
    %dot_general3A_5 = tpu.matmul %get3A_1, %get3A_4, %dot_general3A {dimension_numbers = #tpu.dot_dimension_numbers<[1], [0], [0], [1], [0, 0, 1, 1], [], []>, transpose_lhs_hint = false} : vector<1264x128xf32>, vector<128x128xf32>, vector<1264x128xf32> -> vector<1264x128xf32>
    %get3A_6 = arith.constant 0 : index
    %get3A_7 = arith.constant 0 : index
    %get3A_8 = vector.load %arg3[%get3A_6, %get3A_7] : memref<1x128xf32, #tpu.memory_space<vmem>>, vector<1x128xf32>
    %add3A = vector.broadcast %get3A_8 : vector<1x128xf32> to vector<1264x128xf32>
    %add3A_9 = arith.addf %dot_general3A_5, %add3A : vector<1264x128xf32>
    %swap3A = arith.constant 0 : index
    %swap3A_10 = arith.constant 0 : index
    %swap3A_11 = vector.load %arg4[%swap3A, %swap3A_10] : memref<1264x128xf32, #tpu.memory_space<vmem>>, vector<1264x128xf32>
    tpu.vector_store %arg4[%swap3A, %swap3A_10], %add3A_9 {strides = array<i32>} : memref<1264x128xf32, #tpu.memory_space<vmem>>, vector<1264x128xf32>,
    return
  }
  func.func @transform_0(%arg0: i32) -> (i32, i32) {
    %c0_i32 = arith.constant 0 : i32
    %c0_i32_0 = arith.constant 0 : i32
    return %arg0, %c0_i32 : i32, i32
  }
  func.func @transform_1(%arg0: i32) -> (i32, i32) {
    %c0_i32 = arith.constant 0 : i32
    %c0_i32_0 = arith.constant 0 : i32
    %c0_i32_1 = arith.constant 0 : i32
    return %c0_i32, %c0_i32_0 : i32, i32
  }
  func.func @transform_2(%arg0: i32) -> (i32, i32) {
    %c0_i32 = arith.constant 0 : i32
    %c0_i32_0 = arith.constant 0 : i32
    %c0_i32_1 = arith.constant 0 : i32
    return %c0_i32, %c0_i32_0 : i32, i32
  }
  func.func @transform_3(%arg0: i32) -> (i32, i32) {
    %c0_i32 = arith.constant 0 : i32
    %c0_i32_0 = arith.constant 0 : i32
    return %arg0, %c0_i32 : i32, i32
  }
}

module attributes {stable_mosaic.version = 14 : i64} {
  func.func @_mid_body(%arg0: i32, %arg1: memref<1264x128xf32, #tpu.memory_space<vmem>>, %arg2: memref<1264x128xf32, #tpu.memory_space<vmem>>, %arg3: memref<1264x128xf32, #tpu.memory_space<vmem>>, %arg4: memref<1264x128xf32, #tpu.memory_space<vmem>>, %arg5: memref<1264x128xf32, #tpu.memory_space<vmem>>, %arg6: memref<128x128xf32, #tpu.memory_space<vmem>>, %arg7: memref<1x128xf32, #tpu.memory_space<vmem>>, %arg8: memref<1264x128xf32, #tpu.memory_space<vmem>>) attributes {dimension_semantics = [#tpu.dimension_semantics<arbitrary>], iteration_bounds = array<i64: 8>, scalar_prefetch = 0 : i64, scratch_operands = 0 : i64, tpu.core_type = #tpu.core_type<tc>, window_params = [{transform_indices = @transform_0, window_bounds = array<i64: 1264, 128>}, {transform_indices = @transform_1, window_bounds = array<i64: 1264, 128>}, {transform_indices = @transform_2, window_bounds = array<i64: 1264, 128>}, {transform_indices = @transform_3, window_bounds = array<i64: 1264, 128>}, {transform_indices = @transform_4, window_bounds = array<i64: 1264, 128>}, {pipeline_mode = #tpu.pipeline_mode<synchronous>, transform_indices = @transform_5, window_bounds = array<i64: 128, 128>}, {pipeline_mode = #tpu.pipeline_mode<synchronous>, transform_indices = @transform_6, window_bounds = array<i64: 1, 128>}, {transform_indices = @transform_7, window_bounds = array<i64: 1264, 128>}]} {
    %get3A = arith.constant 0 : index
    %get3A_0 = arith.constant 0 : index
    %get3A_1 = vector.load %arg1[%get3A, %get3A_0] : memref<1264x128xf32, #tpu.memory_space<vmem>>, vector<1264x128xf32>
    %get3A_2 = arith.constant 0 : index
    %get3A_3 = arith.constant 0 : index
    %get3A_4 = vector.load %arg2[%get3A_2, %get3A_3] : memref<1264x128xf32, #tpu.memory_space<vmem>>, vector<1264x128xf32>
    %add3A = arith.addf %get3A_1, %get3A_4 : vector<1264x128xf32>
    %get3A_5 = arith.constant 0 : index
    %get3A_6 = arith.constant 0 : index
    %get3A_7 = vector.load %arg3[%get3A_5, %get3A_6] : memref<1264x128xf32, #tpu.memory_space<vmem>>, vector<1264x128xf32>
    %sub3A = arith.subf %add3A, %get3A_7 : vector<1264x128xf32>
    %max3A = arith.constant 0.000000e+00 : f32
    %max3A_8 = vector.broadcast %max3A : f32 to vector<1264x128xf32>
    %max3A_9 = arith.maximumf %sub3A, %max3A_8 : vector<1264x128xf32>
    %get3A_10 = arith.constant 0 : index
    %get3A_11 = arith.constant 0 : index
    %get3A_12 = vector.load %arg4[%get3A_10, %get3A_11] : memref<1264x128xf32, #tpu.memory_space<vmem>>, vector<1264x128xf32>
    %slice3A = vector.extract_strided_slice %get3A_12 {offsets = [0, 0], sizes = [1264, 1], strides = [1, 1]} : vector<1264x128xf32> to vector<1264x1xf32>
    %add3A_13 = arith.constant 1.000000e+00 : f32
    %add3A_14 = vector.broadcast %add3A_13 : f32 to vector<1264x1xf32>
    %add3A_15 = arith.addf %add3A_14, %slice3A : vector<1264x1xf32>
    %get3A_16 = arith.constant 0 : index
    %get3A_17 = arith.constant 0 : index
    %get3A_18 = vector.load %arg5[%get3A_16, %get3A_17] : memref<1264x128xf32, #tpu.memory_space<vmem>>, vector<1264x128xf32>
    %slice3A_19 = vector.extract_strided_slice %get3A_18 {offsets = [0, 0], sizes = [1264, 1], strides = [1, 1]} : vector<1264x128xf32> to vector<1264x1xf32>
    %add3A_20 = arith.addf %add3A_15, %slice3A_19 : vector<1264x1xf32>
    %div3A = arith.constant 1.000000e+00 : f32
    %div3A_21 = vector.broadcast %div3A : f32 to vector<1264x1xf32>
    %div3A_22 = arith.divf %div3A_21, %add3A_20 : vector<1264x1xf32>
    %mul3A = vector.broadcast %div3A_22 : vector<1264x1xf32> to vector<1264x128xf32>
    %mul3A_23 = arith.mulf %max3A_9, %mul3A : vector<1264x128xf32>
    %get3A_24 = arith.constant 0 : index
    %get3A_25 = arith.constant 0 : index
    %get3A_26 = vector.load %arg6[%get3A_24, %get3A_25] : memref<128x128xf32, #tpu.memory_space<vmem>>, vector<128x128xf32>
    %dot_general3A = arith.constant dense<0.000000e+00> : vector<1264x128xf32>
    %dot_general3A_27 = tpu.matmul %mul3A_23, %get3A_26, %dot_general3A {dimension_numbers = #tpu.dot_dimension_numbers<[1], [0], [0], [1], [0, 0, 1, 1], [], []>, transpose_lhs_hint = false} : vector<1264x128xf32>, vector<128x128xf32>, vector<1264x128xf32> -> vector<1264x128xf32>
    %get3A_28 = arith.constant 0 : index
    %get3A_29 = arith.constant 0 : index
    %get3A_30 = vector.load %arg7[%get3A_28, %get3A_29] : memref<1x128xf32, #tpu.memory_space<vmem>>, vector<1x128xf32>
    %add3A_31 = vector.broadcast %get3A_30 : vector<1x128xf32> to vector<1264x128xf32>
    %add3A_32 = arith.addf %dot_general3A_27, %add3A_31 : vector<1264x128xf32>
    %swap3A = arith.constant 0 : index
    %swap3A_33 = arith.constant 0 : index
    %swap3A_34 = vector.load %arg8[%swap3A, %swap3A_33] : memref<1264x128xf32, #tpu.memory_space<vmem>>, vector<1264x128xf32>
    tpu.vector_store %arg8[%swap3A, %swap3A_33], %add3A_32 {strides = array<i32>} : memref<1264x128xf32, #tpu.memory_space<vmem>>, vector<1264x128xf32>,
    return
  }
  func.func @transform_0(%arg0: i32) -> (i32, i32) {
    %c0_i32 = arith.constant 0 : i32
    %c0_i32_0 = arith.constant 0 : i32
    return %arg0, %c0_i32 : i32, i32
  }
  func.func @transform_1(%arg0: i32) -> (i32, i32) {
    %c0_i32 = arith.constant 0 : i32
    %c0_i32_0 = arith.constant 0 : i32
    return %arg0, %c0_i32 : i32, i32
  }
  func.func @transform_2(%arg0: i32) -> (i32, i32) {
    %c0_i32 = arith.constant 0 : i32
    %c0_i32_0 = arith.constant 0 : i32
    return %arg0, %c0_i32 : i32, i32
  }
  func.func @transform_3(%arg0: i32) -> (i32, i32) {
    %c0_i32 = arith.constant 0 : i32
    %c0_i32_0 = arith.constant 0 : i32
    return %arg0, %c0_i32 : i32, i32
  }
  func.func @transform_4(%arg0: i32) -> (i32, i32) {
    %c0_i32 = arith.constant 0 : i32
    %c0_i32_0 = arith.constant 0 : i32
    return %arg0, %c0_i32 : i32, i32
  }
  func.func @transform_5(%arg0: i32) -> (i32, i32) {
    %c0_i32 = arith.constant 0 : i32
    %c0_i32_0 = arith.constant 0 : i32
    %c0_i32_1 = arith.constant 0 : i32
    return %c0_i32, %c0_i32_0 : i32, i32
  }
  func.func @transform_6(%arg0: i32) -> (i32, i32) {
    %c0_i32 = arith.constant 0 : i32
    %c0_i32_0 = arith.constant 0 : i32
    %c0_i32_1 = arith.constant 0 : i32
    return %c0_i32, %c0_i32_0 : i32, i32
  }
  func.func @transform_7(%arg0: i32) -> (i32, i32) {
    %c0_i32 = arith.constant 0 : i32
    %c0_i32_0 = arith.constant 0 : i32
    return %arg0, %c0_i32 : i32, i32
  }
}

module attributes {stable_mosaic.version = 14 : i64} {
  func.func @_out_body(%arg0: i32, %arg1: memref<1264x128xf32, #tpu.memory_space<vmem>>, %arg2: memref<1264x128xf32, #tpu.memory_space<vmem>>, %arg3: memref<1264x128xf32, #tpu.memory_space<vmem>>, %arg4: memref<1264x128xf32, #tpu.memory_space<vmem>>, %arg5: memref<1264x128xf32, #tpu.memory_space<vmem>>, %arg6: memref<128x40xf32, #tpu.memory_space<vmem>>, %arg7: memref<1x40xf32, #tpu.memory_space<vmem>>, %arg8: memref<1264x40xf32, #tpu.memory_space<vmem>>) attributes {dimension_semantics = [#tpu.dimension_semantics<arbitrary>], iteration_bounds = array<i64: 8>, scalar_prefetch = 0 : i64, scratch_operands = 0 : i64, tpu.core_type = #tpu.core_type<tc>, window_params = [{transform_indices = @transform_0, window_bounds = array<i64: 1264, 128>}, {transform_indices = @transform_1, window_bounds = array<i64: 1264, 128>}, {transform_indices = @transform_2, window_bounds = array<i64: 1264, 128>}, {transform_indices = @transform_3, window_bounds = array<i64: 1264, 128>}, {transform_indices = @transform_4, window_bounds = array<i64: 1264, 128>}, {pipeline_mode = #tpu.pipeline_mode<synchronous>, transform_indices = @transform_5, window_bounds = array<i64: 128, 40>}, {pipeline_mode = #tpu.pipeline_mode<synchronous>, transform_indices = @transform_6, window_bounds = array<i64: 1, 40>}, {transform_indices = @transform_7, window_bounds = array<i64: 1264, 40>}]} {
    %get3A = arith.constant 0 : index
    %get3A_0 = arith.constant 0 : index
    %get3A_1 = vector.load %arg1[%get3A, %get3A_0] : memref<1264x128xf32, #tpu.memory_space<vmem>>, vector<1264x128xf32>
    %get3A_2 = arith.constant 0 : index
    %get3A_3 = arith.constant 0 : index
    %get3A_4 = vector.load %arg2[%get3A_2, %get3A_3] : memref<1264x128xf32, #tpu.memory_space<vmem>>, vector<1264x128xf32>
    %add3A = arith.addf %get3A_1, %get3A_4 : vector<1264x128xf32>
    %get3A_5 = arith.constant 0 : index
    %get3A_6 = arith.constant 0 : index
    %get3A_7 = vector.load %arg3[%get3A_5, %get3A_6] : memref<1264x128xf32, #tpu.memory_space<vmem>>, vector<1264x128xf32>
    %sub3A = arith.subf %add3A, %get3A_7 : vector<1264x128xf32>
    %max3A = arith.constant 0.000000e+00 : f32
    %max3A_8 = vector.broadcast %max3A : f32 to vector<1264x128xf32>
    %max3A_9 = arith.maximumf %sub3A, %max3A_8 : vector<1264x128xf32>
    %get3A_10 = arith.constant 0 : index
    %get3A_11 = arith.constant 0 : index
    %get3A_12 = vector.load %arg4[%get3A_10, %get3A_11] : memref<1264x128xf32, #tpu.memory_space<vmem>>, vector<1264x128xf32>
    %slice3A = vector.extract_strided_slice %get3A_12 {offsets = [0, 0], sizes = [1264, 1], strides = [1, 1]} : vector<1264x128xf32> to vector<1264x1xf32>
    %add3A_13 = arith.constant 1.000000e+00 : f32
    %add3A_14 = vector.broadcast %add3A_13 : f32 to vector<1264x1xf32>
    %add3A_15 = arith.addf %add3A_14, %slice3A : vector<1264x1xf32>
    %get3A_16 = arith.constant 0 : index
    %get3A_17 = arith.constant 0 : index
    %get3A_18 = vector.load %arg5[%get3A_16, %get3A_17] : memref<1264x128xf32, #tpu.memory_space<vmem>>, vector<1264x128xf32>
    %slice3A_19 = vector.extract_strided_slice %get3A_18 {offsets = [0, 0], sizes = [1264, 1], strides = [1, 1]} : vector<1264x128xf32> to vector<1264x1xf32>
    %add3A_20 = arith.addf %add3A_15, %slice3A_19 : vector<1264x1xf32>
    %div3A = arith.constant 1.000000e+00 : f32
    %div3A_21 = vector.broadcast %div3A : f32 to vector<1264x1xf32>
    %div3A_22 = arith.divf %div3A_21, %add3A_20 : vector<1264x1xf32>
    %mul3A = vector.broadcast %div3A_22 : vector<1264x1xf32> to vector<1264x128xf32>
    %mul3A_23 = arith.mulf %max3A_9, %mul3A : vector<1264x128xf32>
    %get3A_24 = arith.constant 0 : index
    %get3A_25 = arith.constant 0 : index
    %get3A_26 = vector.load %arg6[%get3A_24, %get3A_25] : memref<128x40xf32, #tpu.memory_space<vmem>>, vector<128x40xf32>
    %dot_general3A = arith.constant dense<0.000000e+00> : vector<1264x40xf32>
    %dot_general3A_27 = tpu.matmul %mul3A_23, %get3A_26, %dot_general3A {dimension_numbers = #tpu.dot_dimension_numbers<[1], [0], [0], [1], [0, 0, 1, 1], [], []>, transpose_lhs_hint = false} : vector<1264x128xf32>, vector<128x40xf32>, vector<1264x40xf32> -> vector<1264x40xf32>
    %get3A_28 = arith.constant 0 : index
    %get3A_29 = arith.constant 0 : index
    %get3A_30 = vector.load %arg7[%get3A_28, %get3A_29] : memref<1x40xf32, #tpu.memory_space<vmem>>, vector<1x40xf32>
    %add3A_31 = vector.broadcast %get3A_30 : vector<1x40xf32> to vector<1264x40xf32>
    %add3A_32 = arith.addf %dot_general3A_27, %add3A_31 : vector<1264x40xf32>
    %reduce_max3A = arith.constant dense<0xFF800000> : vector<1264xf32>
    %reduce_max3A_33 = vector.multi_reduction <maximumf>, %add3A_32, %reduce_max3A [1] : vector<1264x40xf32> to vector<1264xf32>
    %broadcast_in_dim3A = vector.shape_cast %reduce_max3A_33 : vector<1264xf32> to vector<1264x1xf32>
    %sub3A_34 = vector.broadcast %broadcast_in_dim3A : vector<1264x1xf32> to vector<1264x40xf32>
    %sub3A_35 = arith.subf %add3A_32, %sub3A_34 : vector<1264x40xf32>
    %exp3A = math.exp %sub3A_35 : vector<1264x40xf32>
    %reduce_sum3A = arith.constant dense<0.000000e+00> : vector<1264xf32>
    %reduce_sum3A_36 = vector.multi_reduction <add>, %exp3A, %reduce_sum3A [1] : vector<1264x40xf32> to vector<1264xf32>
    %broadcast_in_dim3A_37 = vector.shape_cast %reduce_sum3A_36 : vector<1264xf32> to vector<1264x1xf32>
    %log3A = math.log %broadcast_in_dim3A_37 : vector<1264x1xf32>
    %add3A_38 = arith.addf %log3A, %broadcast_in_dim3A : vector<1264x1xf32>
    %sub3A_39 = vector.broadcast %add3A_38 : vector<1264x1xf32> to vector<1264x40xf32>
    %sub3A_40 = arith.subf %add3A_32, %sub3A_39 : vector<1264x40xf32>
    %swap3A = arith.constant 0 : index
    %swap3A_41 = arith.constant 0 : index
    %swap3A_42 = vector.load %arg8[%swap3A, %swap3A_41] : memref<1264x40xf32, #tpu.memory_space<vmem>>, vector<1264x40xf32>
    tpu.vector_store %arg8[%swap3A, %swap3A_41], %sub3A_40 {strides = array<i32>} : memref<1264x40xf32, #tpu.memory_space<vmem>>, vector<1264x40xf32>,
    return
  }
  func.func @transform_0(%arg0: i32) -> (i32, i32) {
    %c0_i32 = arith.constant 0 : i32
    %c0_i32_0 = arith.constant 0 : i32
    return %arg0, %c0_i32 : i32, i32
  }
  func.func @transform_1(%arg0: i32) -> (i32, i32) {
    %c0_i32 = arith.constant 0 : i32
    %c0_i32_0 = arith.constant 0 : i32
    return %arg0, %c0_i32 : i32, i32
  }
  func.func @transform_2(%arg0: i32) -> (i32, i32) {
    %c0_i32 = arith.constant 0 : i32
    %c0_i32_0 = arith.constant 0 : i32
    return %arg0, %c0_i32 : i32, i32
  }
  func.func @transform_3(%arg0: i32) -> (i32, i32) {
    %c0_i32 = arith.constant 0 : i32
    %c0_i32_0 = arith.constant 0 : i32
    return %arg0, %c0_i32 : i32, i32
  }
  func.func @transform_4(%arg0: i32) -> (i32, i32) {
    %c0_i32 = arith.constant 0 : i32
    %c0_i32_0 = arith.constant 0 : i32
    return %arg0, %c0_i32 : i32, i32
  }
  func.func @transform_5(%arg0: i32) -> (i32, i32) {
    %c0_i32 = arith.constant 0 : i32
    %c0_i32_0 = arith.constant 0 : i32
    %c0_i32_1 = arith.constant 0 : i32
    return %c0_i32, %c0_i32_0 : i32, i32
  }
  func.func @transform_6(%arg0: i32) -> (i32, i32) {
    %c0_i32 = arith.constant 0 : i32
    %c0_i32_0 = arith.constant 0 : i32
    %c0_i32_1 = arith.constant 0 : i32
    return %c0_i32, %c0_i32_0 : i32, i32
  }
  func.func @transform_7(%arg0: i32) -> (i32, i32) {
    %c0_i32 = arith.constant 0 : i32
    %c0_i32_0 = arith.constant 0 : i32
    return %arg0, %c0_i32 : i32, i32
  }
}

</mosaic_0001>

<sc_bundles>
// kernel: kernel.11.cloned.1.call-start
scs
__scs_entry_jumppad:
0x0: {  	(pc) =	sbr.rel $0x88, $3  }
0x1: {  	(tag) =	ssettag $0x0;
	lr =	simm.s32 $0x1  }
0x2: {  	[smem:$0x3F99] =	sst lr;
	_ =	strace $0xD0000000  }
0x3: {  	_ = 	snop  }
0x4: {  	_ = 	snop  }
0x5: {  	_ = 	snop  }
0x6: {  	_ = 	snop  }
0x7: {  	_ = 	snop  }
__scs_overlays_trampoline_lowered:
0x8: {  	[smem:$0x3FA8] =	sst s0  }
0x9: {  	[smem:$0x3FA9] =	sst s1  }
0xa: {  	[smem:$0x3FAA] =	sst s2  }
0xb: {  	[smem:$0x3FAB] =	sst s3  }
0xc: {  	[smem:$0x3FAC] =	sst s4  }
0xd: {  	[smem:$0x3FAD] =	sst s5  }
0xe: {  	[smem:$0x3FAE] =	sst s6  }
0xf: {  	[smem:$0x3FAF] =	sst s7  }
0x10: {  	[smem:$0x3FB0] =	sst s8  }
0x11: {  	[smem:$0x3FB1] =	sst s9;
	s0 =	simm.s32 @!p0 $0x0  }
0x12: {  	s1 =	sld [smem:$0x3F97];
	s0 =	simm.s32 @p0 $0x1  }
0x13: {  	[smem:$0x3FB2] =	sst s0;
	s0 =	simm.s32 @!p1 $0x0  }
0x14: {  	s2 =	sld [smem:$0x3F96];
	s0 =	simm.s32 @p1 $0x1  }
0x15: {  	[smem:$0x3FB3] =	sst s0;
	s0 =	simm.s32 @!p2 $0x0  }
0x16: {  	s3 =	sld [smem:$0x3FDB];
	s0 =	simm.s32 @p2 $0x1  }
0x17: {  	s4 =	simm.s32 $0x1BF5;
	[smem:$0x3FB5] =	sst s0  }
0x18: {  	s0 =	sld [smem:$0x3F98];
	_ =	swait.ge [sflag:s4], $0x0  }
0x19: {  	s7 =	sld [smem:$0x3F99]  }
0x1a: {  	s8 =	sadd.s32 $0xFFFFE003, lr  }
0x1b: {  	s9 =	sadd.s32 $0xFFFFFEF7, lr;
	s5 =	simm.s32 $0xFFFFFFFF;
	p2 =	slt.u32 s8, $0xFFFFF086  }
0x1c: {  	p1 =	slt.u32 s9, $0xF7A;
	s5 =	simm.s32 @!p2 $0x0  }
0x1d: {  	s5 =	simm.s32 @p1 $0x1;
	p0 =	seq.s32 s7, s2  }
0x1e: {  	s7 =	smul.u32 @!p0 $0xF7A, s2;
	p2 =	seq.s32 @!p0 s5, $0x0  }
0x1f: {  	s9 =	smul.u32 $0xF7A, s1;
	s8 =	simm.s32 @!p0 $0x1BF5;
	p2 =	por !p2, p0  }
0x20: {  	[sflag:s8] =	ssyncset.s32 @!p0 $0xFFFFF086;
	s6 =	sadd.s32 @!p0 s3, s7;
	s7 =	simm.s32 @!p0 $0x108  }
0x21: {  	s3 =	sadd.s32 s3, s9;
	s6 =	sadd.s32 @!p0 $0x88, s6;
	s7 =	simm.s32 @p2 $0x1082  }
0x22: {  	[simem:s7], [sflag:s8] =	dma.local @!p0 [hbm:s6], $0xF7A  }
0x23: {  	s9 =	sor.u32 $0xD0000000, s2;
	s6 =	simm.s32 $0x108;
	_ =	swait.ge @!p0 [sflag:s8], $0x0  }
0x24: {  	s3 =	sadd.s32 $0x88, s3;
	s6 =	simm.s32 @!p1 $0x1082;
	[sflag:s4] =	ssyncset.s32 $0xFFFFF086  }
0x25: {  	[simem:s6], [sflag:s4] =	dma.local [hbm:s3], $0xF7A  }
0x26: {  	[smem:$0x3F99] =	sst s1;
	(tag) =	ssettag s2;
	_ =	strace s9  }
0x27: {  	s1 =	sld [smem:$0x3FA9]  }
0x28: {  	s2 =	sld [smem:$0x3FAA]  }
0x29: {  	s4 =	sld [smem:$0x3FAC]  }
0x2a: {  	p0 =	seq.s32 s5, $0x0;
	s5 =	sld [smem:$0x3FAD]  }
0x2b: {  	s6 =	sld [smem:$0x3FAE]  }
0x2c: {  	s7 =	sld [smem:$0x3FAF]  }
0x2d: {  	s3 =	simm.s32 $0x108;
	s8 =	sld [smem:$0x3FB0]  }
0x2e: {  	s3 =	simm.s32 @!p0 $0x1082;
	s9 =	sld [smem:$0x3FB1]  }
0x2f: {  	lr =	sadd.s32 s0, s3;
	s0 =	sld [smem:$0x3FA8]  }
0x30: {  	s3 =	sld [smem:$0x3FAB]  }
0x31: {  	[smem:$0x3FB4] =	sst s10  }
0x32: {  	s10 =	sld [smem:$0x3FB2];
	_ =	sdelay $0x3  }
0x33: {  	p0 =	seq.s32 s10, $0x1;
	s10 =	sld [smem:$0x3FB4];
	_ =	sdelay $0x3  }
0x34: {  	[smem:$0x3FB4] =	sst s10  }
0x35: {  	s10 =	sld [smem:$0x3FB3];
	_ =	sdelay $0x3  }
0x36: {  	p1 =	seq.s32 s10, $0x1;
	s10 =	sld [smem:$0x3FB4];
	_ =	sdelay $0x3  }
0x37: {  	[smem:$0x3FB4] =	sst s10  }
0x38: {  	s10 =	sld [smem:$0x3FB5]  }
0x39: {  	_ = 	snop;
	(pc) =	sbr.ind lr, $3  }
0x3a: {  	_ = 	snop  }
0x3b: {  	_ = 	snop  }
0x3c: {  	p2 =	seq.s32 s10, $0x1;
	s10 =	sld [smem:$0x3FB4]  }
0x3d: {  	_ =	shalt  }
0x3e: {  	_ =	shalt  }
0x3f: {  	_ =	shalt  }
0x40: {  	_ =	shalt  }
0x41: {  	_ =	shalt  }
0x42: {  	_ =	shalt  }
0x43: {  	_ =	shalt  }
0x44: {  	_ =	shalt  }
0x45: {  	_ =	shalt  }
0x46: {  	_ =	shalt  }
0x47: {  	_ =	shalt  }
0x48: {  	_ =	shalt  }
0x49: {  	_ =	shalt  }
0x4a: {  	_ =	shalt  }
0x4b: {  	_ =	shalt  }
0x4c: {  	_ =	shalt  }
0x4d: {  	_ =	shalt  }
0x4e: {  	_ =	shalt  }
0x4f: {  	_ =	shalt  }
0x50: {  	_ =	shalt  }
0x51: {  	_ =	shalt  }
0x52: {  	_ =	shalt  }
0x53: {  	_ =	shalt  }
0x54: {  	_ =	shalt  }
0x55: {  	_ =	shalt  }
0x56: {  	_ =	shalt  }
0x57: {  	_ =	shalt  }
0x58: {  	_ =	shalt  }
0x59: {  	_ =	shalt  }
0x5a: {  	_ =	shalt  }
0x5b: {  	_ =	shalt  }
0x5c: {  	_ =	shalt  }
0x5d: {  	_ =	shalt  }
0x5e: {  	_ =	shalt  }
0x5f: {  	_ =	shalt  }
0x60: {  	_ =	shalt  }
0x61: {  	_ =	shalt  }
0x62: {  	_ =	shalt  }
0x63: {  	_ =	shalt  }
0x64: {  	_ =	shalt  }
0x65: {  	_ =	shalt  }
0x66: {  	_ =	shalt  }
0x67: {  	_ =	shalt  }
0x68: {  	_ =	shalt  }
0x69: {  	_ =	shalt  }
0x6a: {  	_ =	shalt  }
0x6b: {  	_ =	shalt  }
0x6c: {  	_ =	shalt  }
0x6d: {  	_ =	shalt  }
0x6e: {  	_ =	shalt  }
0x6f: {  	_ =	shalt  }
0x70: {  	_ =	shalt  }
0x71: {  	_ =	shalt  }
0x72: {  	_ =	shalt  }
0x73: {  	_ =	shalt  }
0x74: {  	_ =	shalt  }
0x75: {  	_ =	shalt  }
0x76: {  	_ =	shalt  }
0x77: {  	_ =	shalt  }
0x78: {  	_ =	shalt  }
0x79: {  	_ =	shalt  }
0x7a: {  	_ =	shalt  }
0x7b: {  	_ =	shalt  }
0x7c: {  	_ =	shalt  }
0x7d: {  	_ =	shalt  }
0x7e: {  	_ =	shalt  }
0x7f: {  	_ =	shalt  }
0x80: {  	_ =	shalt  }
0x81: {  	_ =	shalt  }
0x82: {  	_ =	shalt  }
0x83: {  	_ =	shalt  }
0x84: {  	_ =	shalt  }
0x85: {  	_ =	shalt  }
0x86: {  	_ =	shalt  }
0x87: {  	_ =	shalt  }
.Lfunc_end0:
.L_simem_size_0:
called_computation.1_lowered:
.L_overlay_start_0:
0x88: {  	s2 =	sld [smem:$0x3FD9]  }
0x89: {  	s3 =	sld [smem:$0x3FFE];
	_ =	sdelay $0x1  }
0x8a: {  	s1 =	srdreg.scid  }
0x8b: {  	s0 =	sand.u32 $0x1, s1  }
0x8c: {  	s17 =	sshll.u32 s0, $0xA;
	s2 =	sadd.s32 s3, s2  }
0x8d: {  	s2 =	sadd.s32 s2, s17  }
0x8e: {  	[smem:$0x3FC0] =	sst s2  }
0x8f: {  	_ = 	snop  }
0x90: {  	s18 =	sld [smem:$0x3FD0];
	(tm) =	ssettm $0x1  }
0x91: {  	s19 =	sld [smem:$0x3FFB];
	_ =	sdelay $0x3  }
0x92: {  	_ =	strace s19  }
0x93: {  	s2 =	sld [smem:$0x3FFC];
	_ =	sdelay $0x3  }
0x94: {  	_ =	strace s2  }
0x95: {  	s2 =	sld [smem:$0x3FFD];
	_ =	sdelay $0x3  }
0x96: {  	_ =	strace s2  }
0x97: {  	_ =	strace $0x8FFFFFFF  }
0x98: {  	s20 =	sld [smem:$0x3FDB];
	_ =	sdelay $0x1  }
0x99: {  	s4 =	simm.s32 $_scs_section_size  }
0x9a: {  	s5 =	simm.s32 $_size__tile_overlayer_lowered;
	s6 =	simm.s32 $_tile_overlayer_lowered  }
0x9b: {  	s7 =	simm.s32 $0x1BFF;
	s21 =	sshll.u32 s6, $0x1;
	s4 =	sadd.s32 s4, s20  }
0x9c: {  	s22 =	simm.s32 $0x0;
	s5 =	sshll.u32 s5, $0x1;
	s6 =	sadd.s32 s21, s4  }
0x9d: {  	[timem:s22], [sflag:s7] =	dma.local [hbm:s6], s5  }
0x9e: {  	_ =	swait.ge [sflag:s7], s5  }
0x9f: {  	s5 =	ssub.s32 $0x0, s5;
	[sflag:s7] =	ssyncset.done $0x0  }
0xa0: {  	[sflag:s7] =	ssyncadd.s32 s5;
	_ =	sdelay $0x1  }
0xa1: {  	s23 =	simm.s32 $0x1B8B  }
0xa2: {  	_ =	swait.ge [sflag:s23], $0x1  }
0xa3: {  	[sflag:s23] =	ssyncset.done $0x0  }
0xa4: {  	[sflag:s23] =	ssyncadd.s32 $0xFFFFFFFF  }
0xa5: {  	s5 =	sld [smem:$0x0]  }
0xa6: {  	s6 =	sand.u32 $0xFFFFFFFE, s1  }
0xa7: {  	p0 =	sne.s32 s1, s6  }
0xa8: {  	s6 =	sshll.u32 @p0 s6, $0xE  }
0xa9: {  	s6 =	sadd.s32 @p0 $0x11B8D, s6;
	s7 =	sshll.u32 @p0 s5, $0x11  }
0xaa: {  	s6 =	sor.u32 @p0 s7, s6  }
0xab: {  	[sflag:s6] =	ssyncadd.remote.s32 @p0 $0x1;
	_ =	sdelay $0x1  }
0xac: {  	s6 =	simm.s32 @p0 $0x1B8D  }
0xad: {  	_ =	swait.eq @p0 [sflag:s6], $0x1  }
0xae: {  	[sflag:s6] =	ssyncadd.s32 @p0 $0xFFFFFFFF  }
0xaf: {  	s7 =	sshll.u32 @!p0 s1, $0xE  }
0xb0: {  	s7 =	sor.u32 @!p0 $0x4000, s7;
	s6 =	simm.s32 @!p0 $0x1B8D  }
0xb1: {  	s5 =	sshll.u32 @!p0 s5, $0x11;
	s7 =	sadd.s32 @!p0 $0x11B8D, s7;
	_ =	swait.eq @!p0 [sflag:s6], $0x1  }
0xb2: {  	s5 =	sor.u32 @!p0 s5, s7;
	[sflag:s6] =	ssyncadd.s32 @!p0 $0xFFFFFFFF  }
0xb3: {  	s25 =	simm.s32 $0x1B8E;
	s24 =	sld [smem:$0x3FFE];
	[sflag:s5] =	ssyncadd.remote.s32 @!p0 $0x1  }
0xb4: {  	s26 =	simm.s32 $execute0_lowered;
	[smem:$0x3FD2] =	sst s25  }
0xb5: {  	s6 =	sshll.u32 s26, $0x1;
	_ =	strace $0x80000049;
	[dreg:$0x1] =	wrdreg $0xFFFFFFFF  }
0xb6: {  	s28 =	simm.s32 $_size_execute0_lowered;
	s4 =	sadd.s32 s4, s6;
	[dreg:$0x0] =	wrdreg $0x0  }
0xb7: {  	s6 =	sshll.u32 s28, $0x1;
	[dreg:$0x2] =	wrdreg s4  }
0xb8: {  	[dreg:$0x3] =	wrdreg s6  }
0xb9: {  	[dreg:$0x4] =	wrdreg $0xC0  }
0xba: {  	_ =	task [dreg:s22], $0x5FFFF  }
0xbb: {  	[dreg:$0x1] =	wrdreg $0xFFFFFFFF  }
0xbc: {  	[dreg:$0x0] =	wrdreg $0x60  }
0xbd: {  	[dreg:$0x2] =	wrdreg s24  }
0xbe: {  	[dreg:$0x3] =	wrdreg s18  }
0xbf: {  	[dreg:$0x4] =	wrdreg $0xC2000  }
0xc0: {  	[dreg:$0x5] =	wrdreg $0xA  }
0xc1: {  	_ =	task.clear_ibuf [dreg:s22], $0x6FFFF;
	_ =	strace $0x90000049  }
0xc2: {  	s29 =	simm.s32 $0xA;
	_ =	strace $0x8000004B  }
0xc3: {  	_ =	swait.ge [sflag:s29], $0x1  }
0xc4: {  	[sflag:s29] =	ssyncadd.s32 $0xFFFFFFFF  }
0xc5: {  	_ =	strace $0x9000004B  }
0xc6: {  	_ =	sfence  }
0xc7: {  	s30 =	sld [smem:$0x0];
	_ =	sdelay $0x2  }
0xc8: {  	s31 =	sshll.u32 s1, $0xD;
	s1 =	sshrl.u32 s1, $0x2  }
0xc9: {  	s4 =	sand.u32 $0x4000, s31;
	s1 =	sadd.s32 s1, s30  }
0xca: {  	s0 =	sor.u32 s4, s0;
	s1 =	sshll.u32 s1, $0x11  }
0xcb: {  	s0 =	sor.u32 s1, s0  }
0xcc: {  	s0 =	sadd.s32 $0x8F2B, s0  }
0xcd: {  	[sflag:s0] =	ssyncadd.remote.s32 $0x1  }
0xce: {  	_ =	sfence.sel $0xFFFF  }
0xcf: {  	[dreg:$0x0] =	wrdreg $0xFFFFFFFF;
	(pc) =	sbr.abs _section_cstart, $3  }
0xd0: {  	[dreg:$0x1] =	wrdreg $0xFFFFFFFF  }
0xd1: {  	_ =	task.clear_ibuf [dreg:s22], $0x2FFFF;
	_ =	strace $0x9FFFFFFF  }
0xd2: {  	(tm) =	ssettm $0x7FFFFFFF  }
0xd3: {  	_ =	shalt  }
tec
execute0_lowered:
.L_overlay_start_1:
0x0: {  	(tag) =	ssettag $0x1  }
0x1: {  	s0 =	rddreg [dreg:$0x0]  }
0x2: {  	s2 =	rddreg [dreg:$0x1]  }
0x3: {  	s1 =	rddreg [dreg:$0x2]  }
0x4: {  	s3 =	simm.s32 $0x0;
	s4 =	srdreg.scid;
	s19 =	stileid.u32  }
0x5: {  	s28 =	simm.s32 $0x8200;
	s29 =	simm.s32 $0x5;
	s30 =	simm.s32 $0x100  }
0x6: {  	s31 =	simm.s32 $0x80;
	[smem:$0x7FF] =	sst s3;
	s7 =	smul.u32 $0x278, s19  }
0x7: {  	s6 =	sand.u32 $0x1, s4;
	s4 =	sadd.s32 $0x84C00, s0;
	s12 =	smul.u32 $0x4F000, s19  }
0x8: {  	s9 =	sadd.s32 $0x3C00, s0;
	s18 =	sshll.u32 s19, $0x1;
	s14 =	smul.u32 $0x2780, s19  }
0x9: {  	s19 =	smul.u32 $0xA00, s19;
	_ =	strace $0x8000004A;
	s5 =	ssub.s32 $0x2, s6  }
0xa: {  	s11 =	sor.u32 s6, s18;
	p0 =	seq.s32 s6, $0x1;
	s6 =	smul.u32 $0x500, s6  }
0xb: {  	s8 =	sshrl.u32 s5, $0x1;
	s10 =	sadd.s32 $0x200, s7;
	s21 =	sshrl.u32 s12, $0x2  }
0xc: {  	s22 =	sadd.s32 s4, s14;
	s23 =	sadd.s32 $0x80, s7;
	s11 =	smul.u32 $0x500, s11  }
0xd: {  	s25 =	sadd.s32 $0x100, s7;
	s7 =	sadd.s32 $0x180, s7;
	s8 =	ssub.s32 s5, s8  }
0xe: {  	s20 =	sshll.u32 s10, $0x7;
	s13 =	sshll.u32 s10, $0x4;
	[dreg:$0x5] =	wrdreg s22  }
0xf: {  	s24 =	sshll.u32 s23, $0x4;
	s10 =	sshll.u32 s23, $0x7;
	s17 =	sshll.u32 s25, $0x4  }
0x10: {  	s5 =	sadd.s32 s20, s1;
	s8 =	smax.u32 s8, $0x1;
	s15 =	sadd.s32 s4, s24  }
0x11: {  	s10 =	sadd.s32 s10, s1;
	s16 =	sadd.s32 s2, s11;
	[dreg:$0x4] =	wrdreg s8  }
0x12: {  	s18 =	sor.u32 $0x10, s11;
	s11 =	sadd.s32 s9, s11;
	[dreg:$0x6] =	wrdreg s15  }
0x13: {  	s20 =	sshll.u32 s7, $0x4;
	s7 =	sshll.u32 s7, $0x7;
	[dreg:$0x7] =	wrdreg s16  }
0x14: {  	s8 =	sadd.s32 s21, s1;
	s16 =	simm.s32 $0xD3C00;
	[dreg:$0x8] =	wrdreg s11  }
0x15: {  	s26 =	sadd.s32 s2, s18;
	s2 =	sadd.s32 s19, s2;
	s16 =	simm.s32 @!p0 $0xAC400  }
0x16: {  	[dreg:$0x9] =	wrdreg s26;
	s2 =	sadd.s32 s6, s2;
	s26 =	sadd.s32 s4, s20  }
0x17: {  	s0 =	sadd.s32 s16, s0;
	s16 =	sadd.s32 s9, s18;
	[dreg:$0x12] =	wrdreg s26  }
0x18: {  	s9 =	sadd.s32 s19, s9;
	s18 =	sadd.s32 s4, s17;
	[dreg:$0xa] =	wrdreg s16  }
0x19: {  	s19 =	sshll.u32 s25, $0x7;
	[dreg:$0xb] =	wrdreg s18;
	s21 =	sadd.s32 s0, s14  }
0x1a: {  	s26 =	sadd.s32 $0x20, s2;
	s22 =	sadd.s32 s0, s24;
	[dreg:$0xc] =	wrdreg s21  }
0x1b: {  	s2 =	simm.s32 $0x1;
	s23 =	sadd.s32 s0, s17;
	[dreg:$0xd] =	wrdreg s22  }
0x1c: {  	s16 =	sadd.s32 s19, s1;
	s24 =	sadd.s32 s4, s13;
	[dreg:$0xe] =	wrdreg s23  }
0x1d: {  	s9 =	sadd.s32 s6, s9;
	s25 =	sadd.s32 s0, s13;
	[dreg:$0xf] =	wrdreg s24  }
0x1e: {  	s0 =	sadd.s32 s0, s20;
	s6 =	simm.s32 $0x3;
	[dreg:$0x10] =	wrdreg s25  }
0x1f: {  	[dreg:$0x11] =	wrdreg s0;
	s24 =	sadd.s32 s7, s1;
	s25 =	sadd.s32 $0x20, s9  }
0x20: {  	s0 =	simm.s32 $0x200;
	s7 =	simm.s32 $0x4;
	s9 =	simm.s32 $0x0  }
.LBB2_1:
0x21: {  	s11 =	rddreg [dreg:$0x5]  }
0x22: {  	[tilespmem:s28], [sflag:$0x5] =	stream.linear.gather [hbm4b:s11+s3], $0x4000, $0x38;
	[tilespmem:$0x1FE00] =	vst v63  }
0x23: {  	_ =	swait.ge [sflag:s29], $0x4000  }
0x24: {  	[sflag:s29] =	ssyncset.done $0x0  }
0x25: {  	[sflag:s29] =	ssyncadd.s32 $0xFFFFC000  }
0x26: {  	[spmem:s8] =	stream.linear.scatter [tilespmem:s28], [sflag:$0x5], $0x4000, $0x38;
	[tilespmem:$0x1FE00] =	vst v63  }
0x27: {  	_ =	swait.ge [sflag:s29], $0x4000  }
0x28: {  	[sflag:s29] =	ssyncset.done $0x0  }
0x29: {  	s23 =	rddreg [dreg:$0x6];
	[sflag:s29] =	ssyncadd.s32 $0xFFFFC000  }
0x2a: {  	[tilespmem:s28], [sflag:$0x5] =	stream.linear.gather [hbm4b:s23+s3], $0x4000, $0x38;
	[tilespmem:$0x1FE00] =	vst v63  }
0x2b: {  	_ =	swait.ge [sflag:s29], $0x4000  }
0x2c: {  	[sflag:s29] =	ssyncset.done $0x0  }
0x2d: {  	[sflag:s29] =	ssyncadd.s32 $0xFFFFC000  }
0x2e: {  	[spmem:s10] =	stream.linear.scatter [tilespmem:s28], [sflag:$0x5], $0x4000, $0x38;
	[tilespmem:$0x1FE00] =	vst v63  }
0x2f: {  	_ =	swait.ge [sflag:s29], $0x4000  }
0x30: {  	[sflag:s29] =	ssyncset.done $0x0  }
0x31: {  	s12 =	rddreg [dreg:$0xb];
	[sflag:s29] =	ssyncadd.s32 $0xFFFFC000  }
0x32: {  	[tilespmem:s28], [sflag:$0x5] =	stream.linear.gather [hbm4b:s12+s3], $0x4000, $0x38;
	[tilespmem:$0x1FE00] =	vst v63  }
0x33: {  	_ =	swait.ge [sflag:s29], $0x4000  }
0x34: {  	[sflag:s29] =	ssyncset.done $0x0  }
0x35: {  	[sflag:s29] =	ssyncadd.s32 $0xFFFFC000  }
0x36: {  	[spmem:s16] =	stream.linear.scatter [tilespmem:s28], [sflag:$0x5], $0x4000, $0x38;
	[tilespmem:$0x1FE00] =	vst v63  }
0x37: {  	_ =	swait.ge [sflag:s29], $0x4000  }
0x38: {  	[sflag:s29] =	ssyncset.done $0x0  }
0x39: {  	s13 =	rddreg [dreg:$0x12];
	[sflag:s29] =	ssyncadd.s32 $0xFFFFC000  }
0x3a: {  	[tilespmem:s28], [sflag:$0x5] =	stream.linear.gather [hbm4b:s13+s3], $0x4000, $0x38;
	[tilespmem:$0x1FE00] =	vst v63  }
0x3b: {  	_ =	swait.ge [sflag:s29], $0x4000  }
0x3c: {  	[sflag:s29] =	ssyncset.done $0x0  }
0x3d: {  	[sflag:s29] =	ssyncadd.s32 $0xFFFFC000  }
0x3e: {  	[spmem:s24] =	stream.linear.scatter [tilespmem:s28], [sflag:$0x5], $0x4000, $0x38;
	[tilespmem:$0x1FE00] =	vst v63  }
0x3f: {  	_ =	swait.ge [sflag:s29], $0x4000  }
0x40: {  	[sflag:s29] =	ssyncset.done $0x0  }
0x41: {  	s14 =	rddreg [dreg:$0xf];
	[sflag:s29] =	ssyncadd.s32 $0xFFFFC000  }
0x42: {  	[tilespmem:s28], [sflag:$0x5] =	stream.linear.gather [hbm4b:s14+s3], $0x3C00, $0x38;
	[tilespmem:$0x1FE00] =	vst v63  }
0x43: {  	_ =	swait.ge [sflag:s29], $0x3C00  }
0x44: {  	[sflag:s29] =	ssyncset.done $0x0  }
0x45: {  	[sflag:s29] =	ssyncadd.s32 $0xFFFFC400  }
0x46: {  	[spmem:s5] =	stream.linear.scatter [tilespmem:s28], [sflag:$0x5], $0x3C00, $0x38;
	[tilespmem:$0x1FE00] =	vst v63  }
0x47: {  	_ =	swait.ge [sflag:s29], $0x3C00  }
0x48: {  	[sflag:s29] =	ssyncset.done $0x0  }
0x49: {  	[sflag:s29] =	ssyncadd.s32 $0xFFFFC400  }
0x4a: {  	[bflag:$0x0] =	sbarrier.arrive $0xFFFF  }
0x4b: {  	s15 =	rddreg [dreg:$0x7]  }
0x4c: {  	[tilespmem:s3], [sflag:$0x5] =	stream.linear.gather [hbm4b:s15+s3], $0x80, $0x38;
	[tilespmem:$0x1FE00] =	vst v63  }
0x4d: {  	_ =	swait.ge [sflag:s29], $0x80  }
0x4e: {  	[sflag:s29] =	ssyncset.done $0x0  }
0x4f: {  	s17 =	rddreg [dreg:$0x8];
	[sflag:s29] =	ssyncadd.s32 $0xFFFFFF80  }
0x50: {  	[tilespmem:s30], [sflag:$0x5] =	stream.linear.gather [hbm4b:s17+s3], $0x80, $0x38;
	[tilespmem:$0x1FE00] =	vst v63  }
0x51: {  	_ =	swait.ge [sflag:s29], $0x80  }
0x52: {  	[sflag:s29] =	ssyncset.done $0x0  }
0x53: {  	[sflag:s29] =	ssyncadd.s32 $0xFFFFFF80  }
0x54: {  	[tilespmem:s0], [sflag:$0x1] =	stream.indirect.gather [hbm4b:s4+s31], $0x80, s3, s31, $0xb8;
	[tilespmem:$0x1FE00] =	vst v63  }
0x55: {  	s18 =	rddreg [dreg:$0x9]  }
0x56: {  	[tilespmem:s31], [sflag:$0x5] =	stream.linear.gather [hbm4b:s18+s3], $0x80, $0x38;
	[tilespmem:$0x1FE00] =	vst v63  }
0x57: {  	_ =	swait.ge [sflag:s29], $0x80  }
0x58: {  	[sflag:s29] =	ssyncset.done $0x0  }
0x59: {  	s12 =	simm.s32 $0x180;
	s19 =	rddreg [dreg:$0xa];
	[sflag:s29] =	ssyncadd.s32 $0xFFFFFF80  }
0x5a: {  	[tilespmem:s12], [sflag:$0x5] =	stream.linear.gather [hbm4b:s19+s3], $0x80, $0x38;
	[tilespmem:$0x1FE00] =	vst v63  }
0x5b: {  	_ =	swait.ge [sflag:s29], $0x80  }
0x5c: {  	[sflag:s29] =	ssyncset.done $0x0  }
0x5d: {  	s20 =	simm.s32 $0x4200;
	[sflag:s29] =	ssyncadd.s32 $0xFFFFFF80  }
0x5e: {  	[tilespmem:s20], [sflag:$0x2] =	stream.indirect.gather [hbm4b:s4+s31], $0x80, s31, s31, $0xb8;
	[tilespmem:$0x1FE00] =	vst v63  }
0x5f: {  	s21 =	simm.s32 $0x2;
	_ =	swait.ge [sflag:s2], $0x4000  }
0x60: {  	s17 =	sand.u32 $0x1, s21;
	[sflag:s2] =	ssyncset.done $0x0  }
0x61: {  	s11 =	sadd.s32 $0x3, s17;
	[sflag:s2] =	ssyncadd.s32 $0xFFFFC000  }
0x62: {  	[spmem:s1] =	stream.indirect.scatter.add.f32 [tilespmem:s0], [sflag:$0x3], $0x80, s30, s31, $0xb8;
	[tilespmem:$0x1FE00] =	vst v63  }
0x63: {  	_ =	swait.ge [sflag:s11], $0x4000  }
0x64: {  	[sflag:s11] =	ssyncset.done $0x0  }
0x65: {  	s18 =	sshll.u32 s17, $0x7;
	[sflag:s11] =	ssyncadd.s32 $0xFFFFC000  }
0x66: {  	[tilespmem:s18], [sflag:$0x5] =	stream.linear.gather [hbm4b:s26+s3], $0x80, $0x38;
	[tilespmem:$0x1FE00] =	vst v63  }
0x67: {  	_ =	swait.ge [sflag:s29], $0x80  }
0x68: {  	s13 =	sadd.s32 $0x10, s26;
	s14 =	simm.s32 $0x5;
	[sflag:s29] =	ssyncset.done $0x0  }
0x69: {  	s15 =	sand.u32 $0x1, s6;
	s22 =	sor.u32 $0x100, s18;
	[sflag:s29] =	ssyncadd.s32 $0xFFFFFF80  }
0x6a: {  	[tilespmem:s22], [sflag:$0x5] =	stream.linear.gather [hbm4b:s25+s3], $0x80, $0x38;
	[tilespmem:$0x1FE00] =	vst v63  }
0x6b: {  	s23 =	sshll.u32 s15, $0xE;
	s19 =	sshll.u32 s17, $0xE;
	_ =	swait.ge [sflag:s29], $0x80  }
0x6c: {  	s12 =	sadd.s32 $0x10, s25;
	s19 =	sor.u32 $0x200, s19;
	[sflag:s29] =	ssyncset.done $0x0  }
0x6d: {  	s20 =	sadd.s32 $0x1, s17;
	s17 =	sadd.s32 $0x1, s15;
	[sflag:s29] =	ssyncadd.s32 $0xFFFFFF80  }
0x6e: {  	[tilespmem:s19], [sflag:s20] =	stream.indirect.gather [hbm4b:s4+s31], $0x80, s18, s31, $0xb8;
	[tilespmem:$0x1FE00] =	vst v63  }
0x6f: {  	s11 =	simm.s32 $0x4;
	s19 =	sshll.u32 s15, $0x7;
	_ =	swait.ge [sflag:s17], $0x4000  }
0x70: {  	s20 =	simm.s32 $0x3;
	s18 =	sor.u32 $0x200, s23;
	[sflag:s17] =	ssyncset.done $0x0  }
.LBB2_2:
0x71: {  	s20 =	sand.u32 $0x1, s20;
	s19 =	sor.u32 $0x100, s19  }
0x72: {  	s15 =	sadd.s32 $0x3, s15;
	s21 =	smov.u32 s11;
	s11 =	smov.u32 s14  }
0x73: {  	s22 =	sadd.s32 $0x3, s20;
	s23 =	sshll.u32 s20, $0xE;
	[sflag:s17] =	ssyncadd.s32 $0xFFFFC000  }
0x74: {  	[spmem:s1] =	stream.indirect.scatter.add.f32 [tilespmem:s18], [sflag:s15], $0x80, s19, s31, $0xb8;
	[tilespmem:$0x1FE00] =	vst v63  }
0x75: {  	p0 =	sne.s32 s14, $0x50;
	s14 =	sadd.s32 $0x1, s14;
	_ =	swait.ge [sflag:s22], $0x4000  }
0x76: {  	[sflag:s22] =	ssyncset.done $0x0  }
0x77: {  	s18 =	sshll.u32 s20, $0x7;
	[sflag:s22] =	ssyncadd.s32 $0xFFFFC000  }
0x78: {  	[tilespmem:s18], [sflag:$0x5] =	stream.linear.gather [hbm4b:s13+s3], $0x80, $0x38;
	[tilespmem:$0x1FE00] =	vst v63  }
0x79: {  	_ =	swait.ge [sflag:s29], $0x80  }
0x7a: {  	[sflag:s29] =	ssyncset.done $0x0  }
0x7b: {  	s19 =	sadd.s32 $0x1, s20;
	s15 =	sor.u32 $0x100, s18;
	[sflag:s29] =	ssyncadd.s32 $0xFFFFFF80  }
0x7c: {  	[tilespmem:s15], [sflag:$0x5] =	stream.linear.gather [hbm4b:s12+s3], $0x80, $0x38;
	[tilespmem:$0x1FE00] =	vst v63  }
0x7d: {  	s13 =	sadd.s32 $0x10, s13;
	s12 =	sadd.s32 $0x10, s12;
	_ =	swait.ge [sflag:s29], $0x80  }
.Ltmp0:
0x7e: {  	s15 =	sand.u32 $0x1, s21;
	[sflag:s29] =	ssyncset.done $0x0;
	(pc) =	sbr.rel @p0 .LBB2_2-.Ltmp0, $4  }
0x7f: {  	s20 =	sor.u32 $0x200, s23;
	s17 =	sadd.s32 $0x1, s15;
	[sflag:s29] =	ssyncadd.s32 $0xFFFFFF80  }
0x80: {  	[tilespmem:s20], [sflag:s19] =	stream.indirect.gather [hbm4b:s4+s31], $0x80, s18, s31, $0xb8;
	[tilespmem:$0x1FE00] =	vst v63  }
0x81: {  	s18 =	sshll.u32 s15, $0xE;
	s19 =	sshll.u32 s15, $0x7;
	_ =	swait.ge [sflag:s17], $0x4000  }
0x82: {  	s20 =	sadd.s32 $0xFFFFFFFF, s11;
	s18 =	sor.u32 $0x200, s18;
	[sflag:s17] =	ssyncset.done $0x0  }
0x83: {  	[sflag:s17] =	ssyncadd.s32 $0xFFFFC000  }
0x84: {  	s14 =	sand.u32 $0x1, s20;
	s23 =	sor.u32 $0x100, s19;
	s15 =	sadd.s32 $0x3, s15  }
0x85: {  	[spmem:s1] =	stream.indirect.scatter.add.f32 [tilespmem:s18], [sflag:s15], $0x80, s23, s31, $0xb8;
	[tilespmem:$0x1FE00] =	vst v63  }
0x86: {  	s15 =	sadd.s32 $0x3, s14  }
0x87: {  	_ =	swait.ge [sflag:s15], $0x4000  }
0x88: {  	[sflag:s15] =	ssyncset.done $0x0  }
0x89: {  	s18 =	sshll.u32 s14, $0x7;
	[sflag:s15] =	ssyncadd.s32 $0xFFFFC000  }
0x8a: {  	[tilespmem:s18], [sflag:$0x5] =	stream.linear.gather [hbm4b:s13+s3], $0x80, $0x38;
	[tilespmem:$0x1FE00] =	vst v63  }
0x8b: {  	_ =	swait.ge [sflag:s29], $0x80  }
0x8c: {  	[sflag:s29] =	ssyncset.done $0x0  }
0x8d: {  	s19 =	sor.u32 $0x100, s18;
	[sflag:s29] =	ssyncadd.s32 $0xFFFFFF80  }
0x8e: {  	[tilespmem:s19], [sflag:$0x5] =	stream.linear.gather [hbm4b:s12+s3], $0x80, $0x38;
	[tilespmem:$0x1FE00] =	vst v63  }
0x8f: {  	s11 =	sand.u32 $0x1, s11;
	_ =	swait.ge [sflag:s29], $0x80  }
0x90: {  	s20 =	sshll.u32 s14, $0xE;
	s14 =	sadd.s32 $0x1, s14;
	[sflag:s29] =	ssyncset.done $0x0  }
0x91: {  	s21 =	sadd.s32 $0x1, s11;
	s12 =	sor.u32 $0x200, s20;
	[sflag:s29] =	ssyncadd.s32 $0xFFFFFF80  }
0x92: {  	[tilespmem:s12], [sflag:s14] =	stream.indirect.gather [hbm4b:s4+s31], $0x80, s18, s31, $0xb8;
	[tilespmem:$0x1FE00] =	vst v63  }
0x93: {  	s22 =	sshll.u32 s11, $0xE;
	_ =	swait.ge [sflag:s21], $0x4000  }
0x94: {  	s23 =	sshll.u32 s11, $0x7;
	s11 =	sadd.s32 $0x3, s11;
	[sflag:s21] =	ssyncset.done $0x0  }
0x95: {  	s17 =	sor.u32 $0x200, s22;
	s18 =	sor.u32 $0x100, s23;
	[sflag:s21] =	ssyncadd.s32 $0xFFFFC000  }
0x96: {  	[spmem:s1] =	stream.indirect.scatter.add.f32 [tilespmem:s17], [sflag:s11], $0x80, s18, s31, $0xb8;
	[tilespmem:$0x1FE00] =	vst v63  }
0x97: {  	_ =	swait.ge [sflag:s6], $0x4000  }
0x98: {  	[sflag:s6] =	ssyncset.done $0x0  }
0x99: {  	[sflag:s6] =	ssyncadd.s32 $0xFFFFC000  }
0x9a: {  	_ =	swait.ge [sflag:s14], $0x4000  }
0x9b: {  	[sflag:s14] =	ssyncset.done $0x0  }
0x9c: {  	[sflag:s14] =	ssyncadd.s32 $0xFFFFC000  }
0x9d: {  	[spmem:s1] =	stream.indirect.scatter.add.f32 [tilespmem:s12], [sflag:s15], $0x80, s19, s31, $0xb8;
	[tilespmem:$0x1FE00] =	vst v63  }
0x9e: {  	_ =	swait.ge [sflag:s7], $0x4000  }
0x9f: {  	[sflag:s7] =	ssyncset.done $0x0  }
0xa0: {  	[sflag:s7] =	ssyncadd.s32 $0xFFFFC000  }
0xa1: {  	[bflag:$0x0] =	sbarrier.arrive $0xFFFF  }
0xa2: {  	[tilespmem:s28], [sflag:$0x5] =	stream.linear.gather [spmem:s8], $0x4000, $0x38;
	[tilespmem:$0x1FE00] =	vst v63  }
0xa3: {  	_ =	swait.ge [sflag:s29], $0x4000  }
0xa4: {  	[sflag:s29] =	ssyncset.done $0x0  }
0xa5: {  	s18 =	rddreg [dreg:$0xc];
	[sflag:s29] =	ssyncadd.s32 $0xFFFFC000  }
0xa6: {  	[hbm4b:s18+s3] =	stream.linear.scatter [tilespmem:s28], [sflag:$0x5], $0x4000, $0x38;
	[tilespmem:$0x1FE00] =	vst v63  }
0xa7: {  	_ =	swait.ge [sflag:s29], $0x4000  }
0xa8: {  	[sflag:s29] =	ssyncset.done $0x0  }
0xa9: {  	[sflag:s29] =	ssyncadd.s32 $0xFFFFC000  }
0xaa: {  	[tilespmem:s28], [sflag:$0x5] =	stream.linear.gather [spmem:s10], $0x4000, $0x38;
	[tilespmem:$0x1FE00] =	vst v63  }
0xab: {  	_ =	swait.ge [sflag:s29], $0x4000  }
0xac: {  	[sflag:s29] =	ssyncset.done $0x0  }
0xad: {  	s19 =	rddreg [dreg:$0xd];
	[sflag:s29] =	ssyncadd.s32 $0xFFFFC000  }
0xae: {  	[hbm4b:s19+s3] =	stream.linear.scatter [tilespmem:s28], [sflag:$0x5], $0x4000, $0x38;
	[tilespmem:$0x1FE00] =	vst v63  }
0xaf: {  	_ =	swait.ge [sflag:s29], $0x4000  }
0xb0: {  	[sflag:s29] =	ssyncset.done $0x0  }
0xb1: {  	[sflag:s29] =	ssyncadd.s32 $0xFFFFC000  }
0xb2: {  	[tilespmem:s28], [sflag:$0x5] =	stream.linear.gather [spmem:s16], $0x4000, $0x38;
	[tilespmem:$0x1FE00] =	vst v63  }
0xb3: {  	_ =	swait.ge [sflag:s29], $0x4000  }
0xb4: {  	[sflag:s29] =	ssyncset.done $0x0  }
0xb5: {  	s20 =	rddreg [dreg:$0xe];
	[sflag:s29] =	ssyncadd.s32 $0xFFFFC000  }
0xb6: {  	[hbm4b:s20+s3] =	stream.linear.scatter [tilespmem:s28], [sflag:$0x5], $0x4000, $0x38;
	[tilespmem:$0x1FE00] =	vst v63  }
0xb7: {  	_ =	swait.ge [sflag:s29], $0x4000  }
0xb8: {  	[sflag:s29] =	ssyncset.done $0x0  }
0xb9: {  	[sflag:s29] =	ssyncadd.s32 $0xFFFFC000  }
0xba: {  	[tilespmem:s28], [sflag:$0x5] =	stream.linear.gather [spmem:s24], $0x4000, $0x38;
	[tilespmem:$0x1FE00] =	vst v63  }
0xbb: {  	_ =	swait.ge [sflag:s29], $0x4000  }
0xbc: {  	[sflag:s29] =	ssyncset.done $0x0  }
0xbd: {  	s21 =	rddreg [dreg:$0x11];
	[sflag:s29] =	ssyncadd.s32 $0xFFFFC000  }
0xbe: {  	[hbm4b:s21+s3] =	stream.linear.scatter [tilespmem:s28], [sflag:$0x5], $0x4000, $0x38;
	[tilespmem:$0x1FE00] =	vst v63  }
0xbf: {  	_ =	swait.ge [sflag:s29], $0x4000  }
0xc0: {  	[sflag:s29] =	ssyncset.done $0x0  }
0xc1: {  	[sflag:s29] =	ssyncadd.s32 $0xFFFFC000  }
0xc2: {  	[tilespmem:s28], [sflag:$0x5] =	stream.linear.gather [spmem:s5], $0x3C00, $0x38;
	[tilespmem:$0x1FE00] =	vst v63  }
0xc3: {  	_ =	swait.ge [sflag:s29], $0x3C00  }
0xc4: {  	[sflag:s29] =	ssyncset.done $0x0  }
0xc5: {  	s22 =	rddreg [dreg:$0x10];
	[sflag:s29] =	ssyncadd.s32 $0xFFFFC400  }
0xc6: {  	[hbm4b:s22+s3] =	stream.linear.scatter [tilespmem:s28], [sflag:$0x5], $0x3C00, $0x38;
	[tilespmem:$0x1FE00] =	vst v63  }
0xc7: {  	_ =	swait.ge [sflag:s29], $0x3C00  }
0xc8: {  	s9 =	sadd.s32 $0x1, s9;
	s23 =	rddreg [dreg:$0x4]  }
0xc9: {  	p0 =	sne.s32 s9, s23  }
.Ltmp1:
0xca: {  	_ = 	snop;
	(pc) =	sbr.rel @p0 .LBB2_1-.Ltmp1, $3  }
0xcb: {  	_ =	sdelay $0x1  }
0xcc: {  	[sflag:s29] =	ssyncset.done $0x0  }
0xcd: {  	[sflag:s29] =	ssyncadd.s32 $0xFFFFC400  }
0xce: {  	_ =	sfence.sel $0x180000  }
0xcf: {  	[bflag:$0x0] =	sbarrier.arrive $0xFFFF  }
0xd0: {  	_ =	strace $0x9000004A  }
0xd1: {  	s0 =	stileid.u32;
	[bflag:$0x2] =	sbarrier.arrive $0xFFFF  }
0xd2: {  	p0 =	sne.s32 s0, $0x0;
	s0 =	rddreg [dreg:$0x3]  }
0xd3: {  	s0 =	sadd.s32 @!p0 $0x100000, s0  }
0xd4: {  	[sflag:s0] =	ssyncadd.tile.s32 @!p0 $0x1;
	_ =	shalt  }
.Lfunc_end2:
_tile_overlayer_lowered:
.L_overlay_start_2:
0xd5: {  	(tag) =	ssettag $0x2  }
0xd6: {  	s0 =	rddreg [dreg:$0x0];
	s2 =	stileid.u32  }
0xd7: {  	s1 =	rddreg [dreg:$0x1];
	p0 =	sne.s32 s2, $0x0  }
0xd8: {  	s3 =	rddreg [dreg:$0x2];
	[bflag:$0x3] =	sbarrier.arrive $0xFFFF;
	s2 =	simm.s32 @!p0 $0x1C05  }
0xd9: {  	[timem:s3], [sflag:s2] =	dma.local @!p0 [hbm:s0], s1  }
0xda: {  	s0 =	simm.s32 @!p0 $0x5  }
0xdb: {  	_ =	swait.ge @!p0 [sflag:s0], s1  }
0xdc: {  	s1 =	ssub.s32 @!p0 $0x0, s1;
	[sflag:s0] =	ssyncset.done @!p0 $0x0  }
0xdd: {  	[sflag:s0] =	ssyncadd.s32 @!p0 s1  }
0xde: {  	[bflag:$0x3] =	sbarrier.arrive $0xFFFF  }
0xdf: {  	_ =	shalt  }

// kernel: kernel.14.cloned.1.call-start
scs
__scs_entry_jumppad:
0x0: {  	(pc) =	sbr.rel $0x88, $3  }
0x1: {  	(tag) =	ssettag $0x0;
	lr =	simm.s32 $0x1  }
0x2: {  	[smem:$0x3F99] =	sst lr;
	_ =	strace $0xD0000000  }
0x3: {  	_ = 	snop  }
0x4: {  	_ = 	snop  }
0x5: {  	_ = 	snop  }
0x6: {  	_ = 	snop  }
0x7: {  	_ = 	snop  }
__scs_overlays_trampoline_lowered:
0x8: {  	[smem:$0x3FA8] =	sst s0  }
0x9: {  	[smem:$0x3FA9] =	sst s1  }
0xa: {  	[smem:$0x3FAA] =	sst s2  }
0xb: {  	[smem:$0x3FAB] =	sst s3  }
0xc: {  	[smem:$0x3FAC] =	sst s4  }
0xd: {  	[smem:$0x3FAD] =	sst s5  }
0xe: {  	[smem:$0x3FAE] =	sst s6  }
0xf: {  	[smem:$0x3FAF] =	sst s7  }
0x10: {  	[smem:$0x3FB0] =	sst s8  }
0x11: {  	[smem:$0x3FB1] =	sst s9;
	s0 =	simm.s32 @!p0 $0x0  }
0x12: {  	s1 =	sld [smem:$0x3F97];
	s0 =	simm.s32 @p0 $0x1  }
0x13: {  	[smem:$0x3FB2] =	sst s0;
	s0 =	simm.s32 @!p1 $0x0  }
0x14: {  	s2 =	sld [smem:$0x3F96];
	s0 =	simm.s32 @p1 $0x1  }
0x15: {  	[smem:$0x3FB3] =	sst s0;
	s0 =	simm.s32 @!p2 $0x0  }
0x16: {  	s3 =	sld [smem:$0x3FDB];
	s0 =	simm.s32 @p2 $0x1  }
0x17: {  	s4 =	simm.s32 $0x1BF5;
	[smem:$0x3FB5] =	sst s0  }
0x18: {  	s0 =	sld [smem:$0x3F98];
	_ =	swait.ge [sflag:s4], $0x0  }
0x19: {  	s7 =	sld [smem:$0x3F99]  }
0x1a: {  	s8 =	sadd.s32 $0xFFFFE003, lr  }
0x1b: {  	s9 =	sadd.s32 $0xFFFFFEF7, lr;
	s5 =	simm.s32 $0xFFFFFFFF;
	p2 =	slt.u32 s8, $0xFFFFF086  }
0x1c: {  	p1 =	slt.u32 s9, $0xF7A;
	s5 =	simm.s32 @!p2 $0x0  }
0x1d: {  	s5 =	simm.s32 @p1 $0x1;
	p0 =	seq.s32 s7, s2  }
0x1e: {  	s7 =	smul.u32 @!p0 $0xF7A, s2;
	p2 =	seq.s32 @!p0 s5, $0x0  }
0x1f: {  	s9 =	smul.u32 $0xF7A, s1;
	s8 =	simm.s32 @!p0 $0x1BF5;
	p2 =	por !p2, p0  }
0x20: {  	[sflag:s8] =	ssyncset.s32 @!p0 $0xFFFFF086;
	s6 =	sadd.s32 @!p0 s3, s7;
	s7 =	simm.s32 @!p0 $0x108  }
0x21: {  	s3 =	sadd.s32 s3, s9;
	s6 =	sadd.s32 @!p0 $0x88, s6;
	s7 =	simm.s32 @p2 $0x1082  }
0x22: {  	[simem:s7], [sflag:s8] =	dma.local @!p0 [hbm:s6], $0xF7A  }
0x23: {  	s9 =	sor.u32 $0xD0000000, s2;
	s6 =	simm.s32 $0x108;
	_ =	swait.ge @!p0 [sflag:s8], $0x0  }
0x24: {  	s3 =	sadd.s32 $0x88, s3;
	s6 =	simm.s32 @!p1 $0x1082;
	[sflag:s4] =	ssyncset.s32 $0xFFFFF086  }
0x25: {  	[simem:s6], [sflag:s4] =	dma.local [hbm:s3], $0xF7A  }
0x26: {  	[smem:$0x3F99] =	sst s1;
	(tag) =	ssettag s2;
	_ =	strace s9  }
0x27: {  	s1 =	sld [smem:$0x3FA9]  }
0x28: {  	s2 =	sld [smem:$0x3FAA]  }
0x29: {  	s4 =	sld [smem:$0x3FAC]  }
0x2a: {  	p0 =	seq.s32 s5, $0x0;
	s5 =	sld [smem:$0x3FAD]  }
0x2b: {  	s6 =	sld [smem:$0x3FAE]  }
0x2c: {  	s7 =	sld [smem:$0x3FAF]  }
0x2d: {  	s3 =	simm.s32 $0x108;
	s8 =	sld [smem:$0x3FB0]  }
0x2e: {  	s3 =	simm.s32 @!p0 $0x1082;
	s9 =	sld [smem:$0x3FB1]  }
0x2f: {  	lr =	sadd.s32 s0, s3;
	s0 =	sld [smem:$0x3FA8]  }
0x30: {  	s3 =	sld [smem:$0x3FAB]  }
0x31: {  	[smem:$0x3FB4] =	sst s10  }
0x32: {  	s10 =	sld [smem:$0x3FB2];
	_ =	sdelay $0x3  }
0x33: {  	p0 =	seq.s32 s10, $0x1;
	s10 =	sld [smem:$0x3FB4];
	_ =	sdelay $0x3  }
0x34: {  	[smem:$0x3FB4] =	sst s10  }
0x35: {  	s10 =	sld [smem:$0x3FB3];
	_ =	sdelay $0x3  }
0x36: {  	p1 =	seq.s32 s10, $0x1;
	s10 =	sld [smem:$0x3FB4];
	_ =	sdelay $0x3  }
0x37: {  	[smem:$0x3FB4] =	sst s10  }
0x38: {  	s10 =	sld [smem:$0x3FB5]  }
0x39: {  	_ = 	snop;
	(pc) =	sbr.ind lr, $3  }
0x3a: {  	_ = 	snop  }
0x3b: {  	_ = 	snop  }
0x3c: {  	p2 =	seq.s32 s10, $0x1;
	s10 =	sld [smem:$0x3FB4]  }
0x3d: {  	_ =	shalt  }
0x3e: {  	_ =	shalt  }
0x3f: {  	_ =	shalt  }
0x40: {  	_ =	shalt  }
0x41: {  	_ =	shalt  }
0x42: {  	_ =	shalt  }
0x43: {  	_ =	shalt  }
0x44: {  	_ =	shalt  }
0x45: {  	_ =	shalt  }
0x46: {  	_ =	shalt  }
0x47: {  	_ =	shalt  }
0x48: {  	_ =	shalt  }
0x49: {  	_ =	shalt  }
0x4a: {  	_ =	shalt  }
0x4b: {  	_ =	shalt  }
0x4c: {  	_ =	shalt  }
0x4d: {  	_ =	shalt  }
0x4e: {  	_ =	shalt  }
0x4f: {  	_ =	shalt  }
0x50: {  	_ =	shalt  }
0x51: {  	_ =	shalt  }
0x52: {  	_ =	shalt  }
0x53: {  	_ =	shalt  }
0x54: {  	_ =	shalt  }
0x55: {  	_ =	shalt  }
0x56: {  	_ =	shalt  }
0x57: {  	_ =	shalt  }
0x58: {  	_ =	shalt  }
0x59: {  	_ =	shalt  }
0x5a: {  	_ =	shalt  }
0x5b: {  	_ =	shalt  }
0x5c: {  	_ =	shalt  }
0x5d: {  	_ =	shalt  }
0x5e: {  	_ =	shalt  }
0x5f: {  	_ =	shalt  }
0x60: {  	_ =	shalt  }
0x61: {  	_ =	shalt  }
0x62: {  	_ =	shalt  }
0x63: {  	_ =	shalt  }
0x64: {  	_ =	shalt  }
0x65: {  	_ =	shalt  }
0x66: {  	_ =	shalt  }
0x67: {  	_ =	shalt  }
0x68: {  	_ =	shalt  }
0x69: {  	_ =	shalt  }
0x6a: {  	_ =	shalt  }
0x6b: {  	_ =	shalt  }
0x6c: {  	_ =	shalt  }
0x6d: {  	_ =	shalt  }
0x6e: {  	_ =	shalt  }
0x6f: {  	_ =	shalt  }
0x70: {  	_ =	shalt  }
0x71: {  	_ =	shalt  }
0x72: {  	_ =	shalt  }
0x73: {  	_ =	shalt  }
0x74: {  	_ =	shalt  }
0x75: {  	_ =	shalt  }
0x76: {  	_ =	shalt  }
0x77: {  	_ =	shalt  }
0x78: {  	_ =	shalt  }
0x79: {  	_ =	shalt  }
0x7a: {  	_ =	shalt  }
0x7b: {  	_ =	shalt  }
0x7c: {  	_ =	shalt  }
0x7d: {  	_ =	shalt  }
0x7e: {  	_ =	shalt  }
0x7f: {  	_ =	shalt  }
0x80: {  	_ =	shalt  }
0x81: {  	_ =	shalt  }
0x82: {  	_ =	shalt  }
0x83: {  	_ =	shalt  }
0x84: {  	_ =	shalt  }
0x85: {  	_ =	shalt  }
0x86: {  	_ =	shalt  }
0x87: {  	_ =	shalt  }
.Lfunc_end0:
.L_simem_size_0:
called_computation.2_lowered:
.L_overlay_start_0:
0x88: {  	s2 =	sld [smem:$0x3FD9]  }
0x89: {  	s3 =	sld [smem:$0x3FFE];
	_ =	sdelay $0x1  }
0x8a: {  	s1 =	srdreg.scid  }
0x8b: {  	s0 =	sand.u32 $0x1, s1  }
0x8c: {  	s17 =	sshll.u32 s0, $0xA;
	s2 =	sadd.s32 s3, s2  }
0x8d: {  	s2 =	sadd.s32 s2, s17  }
0x8e: {  	[smem:$0x3FC0] =	sst s2  }
0x8f: {  	_ = 	snop  }
0x90: {  	s2 =	sld [smem:$0x3FD0];
	(tm) =	ssettm $0x1  }
0x91: {  	s18 =	sld [smem:$0x3FFB];
	_ =	sdelay $0x3  }
0x92: {  	_ =	strace s18  }
0x93: {  	s3 =	sld [smem:$0x3FFC];
	_ =	sdelay $0x3  }
0x94: {  	_ =	strace s3  }
0x95: {  	s3 =	sld [smem:$0x3FFD];
	_ =	sdelay $0x3  }
0x96: {  	_ =	strace s3  }
0x97: {  	_ =	strace $0x8FFFFFFF  }
0x98: {  	s19 =	sld [smem:$0x3FDB];
	_ =	sdelay $0x1  }
0x99: {  	s4 =	simm.s32 $_scs_section_size  }
0x9a: {  	s5 =	simm.s32 $_size__tile_overlayer_lowered;
	s6 =	simm.s32 $_tile_overlayer_lowered  }
0x9b: {  	s22 =	simm.s32 $0x1BFF;
	s21 =	sshll.u32 s6, $0x1;
	s3 =	sadd.s32 s4, s19  }
0x9c: {  	s7 =	simm.s32 $0x0;
	s20 =	sshll.u32 s5, $0x1;
	s5 =	sadd.s32 s21, s3  }
0x9d: {  	[timem:s7], [sflag:s22] =	dma.local [hbm:s5], s20  }
0x9e: {  	_ =	swait.ge [sflag:s22], s20  }
0x9f: {  	s4 =	ssub.s32 $0x0, s20;
	[sflag:s22] =	ssyncset.done $0x0  }
0xa0: {  	[sflag:s22] =	ssyncadd.s32 s4;
	_ =	sdelay $0x1  }
0xa1: {  	s23 =	simm.s32 $0x1B8B  }
0xa2: {  	_ =	swait.ge [sflag:s23], $0x1  }
0xa3: {  	[sflag:s23] =	ssyncset.done $0x0  }
0xa4: {  	s25 =	simm.s32 $0x1B8E;
	s24 =	sld [smem:$0x3FFE];
	[sflag:s23] =	ssyncadd.s32 $0xFFFFFFFF  }
0xa5: {  	s26 =	simm.s32 $execute0_lowered;
	[smem:$0x3FD2] =	sst s25  }
0xa6: {  	s5 =	sshll.u32 s26, $0x1;
	_ =	strace $0x8000004C;
	[dreg:$0x1] =	wrdreg $0xFFFFFFFF  }
0xa7: {  	s28 =	simm.s32 $_size_execute0_lowered;
	s3 =	sadd.s32 s3, s5;
	[dreg:$0x0] =	wrdreg $0x0  }
0xa8: {  	s5 =	sshll.u32 s28, $0x1;
	[dreg:$0x2] =	wrdreg s3  }
0xa9: {  	[dreg:$0x3] =	wrdreg s5  }
0xaa: {  	[dreg:$0x4] =	wrdreg $0xC0  }
0xab: {  	_ =	task [dreg:s7], $0x5FFFF  }
0xac: {  	[dreg:$0x1] =	wrdreg $0xFFFFFFFF  }
0xad: {  	[dreg:$0x0] =	wrdreg $0x60  }
0xae: {  	[dreg:$0x2] =	wrdreg s24  }
0xaf: {  	[dreg:$0x3] =	wrdreg s2  }
0xb0: {  	[dreg:$0x4] =	wrdreg $0xC2000  }
0xb1: {  	[dreg:$0x5] =	wrdreg $0x9  }
0xb2: {  	_ =	task.clear_ibuf [dreg:s7], $0x6FFFF;
	_ =	strace $0x9000004C  }
0xb3: {  	s29 =	simm.s32 $0x9;
	_ =	strace $0x8000004E  }
0xb4: {  	_ =	swait.ge [sflag:s29], $0x1  }
0xb5: {  	[sflag:s29] =	ssyncadd.s32 $0xFFFFFFFF  }
0xb6: {  	_ =	strace $0x9000004E  }
0xb7: {  	_ =	sfence  }
0xb8: {  	s30 =	sld [smem:$0x0];
	_ =	sdelay $0x2  }
0xb9: {  	s31 =	sshll.u32 s1, $0xD;
	s1 =	sshrl.u32 s1, $0x2  }
0xba: {  	s3 =	sand.u32 $0x4000, s31;
	s1 =	sadd.s32 s1, s30  }
0xbb: {  	s0 =	sor.u32 s3, s0;
	s1 =	sshll.u32 s1, $0x11  }
0xbc: {  	s0 =	sor.u32 s1, s0  }
0xbd: {  	s0 =	sadd.s32 $0x8F2B, s0  }
0xbe: {  	[sflag:s0] =	ssyncadd.remote.s32 $0x1  }
0xbf: {  	_ =	sfence.sel $0xFFFF  }
0xc0: {  	[dreg:$0x0] =	wrdreg $0xFFFFFFFF;
	(pc) =	sbr.abs _section_cstart, $3  }
0xc1: {  	[dreg:$0x1] =	wrdreg $0xFFFFFFFF  }
0xc2: {  	_ =	task.clear_ibuf [dreg:s7], $0x2FFFF;
	_ =	strace $0x9FFFFFFF  }
0xc3: {  	(tm) =	ssettm $0x7FFFFFFF  }
tec
execute0_lowered:
.L_overlay_start_1:
0x0: {  	(tag) =	ssettag $0x1  }
0x1: {  	s0 =	rddreg [dreg:$0x0]  }
0x2: {  	s2 =	rddreg [dreg:$0x1]  }
0x3: {  	s1 =	rddreg [dreg:$0x2]  }
0x4: {  	s3 =	simm.s32 $0x0;
	s4 =	srdreg.scid;
	s19 =	stileid.u32  }
0x5: {  	s28 =	simm.s32 $0x8200;
	s29 =	simm.s32 $0x5;
	s30 =	simm.s32 $0x100  }
0x6: {  	s31 =	simm.s32 $0x80;
	[smem:$0x7FF] =	sst s3;
	s7 =	smul.u32 $0x278, s19  }
0x7: {  	s6 =	sand.u32 $0x1, s4;
	s4 =	sadd.s32 $0xDC00, s0;
	s12 =	smul.u32 $0x4F000, s19  }
0x8: {  	s9 =	sadd.s32 $0x3C00, s0;
	s18 =	sshll.u32 s19, $0x1;
	s14 =	smul.u32 $0x2780, s19  }
0x9: {  	s19 =	smul.u32 $0xA00, s19;
	_ =	strace $0x8000004D;
	s5 =	ssub.s32 $0x2, s6  }
0xa: {  	s11 =	sor.u32 s6, s18;
	p0 =	seq.s32 s6, $0x1;
	s6 =	smul.u32 $0x500, s6  }
0xb: {  	s8 =	sshrl.u32 s5, $0x1;
	s10 =	sadd.s32 $0x200, s7;
	s21 =	sshrl.u32 s12, $0x2  }
0xc: {  	s22 =	sadd.s32 s4, s14;
	s23 =	sadd.s32 $0x80, s7;
	s11 =	smul.u32 $0x500, s11  }
0xd: {  	s25 =	sadd.s32 $0x100, s7;
	s7 =	sadd.s32 $0x180, s7;
	s8 =	ssub.s32 s5, s8  }
0xe: {  	s20 =	sshll.u32 s10, $0x7;
	s13 =	sshll.u32 s10, $0x4;
	[dreg:$0x5] =	wrdreg s22  }
0xf: {  	s24 =	sshll.u32 s23, $0x4;
	s10 =	sshll.u32 s23, $0x7;
	s17 =	sshll.u32 s25, $0x4  }
0x10: {  	s5 =	sadd.s32 s20, s1;
	s8 =	smax.u32 s8, $0x1;
	s15 =	sadd.s32 s4, s24  }
0x11: {  	s10 =	sadd.s32 s10, s1;
	s16 =	sadd.s32 s2, s11;
	[dreg:$0x4] =	wrdreg s8  }
0x12: {  	s18 =	sor.u32 $0x10, s11;
	s11 =	sadd.s32 s9, s11;
	[dreg:$0x6] =	wrdreg s15  }
0x13: {  	s20 =	sshll.u32 s7, $0x4;
	s7 =	sshll.u32 s7, $0x7;
	[dreg:$0x7] =	wrdreg s16  }
0x14: {  	s8 =	sadd.s32 s21, s1;
	s16 =	simm.s32 $0xAC400;
	[dreg:$0x8] =	wrdreg s11  }
0x15: {  	s26 =	sadd.s32 s2, s18;
	s2 =	sadd.s32 s19, s2;
	s16 =	simm.s32 @!p0 $0x84C00  }
0x16: {  	[dreg:$0x9] =	wrdreg s26;
	s2 =	sadd.s32 s6, s2;
	s26 =	sadd.s32 s4, s20  }
0x17: {  	s0 =	sadd.s32 s16, s0;
	s16 =	sadd.s32 s9, s18;
	[dreg:$0x12] =	wrdreg s26  }
0x18: {  	s9 =	sadd.s32 s19, s9;
	s18 =	sadd.s32 s4, s17;
	[dreg:$0xa] =	wrdreg s16  }
0x19: {  	s19 =	sshll.u32 s25, $0x7;
	[dreg:$0xb] =	wrdreg s18;
	s21 =	sadd.s32 s0, s14  }
0x1a: {  	s26 =	sadd.s32 $0x20, s2;
	s22 =	sadd.s32 s0, s24;
	[dreg:$0xc] =	wrdreg s21  }
0x1b: {  	s2 =	simm.s32 $0x1;
	s23 =	sadd.s32 s0, s17;
	[dreg:$0xd] =	wrdreg s22  }
0x1c: {  	s16 =	sadd.s32 s19, s1;
	s24 =	sadd.s32 s4, s13;
	[dreg:$0xe] =	wrdreg s23  }
0x1d: {  	s9 =	sadd.s32 s6, s9;
	s25 =	sadd.s32 s0, s13;
	[dreg:$0xf] =	wrdreg s24  }
0x1e: {  	s0 =	sadd.s32 s0, s20;
	s6 =	simm.s32 $0x3;
	[dreg:$0x10] =	wrdreg s25  }
0x1f: {  	[dreg:$0x11] =	wrdreg s0;
	s24 =	sadd.s32 s7, s1;
	s25 =	sadd.s32 $0x20, s9  }
0x20: {  	s0 =	simm.s32 $0x200;
	s7 =	simm.s32 $0x4;
	s9 =	simm.s32 $0x0  }
.LBB2_1:
0x21: {  	s11 =	rddreg [dreg:$0x5]  }
0x22: {  	[tilespmem:s28], [sflag:$0x5] =	stream.linear.gather [hbm4b:s11+s3], $0x4000, $0x38;
	[tilespmem:$0x1FE00] =	vst v63  }
0x23: {  	_ =	swait.ge [sflag:s29], $0x4000  }
0x24: {  	[sflag:s29] =	ssyncset.done $0x0  }
0x25: {  	[sflag:s29] =	ssyncadd.s32 $0xFFFFC000  }
0x26: {  	[spmem:s8] =	stream.linear.scatter [tilespmem:s28], [sflag:$0x5], $0x4000, $0x38;
	[tilespmem:$0x1FE00] =	vst v63  }
0x27: {  	_ =	swait.ge [sflag:s29], $0x4000  }
0x28: {  	[sflag:s29] =	ssyncset.done $0x0  }
0x29: {  	s23 =	rddreg [dreg:$0x6];
	[sflag:s29] =	ssyncadd.s32 $0xFFFFC000  }
0x2a: {  	[tilespmem:s28], [sflag:$0x5] =	stream.linear.gather [hbm4b:s23+s3], $0x4000, $0x38;
	[tilespmem:$0x1FE00] =	vst v63  }
0x2b: {  	_ =	swait.ge [sflag:s29], $0x4000  }
0x2c: {  	[sflag:s29] =	ssyncset.done $0x0  }
0x2d: {  	[sflag:s29] =	ssyncadd.s32 $0xFFFFC000  }
0x2e: {  	[spmem:s10] =	stream.linear.scatter [tilespmem:s28], [sflag:$0x5], $0x4000, $0x38;
	[tilespmem:$0x1FE00] =	vst v63  }
0x2f: {  	_ =	swait.ge [sflag:s29], $0x4000  }
0x30: {  	[sflag:s29] =	ssyncset.done $0x0  }
0x31: {  	s12 =	rddreg [dreg:$0xb];
	[sflag:s29] =	ssyncadd.s32 $0xFFFFC000  }
0x32: {  	[tilespmem:s28], [sflag:$0x5] =	stream.linear.gather [hbm4b:s12+s3], $0x4000, $0x38;
	[tilespmem:$0x1FE00] =	vst v63  }
0x33: {  	_ =	swait.ge [sflag:s29], $0x4000  }
0x34: {  	[sflag:s29] =	ssyncset.done $0x0  }
0x35: {  	[sflag:s29] =	ssyncadd.s32 $0xFFFFC000  }
0x36: {  	[spmem:s16] =	stream.linear.scatter [tilespmem:s28], [sflag:$0x5], $0x4000, $0x38;
	[tilespmem:$0x1FE00] =	vst v63  }
0x37: {  	_ =	swait.ge [sflag:s29], $0x4000  }
0x38: {  	[sflag:s29] =	ssyncset.done $0x0  }
0x39: {  	s13 =	rddreg [dreg:$0x12];
	[sflag:s29] =	ssyncadd.s32 $0xFFFFC000  }
0x3a: {  	[tilespmem:s28], [sflag:$0x5] =	stream.linear.gather [hbm4b:s13+s3], $0x4000, $0x38;
	[tilespmem:$0x1FE00] =	vst v63  }
0x3b: {  	_ =	swait.ge [sflag:s29], $0x4000  }
0x3c: {  	[sflag:s29] =	ssyncset.done $0x0  }
0x3d: {  	[sflag:s29] =	ssyncadd.s32 $0xFFFFC000  }
0x3e: {  	[spmem:s24] =	stream.linear.scatter [tilespmem:s28], [sflag:$0x5], $0x4000, $0x38;
	[tilespmem:$0x1FE00] =	vst v63  }
0x3f: {  	_ =	swait.ge [sflag:s29], $0x4000  }
0x40: {  	[sflag:s29] =	ssyncset.done $0x0  }
0x41: {  	s14 =	rddreg [dreg:$0xf];
	[sflag:s29] =	ssyncadd.s32 $0xFFFFC000  }
0x42: {  	[tilespmem:s28], [sflag:$0x5] =	stream.linear.gather [hbm4b:s14+s3], $0x3C00, $0x38;
	[tilespmem:$0x1FE00] =	vst v63  }
0x43: {  	_ =	swait.ge [sflag:s29], $0x3C00  }
0x44: {  	[sflag:s29] =	ssyncset.done $0x0  }
0x45: {  	[sflag:s29] =	ssyncadd.s32 $0xFFFFC400  }
0x46: {  	[spmem:s5] =	stream.linear.scatter [tilespmem:s28], [sflag:$0x5], $0x3C00, $0x38;
	[tilespmem:$0x1FE00] =	vst v63  }
0x47: {  	_ =	swait.ge [sflag:s29], $0x3C00  }
0x48: {  	[sflag:s29] =	ssyncset.done $0x0  }
0x49: {  	[sflag:s29] =	ssyncadd.s32 $0xFFFFC400  }
0x4a: {  	[bflag:$0x0] =	sbarrier.arrive $0xFFFF  }
0x4b: {  	s15 =	rddreg [dreg:$0x7]  }
0x4c: {  	[tilespmem:s3], [sflag:$0x5] =	stream.linear.gather [hbm4b:s15+s3], $0x80, $0x38;
	[tilespmem:$0x1FE00] =	vst v63  }
0x4d: {  	_ =	swait.ge [sflag:s29], $0x80  }
0x4e: {  	[sflag:s29] =	ssyncset.done $0x0  }
0x4f: {  	s17 =	rddreg [dreg:$0x8];
	[sflag:s29] =	ssyncadd.s32 $0xFFFFFF80  }
0x50: {  	[tilespmem:s30], [sflag:$0x5] =	stream.linear.gather [hbm4b:s17+s3], $0x80, $0x38;
	[tilespmem:$0x1FE00] =	vst v63  }
0x51: {  	_ =	swait.ge [sflag:s29], $0x80  }
0x52: {  	[sflag:s29] =	ssyncset.done $0x0  }
0x53: {  	[sflag:s29] =	ssyncadd.s32 $0xFFFFFF80  }
0x54: {  	[tilespmem:s0], [sflag:$0x1] =	stream.indirect.gather [hbm4b:s4+s31], $0x80, s3, s31, $0xb8;
	[tilespmem:$0x1FE00] =	vst v63  }
0x55: {  	s18 =	rddreg [dreg:$0x9]  }
0x56: {  	[tilespmem:s31], [sflag:$0x5] =	stream.linear.gather [hbm4b:s18+s3], $0x80, $0x38;
	[tilespmem:$0x1FE00] =	vst v63  }
0x57: {  	_ =	swait.ge [sflag:s29], $0x80  }
0x58: {  	[sflag:s29] =	ssyncset.done $0x0  }
0x59: {  	s12 =	simm.s32 $0x180;
	s19 =	rddreg [dreg:$0xa];
	[sflag:s29] =	ssyncadd.s32 $0xFFFFFF80  }
0x5a: {  	[tilespmem:s12], [sflag:$0x5] =	stream.linear.gather [hbm4b:s19+s3], $0x80, $0x38;
	[tilespmem:$0x1FE00] =	vst v63  }
0x5b: {  	_ =	swait.ge [sflag:s29], $0x80  }
0x5c: {  	[sflag:s29] =	ssyncset.done $0x0  }
0x5d: {  	s20 =	simm.s32 $0x4200;
	[sflag:s29] =	ssyncadd.s32 $0xFFFFFF80  }
0x5e: {  	[tilespmem:s20], [sflag:$0x2] =	stream.indirect.gather [hbm4b:s4+s31], $0x80, s31, s31, $0xb8;
	[tilespmem:$0x1FE00] =	vst v63  }
0x5f: {  	s21 =	simm.s32 $0x2;
	_ =	swait.ge [sflag:s2], $0x4000  }
0x60: {  	s17 =	sand.u32 $0x1, s21;
	[sflag:s2] =	ssyncset.done $0x0  }
0x61: {  	s11 =	sadd.s32 $0x3, s17;
	[sflag:s2] =	ssyncadd.s32 $0xFFFFC000  }
0x62: {  	[spmem:s1] =	stream.indirect.scatter.add.f32 [tilespmem:s0], [sflag:$0x3], $0x80, s30, s31, $0xb8;
	[tilespmem:$0x1FE00] =	vst v63  }
0x63: {  	_ =	swait.ge [sflag:s11], $0x4000  }
0x64: {  	[sflag:s11] =	ssyncset.done $0x0  }
0x65: {  	s18 =	sshll.u32 s17, $0x7;
	[sflag:s11] =	ssyncadd.s32 $0xFFFFC000  }
0x66: {  	[tilespmem:s18], [sflag:$0x5] =	stream.linear.gather [hbm4b:s26+s3], $0x80, $0x38;
	[tilespmem:$0x1FE00] =	vst v63  }
0x67: {  	_ =	swait.ge [sflag:s29], $0x80  }
0x68: {  	s13 =	sadd.s32 $0x10, s26;
	s14 =	simm.s32 $0x5;
	[sflag:s29] =	ssyncset.done $0x0  }
0x69: {  	s15 =	sand.u32 $0x1, s6;
	s22 =	sor.u32 $0x100, s18;
	[sflag:s29] =	ssyncadd.s32 $0xFFFFFF80  }
0x6a: {  	[tilespmem:s22], [sflag:$0x5] =	stream.linear.gather [hbm4b:s25+s3], $0x80, $0x38;
	[tilespmem:$0x1FE00] =	vst v63  }
0x6b: {  	s23 =	sshll.u32 s15, $0xE;
	s19 =	sshll.u32 s17, $0xE;
	_ =	swait.ge [sflag:s29], $0x80  }
0x6c: {  	s12 =	sadd.s32 $0x10, s25;
	s19 =	sor.u32 $0x200, s19;
	[sflag:s29] =	ssyncset.done $0x0  }
0x6d: {  	s20 =	sadd.s32 $0x1, s17;
	s17 =	sadd.s32 $0x1, s15;
	[sflag:s29] =	ssyncadd.s32 $0xFFFFFF80  }
0x6e: {  	[tilespmem:s19], [sflag:s20] =	stream.indirect.gather [hbm4b:s4+s31], $0x80, s18, s31, $0xb8;
	[tilespmem:$0x1FE00] =	vst v63  }
0x6f: {  	s11 =	simm.s32 $0x4;
	s19 =	sshll.u32 s15, $0x7;
	_ =	swait.ge [sflag:s17], $0x4000  }
0x70: {  	s20 =	simm.s32 $0x3;
	s18 =	sor.u32 $0x200, s23;
	[sflag:s17] =	ssyncset.done $0x0  }
.LBB2_2:
0x71: {  	s20 =	sand.u32 $0x1, s20;
	s19 =	sor.u32 $0x100, s19  }
0x72: {  	s15 =	sadd.s32 $0x3, s15;
	s21 =	smov.u32 s11;
	s11 =	smov.u32 s14  }
0x73: {  	s22 =	sadd.s32 $0x3, s20;
	s23 =	sshll.u32 s20, $0xE;
	[sflag:s17] =	ssyncadd.s32 $0xFFFFC000  }
0x74: {  	[spmem:s1] =	stream.indirect.scatter.add.f32 [tilespmem:s18], [sflag:s15], $0x80, s19, s31, $0xb8;
	[tilespmem:$0x1FE00] =	vst v63  }
0x75: {  	p0 =	sne.s32 s14, $0x50;
	s14 =	sadd.s32 $0x1, s14;
	_ =	swait.ge [sflag:s22], $0x4000  }
0x76: {  	[sflag:s22] =	ssyncset.done $0x0  }
0x77: {  	s18 =	sshll.u32 s20, $0x7;
	[sflag:s22] =	ssyncadd.s32 $0xFFFFC000  }
0x78: {  	[tilespmem:s18], [sflag:$0x5] =	stream.linear.gather [hbm4b:s13+s3], $0x80, $0x38;
	[tilespmem:$0x1FE00] =	vst v63  }
0x79: {  	_ =	swait.ge [sflag:s29], $0x80  }
0x7a: {  	[sflag:s29] =	ssyncset.done $0x0  }
0x7b: {  	s19 =	sadd.s32 $0x1, s20;
	s15 =	sor.u32 $0x100, s18;
	[sflag:s29] =	ssyncadd.s32 $0xFFFFFF80  }
0x7c: {  	[tilespmem:s15], [sflag:$0x5] =	stream.linear.gather [hbm4b:s12+s3], $0x80, $0x38;
	[tilespmem:$0x1FE00] =	vst v63  }
0x7d: {  	s13 =	sadd.s32 $0x10, s13;
	s12 =	sadd.s32 $0x10, s12;
	_ =	swait.ge [sflag:s29], $0x80  }
.Ltmp0:
0x7e: {  	s15 =	sand.u32 $0x1, s21;
	[sflag:s29] =	ssyncset.done $0x0;
	(pc) =	sbr.rel @p0 .LBB2_2-.Ltmp0, $4  }
0x7f: {  	s20 =	sor.u32 $0x200, s23;
	s17 =	sadd.s32 $0x1, s15;
	[sflag:s29] =	ssyncadd.s32 $0xFFFFFF80  }
0x80: {  	[tilespmem:s20], [sflag:s19] =	stream.indirect.gather [hbm4b:s4+s31], $0x80, s18, s31, $0xb8;
	[tilespmem:$0x1FE00] =	vst v63  }
0x81: {  	s18 =	sshll.u32 s15, $0xE;
	s19 =	sshll.u32 s15, $0x7;
	_ =	swait.ge [sflag:s17], $0x4000  }
0x82: {  	s20 =	sadd.s32 $0xFFFFFFFF, s11;
	s18 =	sor.u32 $0x200, s18;
	[sflag:s17] =	ssyncset.done $0x0  }
0x83: {  	[sflag:s17] =	ssyncadd.s32 $0xFFFFC000  }
0x84: {  	s14 =	sand.u32 $0x1, s20;
	s23 =	sor.u32 $0x100, s19;
	s15 =	sadd.s32 $0x3, s15  }
0x85: {  	[spmem:s1] =	stream.indirect.scatter.add.f32 [tilespmem:s18], [sflag:s15], $0x80, s23, s31, $0xb8;
	[tilespmem:$0x1FE00] =	vst v63  }
0x86: {  	s15 =	sadd.s32 $0x3, s14  }
0x87: {  	_ =	swait.ge [sflag:s15], $0x4000  }
0x88: {  	[sflag:s15] =	ssyncset.done $0x0  }
0x89: {  	s18 =	sshll.u32 s14, $0x7;
	[sflag:s15] =	ssyncadd.s32 $0xFFFFC000  }
0x8a: {  	[tilespmem:s18], [sflag:$0x5] =	stream.linear.gather [hbm4b:s13+s3], $0x80, $0x38;
	[tilespmem:$0x1FE00] =	vst v63  }
0x8b: {  	_ =	swait.ge [sflag:s29], $0x80  }
0x8c: {  	[sflag:s29] =	ssyncset.done $0x0  }
0x8d: {  	s19 =	sor.u32 $0x100, s18;
	[sflag:s29] =	ssyncadd.s32 $0xFFFFFF80  }
0x8e: {  	[tilespmem:s19], [sflag:$0x5] =	stream.linear.gather [hbm4b:s12+s3], $0x80, $0x38;
	[tilespmem:$0x1FE00] =	vst v63  }
0x8f: {  	s11 =	sand.u32 $0x1, s11;
	_ =	swait.ge [sflag:s29], $0x80  }
0x90: {  	s20 =	sshll.u32 s14, $0xE;
	s14 =	sadd.s32 $0x1, s14;
	[sflag:s29] =	ssyncset.done $0x0  }
0x91: {  	s21 =	sadd.s32 $0x1, s11;
	s12 =	sor.u32 $0x200, s20;
	[sflag:s29] =	ssyncadd.s32 $0xFFFFFF80  }
0x92: {  	[tilespmem:s12], [sflag:s14] =	stream.indirect.gather [hbm4b:s4+s31], $0x80, s18, s31, $0xb8;
	[tilespmem:$0x1FE00] =	vst v63  }
0x93: {  	s22 =	sshll.u32 s11, $0xE;
	_ =	swait.ge [sflag:s21], $0x4000  }
0x94: {  	s23 =	sshll.u32 s11, $0x7;
	s11 =	sadd.s32 $0x3, s11;
	[sflag:s21] =	ssyncset.done $0x0  }
0x95: {  	s17 =	sor.u32 $0x200, s22;
	s18 =	sor.u32 $0x100, s23;
	[sflag:s21] =	ssyncadd.s32 $0xFFFFC000  }
0x96: {  	[spmem:s1] =	stream.indirect.scatter.add.f32 [tilespmem:s17], [sflag:s11], $0x80, s18, s31, $0xb8;
	[tilespmem:$0x1FE00] =	vst v63  }
0x97: {  	_ =	swait.ge [sflag:s6], $0x4000  }
0x98: {  	[sflag:s6] =	ssyncset.done $0x0  }
0x99: {  	[sflag:s6] =	ssyncadd.s32 $0xFFFFC000  }
0x9a: {  	_ =	swait.ge [sflag:s14], $0x4000  }
0x9b: {  	[sflag:s14] =	ssyncset.done $0x0  }
0x9c: {  	[sflag:s14] =	ssyncadd.s32 $0xFFFFC000  }
0x9d: {  	[spmem:s1] =	stream.indirect.scatter.add.f32 [tilespmem:s12], [sflag:s15], $0x80, s19, s31, $0xb8;
	[tilespmem:$0x1FE00] =	vst v63  }
0x9e: {  	_ =	swait.ge [sflag:s7], $0x4000  }
0x9f: {  	[sflag:s7] =	ssyncset.done $0x0  }
0xa0: {  	[sflag:s7] =	ssyncadd.s32 $0xFFFFC000  }
0xa1: {  	[bflag:$0x0] =	sbarrier.arrive $0xFFFF  }
0xa2: {  	[tilespmem:s28], [sflag:$0x5] =	stream.linear.gather [spmem:s8], $0x4000, $0x38;
	[tilespmem:$0x1FE00] =	vst v63  }
0xa3: {  	_ =	swait.ge [sflag:s29], $0x4000  }
0xa4: {  	[sflag:s29] =	ssyncset.done $0x0  }
0xa5: {  	s18 =	rddreg [dreg:$0xc];
	[sflag:s29] =	ssyncadd.s32 $0xFFFFC000  }
0xa6: {  	[hbm4b:s18+s3] =	stream.linear.scatter [tilespmem:s28], [sflag:$0x5], $0x4000, $0x38;
	[tilespmem:$0x1FE00] =	vst v63  }
0xa7: {  	_ =	swait.ge [sflag:s29], $0x4000  }
0xa8: {  	[sflag:s29] =	ssyncset.done $0x0  }
0xa9: {  	[sflag:s29] =	ssyncadd.s32 $0xFFFFC000  }
0xaa: {  	[tilespmem:s28], [sflag:$0x5] =	stream.linear.gather [spmem:s10], $0x4000, $0x38;
	[tilespmem:$0x1FE00] =	vst v63  }
0xab: {  	_ =	swait.ge [sflag:s29], $0x4000  }
0xac: {  	[sflag:s29] =	ssyncset.done $0x0  }
0xad: {  	s19 =	rddreg [dreg:$0xd];
	[sflag:s29] =	ssyncadd.s32 $0xFFFFC000  }
0xae: {  	[hbm4b:s19+s3] =	stream.linear.scatter [tilespmem:s28], [sflag:$0x5], $0x4000, $0x38;
	[tilespmem:$0x1FE00] =	vst v63  }
0xaf: {  	_ =	swait.ge [sflag:s29], $0x4000  }
0xb0: {  	[sflag:s29] =	ssyncset.done $0x0  }
0xb1: {  	[sflag:s29] =	ssyncadd.s32 $0xFFFFC000  }
0xb2: {  	[tilespmem:s28], [sflag:$0x5] =	stream.linear.gather [spmem:s16], $0x4000, $0x38;
	[tilespmem:$0x1FE00] =	vst v63  }
0xb3: {  	_ =	swait.ge [sflag:s29], $0x4000  }
0xb4: {  	[sflag:s29] =	ssyncset.done $0x0  }
0xb5: {  	s20 =	rddreg [dreg:$0xe];
	[sflag:s29] =	ssyncadd.s32 $0xFFFFC000  }
0xb6: {  	[hbm4b:s20+s3] =	stream.linear.scatter [tilespmem:s28], [sflag:$0x5], $0x4000, $0x38;
	[tilespmem:$0x1FE00] =	vst v63  }
0xb7: {  	_ =	swait.ge [sflag:s29], $0x4000  }
0xb8: {  	[sflag:s29] =	ssyncset.done $0x0  }
0xb9: {  	[sflag:s29] =	ssyncadd.s32 $0xFFFFC000  }
0xba: {  	[tilespmem:s28], [sflag:$0x5] =	stream.linear.gather [spmem:s24], $0x4000, $0x38;
	[tilespmem:$0x1FE00] =	vst v63  }
0xbb: {  	_ =	swait.ge [sflag:s29], $0x4000  }
0xbc: {  	[sflag:s29] =	ssyncset.done $0x0  }
0xbd: {  	s21 =	rddreg [dreg:$0x11];
	[sflag:s29] =	ssyncadd.s32 $0xFFFFC000  }
0xbe: {  	[hbm4b:s21+s3] =	stream.linear.scatter [tilespmem:s28], [sflag:$0x5], $0x4000, $0x38;
	[tilespmem:$0x1FE00] =	vst v63  }
0xbf: {  	_ =	swait.ge [sflag:s29], $0x4000  }
0xc0: {  	[sflag:s29] =	ssyncset.done $0x0  }
0xc1: {  	[sflag:s29] =	ssyncadd.s32 $0xFFFFC000  }
0xc2: {  	[tilespmem:s28], [sflag:$0x5] =	stream.linear.gather [spmem:s5], $0x3C00, $0x38;
	[tilespmem:$0x1FE00] =	vst v63  }
0xc3: {  	_ =	swait.ge [sflag:s29], $0x3C00  }
0xc4: {  	[sflag:s29] =	ssyncset.done $0x0  }
0xc5: {  	s22 =	rddreg [dreg:$0x10];
	[sflag:s29] =	ssyncadd.s32 $0xFFFFC400  }
0xc6: {  	[hbm4b:s22+s3] =	stream.linear.scatter [tilespmem:s28], [sflag:$0x5], $0x3C00, $0x38;
	[tilespmem:$0x1FE00] =	vst v63  }
0xc7: {  	_ =	swait.ge [sflag:s29], $0x3C00  }
0xc8: {  	s9 =	sadd.s32 $0x1, s9;
	s23 =	rddreg [dreg:$0x4]  }
0xc9: {  	p0 =	sne.s32 s9, s23  }
.Ltmp1:
0xca: {  	_ = 	snop;
	(pc) =	sbr.rel @p0 .LBB2_1-.Ltmp1, $3  }
0xcb: {  	_ =	sdelay $0x1  }
0xcc: {  	[sflag:s29] =	ssyncset.done $0x0  }
0xcd: {  	[sflag:s29] =	ssyncadd.s32 $0xFFFFC400  }
0xce: {  	_ =	sfence.sel $0x180000  }
0xcf: {  	[bflag:$0x0] =	sbarrier.arrive $0xFFFF  }
0xd0: {  	_ =	strace $0x9000004D  }
0xd1: {  	s0 =	stileid.u32;
	[bflag:$0x2] =	sbarrier.arrive $0xFFFF  }
0xd2: {  	p0 =	sne.s32 s0, $0x0;
	s0 =	rddreg [dreg:$0x3]  }
0xd3: {  	s0 =	sadd.s32 @!p0 $0x100000, s0  }
0xd4: {  	[sflag:s0] =	ssyncadd.tile.s32 @!p0 $0x1;
	_ =	shalt  }
.Lfunc_end2:
_tile_overlayer_lowered:
.L_overlay_start_2:
0xd5: {  	(tag) =	ssettag $0x2  }
0xd6: {  	s0 =	rddreg [dreg:$0x0];
	s2 =	stileid.u32  }
0xd7: {  	s1 =	rddreg [dreg:$0x1];
	p0 =	sne.s32 s2, $0x0  }
0xd8: {  	s3 =	rddreg [dreg:$0x2];
	[bflag:$0x3] =	sbarrier.arrive $0xFFFF;
	s2 =	simm.s32 @!p0 $0x1C05  }
0xd9: {  	[timem:s3], [sflag:s2] =	dma.local @!p0 [hbm:s0], s1  }
0xda: {  	s0 =	simm.s32 @!p0 $0x5  }
0xdb: {  	_ =	swait.ge @!p0 [sflag:s0], s1  }
0xdc: {  	s1 =	ssub.s32 @!p0 $0x0, s1;
	[sflag:s0] =	ssyncset.done @!p0 $0x0  }
0xdd: {  	[sflag:s0] =	ssyncadd.s32 @!p0 s1  }
0xde: {  	[bflag:$0x3] =	sbarrier.arrive $0xFFFF  }
0xdf: {  	_ =	shalt  }

// kernel: kernel.8.cloned.1.call-start
scs
__scs_entry_jumppad:
0x0: {  	(pc) =	sbr.rel $0x88, $3  }
0x1: {  	(tag) =	ssettag $0x0;
	lr =	simm.s32 $0x1  }
0x2: {  	[smem:$0x3F99] =	sst lr;
	_ =	strace $0xD0000000  }
0x3: {  	_ = 	snop  }
0x4: {  	_ = 	snop  }
0x5: {  	_ = 	snop  }
0x6: {  	_ = 	snop  }
0x7: {  	_ = 	snop  }
__scs_overlays_trampoline_lowered:
0x8: {  	[smem:$0x3FA8] =	sst s0  }
0x9: {  	[smem:$0x3FA9] =	sst s1  }
0xa: {  	[smem:$0x3FAA] =	sst s2  }
0xb: {  	[smem:$0x3FAB] =	sst s3  }
0xc: {  	[smem:$0x3FAC] =	sst s4  }
0xd: {  	[smem:$0x3FAD] =	sst s5  }
0xe: {  	[smem:$0x3FAE] =	sst s6  }
0xf: {  	[smem:$0x3FAF] =	sst s7  }
0x10: {  	[smem:$0x3FB0] =	sst s8  }
0x11: {  	[smem:$0x3FB1] =	sst s9;
	s0 =	simm.s32 @!p0 $0x0  }
0x12: {  	s1 =	sld [smem:$0x3F97];
	s0 =	simm.s32 @p0 $0x1  }
0x13: {  	[smem:$0x3FB2] =	sst s0;
	s0 =	simm.s32 @!p1 $0x0  }
0x14: {  	s2 =	sld [smem:$0x3F96];
	s0 =	simm.s32 @p1 $0x1  }
0x15: {  	[smem:$0x3FB3] =	sst s0;
	s0 =	simm.s32 @!p2 $0x0  }
0x16: {  	s3 =	sld [smem:$0x3FDB];
	s0 =	simm.s32 @p2 $0x1  }
0x17: {  	s4 =	simm.s32 $0x1BF5;
	[smem:$0x3FB5] =	sst s0  }
0x18: {  	s0 =	sld [smem:$0x3F98];
	_ =	swait.ge [sflag:s4], $0x0  }
0x19: {  	s7 =	sld [smem:$0x3F99]  }
0x1a: {  	s8 =	sadd.s32 $0xFFFFE003, lr  }
0x1b: {  	s9 =	sadd.s32 $0xFFFFFEF7, lr;
	s5 =	simm.s32 $0xFFFFFFFF;
	p2 =	slt.u32 s8, $0xFFFFF086  }
0x1c: {  	p1 =	slt.u32 s9, $0xF7A;
	s5 =	simm.s32 @!p2 $0x0  }
0x1d: {  	s5 =	simm.s32 @p1 $0x1;
	p0 =	seq.s32 s7, s2  }
0x1e: {  	s7 =	smul.u32 @!p0 $0xF7A, s2;
	p2 =	seq.s32 @!p0 s5, $0x0  }
0x1f: {  	s9 =	smul.u32 $0xF7A, s1;
	s8 =	simm.s32 @!p0 $0x1BF5;
	p2 =	por !p2, p0  }
0x20: {  	[sflag:s8] =	ssyncset.s32 @!p0 $0xFFFFF086;
	s6 =	sadd.s32 @!p0 s3, s7;
	s7 =	simm.s32 @!p0 $0x108  }
0x21: {  	s3 =	sadd.s32 s3, s9;
	s6 =	sadd.s32 @!p0 $0x88, s6;
	s7 =	simm.s32 @p2 $0x1082  }
0x22: {  	[simem:s7], [sflag:s8] =	dma.local @!p0 [hbm:s6], $0xF7A  }
0x23: {  	s9 =	sor.u32 $0xD0000000, s2;
	s6 =	simm.s32 $0x108;
	_ =	swait.ge @!p0 [sflag:s8], $0x0  }
0x24: {  	s3 =	sadd.s32 $0x88, s3;
	s6 =	simm.s32 @!p1 $0x1082;
	[sflag:s4] =	ssyncset.s32 $0xFFFFF086  }
0x25: {  	[simem:s6], [sflag:s4] =	dma.local [hbm:s3], $0xF7A  }
0x26: {  	[smem:$0x3F99] =	sst s1;
	(tag) =	ssettag s2;
	_ =	strace s9  }
0x27: {  	s1 =	sld [smem:$0x3FA9]  }
0x28: {  	s2 =	sld [smem:$0x3FAA]  }
0x29: {  	s4 =	sld [smem:$0x3FAC]  }
0x2a: {  	p0 =	seq.s32 s5, $0x0;
	s5 =	sld [smem:$0x3FAD]  }
0x2b: {  	s6 =	sld [smem:$0x3FAE]  }
0x2c: {  	s7 =	sld [smem:$0x3FAF]  }
0x2d: {  	s3 =	simm.s32 $0x108;
	s8 =	sld [smem:$0x3FB0]  }
0x2e: {  	s3 =	simm.s32 @!p0 $0x1082;
	s9 =	sld [smem:$0x3FB1]  }
0x2f: {  	lr =	sadd.s32 s0, s3;
	s0 =	sld [smem:$0x3FA8]  }
0x30: {  	s3 =	sld [smem:$0x3FAB]  }
0x31: {  	[smem:$0x3FB4] =	sst s10  }
0x32: {  	s10 =	sld [smem:$0x3FB2];
	_ =	sdelay $0x3  }
0x33: {  	p0 =	seq.s32 s10, $0x1;
	s10 =	sld [smem:$0x3FB4];
	_ =	sdelay $0x3  }
0x34: {  	[smem:$0x3FB4] =	sst s10  }
0x35: {  	s10 =	sld [smem:$0x3FB3];
	_ =	sdelay $0x3  }
0x36: {  	p1 =	seq.s32 s10, $0x1;
	s10 =	sld [smem:$0x3FB4];
	_ =	sdelay $0x3  }
0x37: {  	[smem:$0x3FB4] =	sst s10  }
0x38: {  	s10 =	sld [smem:$0x3FB5]  }
0x39: {  	_ = 	snop;
	(pc) =	sbr.ind lr, $3  }
0x3a: {  	_ = 	snop  }
0x3b: {  	_ = 	snop  }
0x3c: {  	p2 =	seq.s32 s10, $0x1;
	s10 =	sld [smem:$0x3FB4]  }
0x3d: {  	_ =	shalt  }
0x3e: {  	_ =	shalt  }
0x3f: {  	_ =	shalt  }
0x40: {  	_ =	shalt  }
0x41: {  	_ =	shalt  }
0x42: {  	_ =	shalt  }
0x43: {  	_ =	shalt  }
0x44: {  	_ =	shalt  }
0x45: {  	_ =	shalt  }
0x46: {  	_ =	shalt  }
0x47: {  	_ =	shalt  }
0x48: {  	_ =	shalt  }
0x49: {  	_ =	shalt  }
0x4a: {  	_ =	shalt  }
0x4b: {  	_ =	shalt  }
0x4c: {  	_ =	shalt  }
0x4d: {  	_ =	shalt  }
0x4e: {  	_ =	shalt  }
0x4f: {  	_ =	shalt  }
0x50: {  	_ =	shalt  }
0x51: {  	_ =	shalt  }
0x52: {  	_ =	shalt  }
0x53: {  	_ =	shalt  }
0x54: {  	_ =	shalt  }
0x55: {  	_ =	shalt  }
0x56: {  	_ =	shalt  }
0x57: {  	_ =	shalt  }
0x58: {  	_ =	shalt  }
0x59: {  	_ =	shalt  }
0x5a: {  	_ =	shalt  }
0x5b: {  	_ =	shalt  }
0x5c: {  	_ =	shalt  }
0x5d: {  	_ =	shalt  }
0x5e: {  	_ =	shalt  }
0x5f: {  	_ =	shalt  }
0x60: {  	_ =	shalt  }
0x61: {  	_ =	shalt  }
0x62: {  	_ =	shalt  }
0x63: {  	_ =	shalt  }
0x64: {  	_ =	shalt  }
0x65: {  	_ =	shalt  }
0x66: {  	_ =	shalt  }
0x67: {  	_ =	shalt  }
0x68: {  	_ =	shalt  }
0x69: {  	_ =	shalt  }
0x6a: {  	_ =	shalt  }
0x6b: {  	_ =	shalt  }
0x6c: {  	_ =	shalt  }
0x6d: {  	_ =	shalt  }
0x6e: {  	_ =	shalt  }
0x6f: {  	_ =	shalt  }
0x70: {  	_ =	shalt  }
0x71: {  	_ =	shalt  }
0x72: {  	_ =	shalt  }
0x73: {  	_ =	shalt  }
0x74: {  	_ =	shalt  }
0x75: {  	_ =	shalt  }
0x76: {  	_ =	shalt  }
0x77: {  	_ =	shalt  }
0x78: {  	_ =	shalt  }
0x79: {  	_ =	shalt  }
0x7a: {  	_ =	shalt  }
0x7b: {  	_ =	shalt  }
0x7c: {  	_ =	shalt  }
0x7d: {  	_ =	shalt  }
0x7e: {  	_ =	shalt  }
0x7f: {  	_ =	shalt  }
0x80: {  	_ =	shalt  }
0x81: {  	_ =	shalt  }
0x82: {  	_ =	shalt  }
0x83: {  	_ =	shalt  }
0x84: {  	_ =	shalt  }
0x85: {  	_ =	shalt  }
0x86: {  	_ =	shalt  }
0x87: {  	_ =	shalt  }
.Lfunc_end0:
.L_simem_size_0:
called_computation_lowered:
.L_overlay_start_0:
0x88: {  	s2 =	sld [smem:$0x3FD9]  }
0x89: {  	s3 =	sld [smem:$0x3FFE];
	_ =	sdelay $0x1  }
0x8a: {  	s1 =	srdreg.scid  }
0x8b: {  	s0 =	sand.u32 $0x1, s1  }
0x8c: {  	s16 =	sshll.u32 s0, $0xA;
	s2 =	sadd.s32 s3, s2  }
0x8d: {  	s2 =	sadd.s32 s2, s16  }
0x8e: {  	[smem:$0x3FC0] =	sst s2  }
0x8f: {  	_ = 	snop  }
0x90: {  	(tm) =	ssettm $0x1  }
0x91: {  	s17 =	sld [smem:$0x3FFB];
	_ =	sdelay $0x3  }
0x92: {  	_ =	strace s17  }
0x93: {  	s2 =	sld [smem:$0x3FFC];
	_ =	sdelay $0x3  }
0x94: {  	_ =	strace s2  }
0x95: {  	s2 =	sld [smem:$0x3FFD];
	_ =	sdelay $0x3  }
0x96: {  	_ =	strace s2  }
0x97: {  	_ =	strace $0x8FFFFFFF  }
0x98: {  	s18 =	sld [smem:$0x3FDB];
	_ =	sdelay $0x1  }
0x99: {  	s19 =	simm.s32 $_scs_section_size  }
0x9a: {  	s4 =	simm.s32 $_size__tile_overlayer_lowered;
	s5 =	simm.s32 $_tile_overlayer_lowered  }
0x9b: {  	s22 =	simm.s32 $0x1BFF;
	s21 =	sshll.u32 s5, $0x1;
	s2 =	sadd.s32 s19, s18  }
0x9c: {  	s6 =	simm.s32 $0x0;
	s20 =	sshll.u32 s4, $0x1;
	s4 =	sadd.s32 s21, s2  }
0x9d: {  	[timem:s6], [sflag:s22] =	dma.local [hbm:s4], s20  }
0x9e: {  	_ =	swait.ge [sflag:s22], s20  }
0x9f: {  	s3 =	ssub.s32 $0x0, s20;
	[sflag:s22] =	ssyncset.done $0x0  }
0xa0: {  	[sflag:s22] =	ssyncadd.s32 s3;
	_ =	sdelay $0x1  }
0xa1: {  	s23 =	simm.s32 $0x1B8B  }
0xa2: {  	_ =	swait.ge [sflag:s23], $0x1  }
0xa3: {  	[sflag:s23] =	ssyncset.done $0x0  }
0xa4: {  	s25 =	simm.s32 $0x1B8E;
	s24 =	sld [smem:$0x3FFE];
	[sflag:s23] =	ssyncadd.s32 $0xFFFFFFFF  }
0xa5: {  	s26 =	simm.s32 $execute0_lowered;
	[smem:$0x3FD2] =	sst s25  }
0xa6: {  	s4 =	sshll.u32 s26, $0x1;
	_ =	strace $0x80000046;
	[dreg:$0x1] =	wrdreg $0xFFFFFFFF  }
0xa7: {  	s28 =	simm.s32 $_size_execute0_lowered;
	s2 =	sadd.s32 s2, s4;
	[dreg:$0x0] =	wrdreg $0x0  }
0xa8: {  	s4 =	sshll.u32 s28, $0x1;
	[dreg:$0x2] =	wrdreg s2  }
0xa9: {  	[dreg:$0x3] =	wrdreg s4  }
0xaa: {  	[dreg:$0x4] =	wrdreg $0xC0  }
0xab: {  	_ =	task [dreg:s6], $0x5FFFF  }
0xac: {  	[dreg:$0x1] =	wrdreg $0xFFFFFFFF  }
0xad: {  	[dreg:$0x0] =	wrdreg $0x60  }
0xae: {  	[dreg:$0x2] =	wrdreg s24  }
0xaf: {  	[dreg:$0x3] =	wrdreg $0x81000  }
0xb0: {  	[dreg:$0x4] =	wrdreg $0x9  }
0xb1: {  	_ =	task.clear_ibuf [dreg:s6], $0x5FFFF;
	_ =	strace $0x90000046  }
0xb2: {  	s29 =	simm.s32 $0x9;
	_ =	strace $0x80000048  }
0xb3: {  	_ =	swait.ge [sflag:s29], $0x1  }
0xb4: {  	[sflag:s29] =	ssyncadd.s32 $0xFFFFFFFF  }
0xb5: {  	_ =	strace $0x90000048  }
0xb6: {  	_ =	sfence  }
0xb7: {  	s30 =	sld [smem:$0x0];
	_ =	sdelay $0x2  }
0xb8: {  	s31 =	sshll.u32 s1, $0xD;
	s1 =	sshrl.u32 s1, $0x2  }
0xb9: {  	s3 =	sand.u32 $0x4000, s31;
	s1 =	sadd.s32 s1, s30  }
0xba: {  	s0 =	sor.u32 s3, s0;
	s1 =	sshll.u32 s1, $0x11  }
0xbb: {  	s0 =	sor.u32 s1, s0  }
0xbc: {  	s0 =	sadd.s32 $0x8F2B, s0  }
0xbd: {  	[sflag:s0] =	ssyncadd.remote.s32 $0x1  }
0xbe: {  	_ =	sfence.sel $0xFFFF  }
0xbf: {  	[dreg:$0x0] =	wrdreg $0xFFFFFFFF;
	(pc) =	sbr.abs _section_cstart, $3  }
0xc0: {  	[dreg:$0x1] =	wrdreg $0xFFFFFFFF  }
0xc1: {  	_ =	task.clear_ibuf [dreg:s6], $0x2FFFF;
	_ =	strace $0x9FFFFFFF  }
0xc2: {  	(tm) =	ssettm $0x7FFFFFFF  }
0xc3: {  	_ =	shalt  }
tec
execute0_lowered:
.L_overlay_start_1:
0x0: {  	(tag) =	ssettag $0x1  }
0x1: {  	s0 =	rddreg [dreg:$0x0]  }
0x2: {  	s1 =	rddreg [dreg:$0x1];
	s3 =	simm.s32 $0x0  }
0x3: {  	s2 =	srdreg.scid;
	s19 =	stileid.u32;
	s16 =	simm.s32 $0x5D400  }
0x4: {  	s28 =	simm.s32 $0x80;
	s29 =	simm.s32 $0x0;
	s7 =	smul.u32 $0x278, s19  }
0x5: {  	[smem:$0x7FF] =	sst s3;
	s2 =	sand.u32 $0x1, s2;
	s18 =	smul.u32 $0x2780, s19  }
0x6: {  	s4 =	sadd.s32 $0x3C00, s0;
	s14 =	sadd.s32 $0xE400, s0;
	s9 =	smul.u32 $0x4F000, s19  }
0x7: {  	s6 =	sadd.s32 $0xDC00, s0;
	s22 =	sshll.u32 s19, $0x1;
	s19 =	smul.u32 $0xA00, s19  }
0x8: {  	_ =	strace $0x80000047;
	s5 =	ssub.s32 $0x2, s2;
	[dreg:$0x3] =	wrdreg s6  }
0x9: {  	s15 =	sor.u32 s2, s22;
	p0 =	seq.s32 s2, $0x1;
	s2 =	smul.u32 $0x500, s2  }
0xa: {  	s21 =	sshrl.u32 s5, $0x1;
	s8 =	sadd.s32 $0x200, s7;
	s25 =	sadd.s32 s14, s18  }
0xb: {  	s26 =	sshrl.u32 s9, $0x2;
	s11 =	sadd.s32 $0x80, s7;
	s13 =	sadd.s32 $0x100, s7  }
0xc: {  	s7 =	sadd.s32 $0x180, s7;
	s17 =	smul.u32 $0x500, s15;
	s16 =	simm.s32 @!p0 $0x35C00  }
0xd: {  	s5 =	ssub.s32 s5, s21;
	s22 =	sshll.u32 s8, $0x4;
	s24 =	sshll.u32 s8, $0x7  }
0xe: {  	[dreg:$0x6] =	wrdreg s25;
	s9 =	sadd.s32 s26, s1;
	s30 =	sshll.u32 s11, $0x4  }
0xf: {  	s11 =	sshll.u32 s11, $0x7;
	s20 =	sshll.u32 s13, $0x4;
	s13 =	sshll.u32 s13, $0x7  }
0x10: {  	s21 =	sshll.u32 s7, $0x4;
	s7 =	sshll.u32 s7, $0x7;
	s0 =	sadd.s32 s16, s0  }
0x11: {  	s25 =	simm.s32 $0x3;
	s26 =	simm.s32 $0x4100;
	s23 =	sadd.s32 s14, s22  }
0x12: {  	s6 =	sadd.s32 s24, s1;
	s5 =	smax.u32 s5, $0x1;
	s10 =	sadd.s32 s14, s30  }
0x13: {  	s11 =	sadd.s32 s11, s1;
	s12 =	sadd.s32 s14, s20;
	s13 =	sadd.s32 s13, s1  }
0x14: {  	s14 =	sadd.s32 s14, s21;
	s15 =	sadd.s32 s7, s1;
	s16 =	sadd.s32 s4, s17  }
0x15: {  	s4 =	sadd.s32 s19, s4;
	s18 =	sadd.s32 s0, s18;
	s19 =	sadd.s32 s0, s30  }
0x16: {  	s20 =	sadd.s32 s0, s20;
	s21 =	sadd.s32 s0, s21;
	s22 =	sadd.s32 s0, s22  }
0x17: {  	s24 =	simm.s32 $0x100;
	[dreg:$0x4] =	wrdreg s23;
	s31 =	sadd.s32 s2, s4  }
0x18: {  	[dreg:$0x5] =	wrdreg s5;
	s17 =	sadd.s32 $0x10, s16;
	s23 =	sadd.s32 $0x20, s31  }
.LBB2_1:
0x19: {  	s0 =	rddreg [dreg:$0x3]  }
0x1a: {  	[tilespmem:s24], [sflag:$0x3] =	stream.linear.gather [hbm4b:s0+s3], $0x4000, $0x38;
	[tilespmem:$0x1BD00] =	vst v63  }
0x1b: {  	_ =	swait.ge [sflag:s25], $0x4000  }
0x1c: {  	[sflag:s25] =	ssyncset.done $0x0  }
0x1d: {  	s5 =	rddreg [dreg:$0x6];
	[sflag:s25] =	ssyncadd.s32 $0xFFFFC000  }
0x1e: {  	[tilespmem:s26], [sflag:$0x3] =	stream.linear.gather [hbm4b:s5+s3], $0x4000, $0x38;
	[tilespmem:$0x1BD00] =	vst v63  }
0x1f: {  	_ =	swait.ge [sflag:s25], $0x4000  }
0x20: {  	[sflag:s25] =	ssyncset.done $0x0  }
0x21: {  	[sflag:s25] =	ssyncadd.s32 $0xFFFFC000  }
0x22: {  	[spmem:s9] =	stream.linear.scatter [tilespmem:s26], [sflag:$0x3], $0x4000, $0x38;
	[tilespmem:$0x1BD00] =	vst v63  }
0x23: {  	_ =	swait.ge [sflag:s25], $0x4000  }
0x24: {  	[sflag:s25] =	ssyncset.done $0x0  }
0x25: {  	[sflag:s25] =	ssyncadd.s32 $0xFFFFC000  }
0x26: {  	[tilespmem:s26], [sflag:$0x3] =	stream.linear.gather [hbm4b:s10+s3], $0x4000, $0x38;
	[tilespmem:$0x1BD00] =	vst v63  }
0x27: {  	_ =	swait.ge [sflag:s25], $0x4000  }
0x28: {  	[sflag:s25] =	ssyncset.done $0x0  }
0x29: {  	[sflag:s25] =	ssyncadd.s32 $0xFFFFC000  }
0x2a: {  	[spmem:s11] =	stream.linear.scatter [tilespmem:s26], [sflag:$0x3], $0x4000, $0x38;
	[tilespmem:$0x1BD00] =	vst v63  }
0x2b: {  	_ =	swait.ge [sflag:s25], $0x4000  }
0x2c: {  	[sflag:s25] =	ssyncset.done $0x0  }
0x2d: {  	[sflag:s25] =	ssyncadd.s32 $0xFFFFC000  }
0x2e: {  	[tilespmem:s26], [sflag:$0x3] =	stream.linear.gather [hbm4b:s12+s3], $0x4000, $0x38;
	[tilespmem:$0x1BD00] =	vst v63  }
0x2f: {  	_ =	swait.ge [sflag:s25], $0x4000  }
0x30: {  	[sflag:s25] =	ssyncset.done $0x0  }
0x31: {  	[sflag:s25] =	ssyncadd.s32 $0xFFFFC000  }
0x32: {  	[spmem:s13] =	stream.linear.scatter [tilespmem:s26], [sflag:$0x3], $0x4000, $0x38;
	[tilespmem:$0x1BD00] =	vst v63  }
0x33: {  	_ =	swait.ge [sflag:s25], $0x4000  }
0x34: {  	[sflag:s25] =	ssyncset.done $0x0  }
0x35: {  	[sflag:s25] =	ssyncadd.s32 $0xFFFFC000  }
0x36: {  	[tilespmem:s26], [sflag:$0x3] =	stream.linear.gather [hbm4b:s14+s3], $0x4000, $0x38;
	[tilespmem:$0x1BD00] =	vst v63  }
0x37: {  	_ =	swait.ge [sflag:s25], $0x4000  }
0x38: {  	[sflag:s25] =	ssyncset.done $0x0  }
0x39: {  	[sflag:s25] =	ssyncadd.s32 $0xFFFFC000  }
0x3a: {  	[spmem:s15] =	stream.linear.scatter [tilespmem:s26], [sflag:$0x3], $0x4000, $0x38;
	[tilespmem:$0x1BD00] =	vst v63  }
0x3b: {  	_ =	swait.ge [sflag:s25], $0x4000  }
0x3c: {  	[sflag:s25] =	ssyncset.done $0x0  }
0x3d: {  	s7 =	rddreg [dreg:$0x4];
	[sflag:s25] =	ssyncadd.s32 $0xFFFFC000  }
0x3e: {  	[tilespmem:s26], [sflag:$0x3] =	stream.linear.gather [hbm4b:s7+s3], $0x3C00, $0x38;
	[tilespmem:$0x1BD00] =	vst v63  }
0x3f: {  	_ =	swait.ge [sflag:s25], $0x3C00  }
0x40: {  	[sflag:s25] =	ssyncset.done $0x0  }
0x41: {  	[sflag:s25] =	ssyncadd.s32 $0xFFFFC400  }
0x42: {  	[spmem:s6] =	stream.linear.scatter [tilespmem:s26], [sflag:$0x3], $0x3C00, $0x38;
	[tilespmem:$0x1BD00] =	vst v63  }
0x43: {  	_ =	swait.ge [sflag:s25], $0x3C00  }
0x44: {  	[sflag:s25] =	ssyncset.done $0x0  }
0x45: {  	[sflag:s25] =	ssyncadd.s32 $0xFFFFC400  }
0x46: {  	[bflag:$0x0] =	sbarrier.arrive $0xFFFF  }
0x47: {  	[tilespmem:s3], [sflag:$0x3] =	stream.linear.gather [hbm4b:s16+s3], $0x80, $0x38;
	[tilespmem:$0x1BD00] =	vst v63  }
0x48: {  	_ =	swait.ge [sflag:s25], $0x80  }
0x49: {  	[sflag:s25] =	ssyncset.done $0x0  }
0x4a: {  	[sflag:s25] =	ssyncadd.s32 $0xFFFFFF80  }
0x4b: {  	[spmem:s1] =	stream.indirect.scatter.add.f32 [tilespmem:s24], [sflag:$0x1], $0x80, s3, s28, $0xb8;
	[tilespmem:$0x1BD00] =	vst v63  }
0x4c: {  	_ = 	snop  }
0x4d: {  	[tilespmem:s28], [sflag:$0x3] =	stream.linear.gather [hbm4b:s17+s3], $0x80, $0x38;
	[tilespmem:$0x1BD00] =	vst v63  }
0x4e: {  	s8 =	simm.s32 $0x2;
	_ =	swait.ge [sflag:s25], $0x80  }
0x4f: {  	s0 =	sand.u32 $0x1, s8;
	[sflag:s25] =	ssyncset.done $0x0  }
0x50: {  	s30 =	sadd.s32 $0x1, s0;
	[sflag:s25] =	ssyncadd.s32 $0xFFFFFF80  }
0x51: {  	[spmem:s1] =	stream.indirect.scatter.add.f32 [tilespmem:s24], [sflag:$0x2], $0x80, s28, s28, $0xb8;
	[tilespmem:$0x1BD00] =	vst v63  }
0x52: {  	p0 =	por $0x0, $0x0;
	_ =	swait.ge [sflag:s30], $0x4000  }
0x53: {  	s4 =	simm.s32 @!p0 $0x3;
	[sflag:s30] =	ssyncset.done $0x0  }
0x54: {  	s2 =	sshll.u32 @!p0 s0, $0x7;
	s0 =	simm.s32 @!p0 $0x0;
	[sflag:s30] =	ssyncadd.s32 $0xFFFFC000  }
0x55: {  	[tilespmem:s2], [sflag:$0x3] =	stream.linear.gather @!p0 [hbm4b:s23+s0], $0x80, $0x38;
	[tilespmem:$0x1BD00] =	vst v63  }
0x56: {  	s31 =	simm.s32 $0x3;
	s5 =	simm.s32 @!p0 $0x80;
	_ =	swait.ge @!p0 [sflag:s4], $0x80  }
0x57: {  	s7 =	simm.s32 @!p0 $0x100;
	s0 =	sadd.s32 $0x10, s23;
	[sflag:s4] =	ssyncset.done @!p0 $0x0  }
.LBB2_2:
0x58: {  	s8 =	sand.u32 $0x1, s31  }
0x59: {  	[sflag:s4] =	ssyncadd.s32 @!p0 $0xFFFFFF80;
	s4 =	smov.u32 s31;
	s31 =	sadd.s32 $0x1, s31  }
0x5a: {  	[spmem:s1] =	stream.indirect.scatter.add.f32 @!p0 [tilespmem:s7], [sflag:s30], $0x80, s2, s5, $0xb8;
	[tilespmem:$0x1BD00] =	vst v63  }
0x5b: {  	s30 =	sadd.s32 $0x1, s8;
	p1 =	sne.s32 s31, $0x52  }
0x5c: {  	p0 =	sgt.u32 s4, $0x4F;
	_ =	swait.ge [sflag:s30], $0x4000  }
0x5d: {  	s2 =	sshll.u32 @!p0 s8, $0x7;
	[sflag:s30] =	ssyncset.done $0x0  }
.Ltmp0:
0x5e: {  	s4 =	simm.s32 @!p0 $0x0;
	[sflag:s30] =	ssyncadd.s32 $0xFFFFC000;
	(pc) =	sbr.rel @p1 .LBB2_2-.Ltmp0, $4  }
0x5f: {  	[tilespmem:s2], [sflag:$0x3] =	stream.linear.gather @!p0 [hbm4b:s0+s4], $0x80, $0x38;
	[tilespmem:$0x1BD00] =	vst v63  }
0x60: {  	s4 =	simm.s32 @!p0 $0x3  }
0x61: {  	s0 =	sadd.s32 $0x10, s0;
	_ =	swait.ge @!p0 [sflag:s4], $0x80  }
0x62: {  	s5 =	simm.s32 @!p0 $0x80;
	s7 =	simm.s32 @!p0 $0x100;
	[sflag:s4] =	ssyncset.done @!p0 $0x0  }
0x63: {  	[sflag:s4] =	ssyncadd.s32 @!p0 $0xFFFFFF80  }
0x64: {  	[spmem:s1] =	stream.indirect.scatter.add.f32 @!p0 [tilespmem:s7], [sflag:s30], $0x80, s2, s5, $0xb8;
	[tilespmem:$0x1BD00] =	vst v63  }
0x65: {  	[bflag:$0x0] =	sbarrier.arrive $0xFFFF  }
0x66: {  	[tilespmem:s26], [sflag:$0x3] =	stream.linear.gather [spmem:s9], $0x4000, $0x38;
	[tilespmem:$0x1BD00] =	vst v63  }
0x67: {  	_ =	swait.ge [sflag:s25], $0x4000  }
0x68: {  	[sflag:s25] =	ssyncset.done $0x0  }
0x69: {  	[sflag:s25] =	ssyncadd.s32 $0xFFFFC000  }
0x6a: {  	[hbm4b:s18+s3] =	stream.linear.scatter [tilespmem:s26], [sflag:$0x3], $0x4000, $0x38;
	[tilespmem:$0x1BD00] =	vst v63  }
0x6b: {  	_ =	swait.ge [sflag:s25], $0x4000  }
0x6c: {  	[sflag:s25] =	ssyncset.done $0x0  }
0x6d: {  	[sflag:s25] =	ssyncadd.s32 $0xFFFFC000  }
0x6e: {  	[tilespmem:s26], [sflag:$0x3] =	stream.linear.gather [spmem:s11], $0x4000, $0x38;
	[tilespmem:$0x1BD00] =	vst v63  }
0x6f: {  	_ =	swait.ge [sflag:s25], $0x4000  }
0x70: {  	[sflag:s25] =	ssyncset.done $0x0  }
0x71: {  	[sflag:s25] =	ssyncadd.s32 $0xFFFFC000  }
0x72: {  	[hbm4b:s19+s3] =	stream.linear.scatter [tilespmem:s26], [sflag:$0x3], $0x4000, $0x38;
	[tilespmem:$0x1BD00] =	vst v63  }
0x73: {  	_ =	swait.ge [sflag:s25], $0x4000  }
0x74: {  	[sflag:s25] =	ssyncset.done $0x0  }
0x75: {  	[sflag:s25] =	ssyncadd.s32 $0xFFFFC000  }
0x76: {  	[tilespmem:s26], [sflag:$0x3] =	stream.linear.gather [spmem:s13], $0x4000, $0x38;
	[tilespmem:$0x1BD00] =	vst v63  }
0x77: {  	_ =	swait.ge [sflag:s25], $0x4000  }
0x78: {  	[sflag:s25] =	ssyncset.done $0x0  }
0x79: {  	[sflag:s25] =	ssyncadd.s32 $0xFFFFC000  }
0x7a: {  	[hbm4b:s20+s3] =	stream.linear.scatter [tilespmem:s26], [sflag:$0x3], $0x4000, $0x38;
	[tilespmem:$0x1BD00] =	vst v63  }
0x7b: {  	_ =	swait.ge [sflag:s25], $0x4000  }
0x7c: {  	[sflag:s25] =	ssyncset.done $0x0  }
0x7d: {  	[sflag:s25] =	ssyncadd.s32 $0xFFFFC000  }
0x7e: {  	[tilespmem:s26], [sflag:$0x3] =	stream.linear.gather [spmem:s15], $0x4000, $0x38;
	[tilespmem:$0x1BD00] =	vst v63  }
0x7f: {  	_ =	swait.ge [sflag:s25], $0x4000  }
0x80: {  	[sflag:s25] =	ssyncset.done $0x0  }
0x81: {  	[sflag:s25] =	ssyncadd.s32 $0xFFFFC000  }
0x82: {  	[hbm4b:s21+s3] =	stream.linear.scatter [tilespmem:s26], [sflag:$0x3], $0x4000, $0x38;
	[tilespmem:$0x1BD00] =	vst v63  }
0x83: {  	_ =	swait.ge [sflag:s25], $0x4000  }
0x84: {  	[sflag:s25] =	ssyncset.done $0x0  }
0x85: {  	[sflag:s25] =	ssyncadd.s32 $0xFFFFC000  }
0x86: {  	[tilespmem:s26], [sflag:$0x3] =	stream.linear.gather [spmem:s6], $0x3C00, $0x38;
	[tilespmem:$0x1BD00] =	vst v63  }
0x87: {  	_ =	swait.ge [sflag:s25], $0x3C00  }
0x88: {  	[sflag:s25] =	ssyncset.done $0x0  }
0x89: {  	[sflag:s25] =	ssyncadd.s32 $0xFFFFC400  }
0x8a: {  	[hbm4b:s22+s3] =	stream.linear.scatter [tilespmem:s26], [sflag:$0x3], $0x3C00, $0x38;
	[tilespmem:$0x1BD00] =	vst v63  }
0x8b: {  	_ =	swait.ge [sflag:s25], $0x3C00  }
0x8c: {  	s29 =	sadd.s32 $0x1, s29;
	s0 =	rddreg [dreg:$0x5]  }
0x8d: {  	p0 =	sne.s32 s29, s0  }
.Ltmp1:
0x8e: {  	_ = 	snop;
	(pc) =	sbr.rel @p0 .LBB2_1-.Ltmp1, $3  }
0x8f: {  	_ =	sdelay $0x1  }
0x90: {  	[sflag:s25] =	ssyncset.done $0x0  }
0x91: {  	[sflag:s25] =	ssyncadd.s32 $0xFFFFC400  }
0x92: {  	_ =	sfence.sel $0x180000  }
0x93: {  	[bflag:$0x0] =	sbarrier.arrive $0xFFFF  }
0x94: {  	_ =	strace $0x90000047  }
0x95: {  	s0 =	stileid.u32;
	[bflag:$0x2] =	sbarrier.arrive $0xFFFF  }
0x96: {  	p0 =	sne.s32 s0, $0x0;
	s0 =	rddreg [dreg:$0x2]  }
0x97: {  	s0 =	sadd.s32 @!p0 $0x100000, s0  }
0x98: {  	[sflag:s0] =	ssyncadd.tile.s32 @!p0 $0x1;
	_ =	shalt  }
.Lfunc_end2:
_tile_overlayer_lowered:
.L_overlay_start_2:
0x99: {  	(tag) =	ssettag $0x2  }
0x9a: {  	s0 =	rddreg [dreg:$0x0];
	s2 =	stileid.u32  }
0x9b: {  	s1 =	rddreg [dreg:$0x1];
	p0 =	sne.s32 s2, $0x0  }
0x9c: {  	s3 =	rddreg [dreg:$0x2];
	[bflag:$0x3] =	sbarrier.arrive $0xFFFF;
	s2 =	simm.s32 @!p0 $0x1C03  }
0x9d: {  	[timem:s3], [sflag:s2] =	dma.local @!p0 [hbm:s0], s1  }
0x9e: {  	s0 =	simm.s32 @!p0 $0x3  }
0x9f: {  	_ =	swait.ge @!p0 [sflag:s0], s1  }
0xa0: {  	s1 =	ssub.s32 @!p0 $0x0, s1;
	[sflag:s0] =	ssyncset.done @!p0 $0x0  }
0xa1: {  	[sflag:s0] =	ssyncadd.s32 @!p0 s1  }
0xa2: {  	[bflag:$0x3] =	sbarrier.arrive $0xFFFF  }
0xa3: {  	_ =	shalt  }

</sc_bundles>
